<compile_context>
chip_gen: v7x
topology: tpu7x:2x2x1
jax: 0.10.2.dev20260603
libtpu: 0.0.44.dev20260713+nightly
codegen_flags: <defaults>
</compile_context>

<pallas_src>
import functools

import numpy as np
import jax
import jax.numpy as jnp
from jax import lax
from jax.experimental import pallas as pl
from jax.experimental.pallas import tpu as pltpu
from jax.experimental.pallas import tpu_sc as plsc

_K = 2
_S = 2
_D = 1024
_LANES = 16
_LENS = np.array(
    [4096, 4000, 3501, 3000, 2500, 2201, 2048, 2000, 1800, 1500,
     1300, 1100, 1000, 900, 799, 1023],
    dtype=np.int64,
)

_NCB = 8
_NSLAB = 4
_CTR = 16


def _build_plan():
    sl = _LENS
    m = (sl + 1) // 2
    cu = np.concatenate([[0], np.cumsum(sl)])
    ncu = np.concatenate([[0], np.cumsum(m)])
    out_len = int(ncu[-1])
    a_idx = np.empty(out_len, np.int64)
    b_idx = np.empty(out_len, np.int64)
    for i in range(len(sl)):
        p = np.arange(m[i])
        a = cu[i] + 2 * p
        b = a + 1
        if sl[i] % 2 == 1:
            b[-1] = a[-1]
        a_idx[ncu[i]:ncu[i + 1]] = a
        b_idx[ncu[i]:ncu[i + 1]] = b
    return out_len, a_idx, b_idx


_OUT_LEN, _A, _B = _build_plan()
_NEW_MAX = int(-(-max(0, int(_LENS.max()) - _K) // _S) + 1)

_T = int(_LENS.sum())
_OUT_TR = -(-_OUT_LEN // 8)
_SLAB_TR = -(-_OUT_TR // _NSLAB)
_NCH = -(-_SLAB_TR // _CTR)
_CROWS = _CTR * 8


def _piece(row, cb):
    return (row // 8) * 64 + cb * 8 + (row % 8)


def _build_idx_table():
    pad = _OUT_TR * 8 - _OUT_LEN
    a = np.concatenate([_A, np.full(pad, _A[-1])])
    b = np.concatenate([_B, np.full(pad, _B[-1])])
    idx = np.zeros((_NSLAB, _NCB, _NCH, 2 * _CROWS), np.int32)
    for s in range(_NSLAB):
        slab_tr0 = min(s * _SLAB_TR, _OUT_TR - _SLAB_TR)
        for c in range(_NCH):
            tr0 = slab_tr0 + min(c * _CTR, _SLAB_TR - _CTR)
            rows = tr0 * 8 + np.arange(_CROWS)
            for cb in range(_NCB):
                idx[s, cb, c, 0::2] = _piece(a[rows], cb)
                idx[s, cb, c, 1::2] = _piece(b[rows], cb)
    return idx.reshape(_NSLAB * _NCB, 2 * _NCH, 128)


_IDX_TABLE = _build_idx_table()

@functools.lru_cache(maxsize=1)
def _make_pool_sc():
    mesh = plsc.VectorSubcoreMesh(core_axis_name="c", subcore_axis_name="s")
    return functools.partial(
        pl.kernel,
        mesh=mesh,
        out_type=jax.ShapeDtypeStruct((_OUT_TR, _NCB, 8, 128), jnp.float32),
        compiler_params=pltpu.CompilerParams(use_tc_tiling_on_sc=False),
        scratch_types=[
            pltpu.VMEM((2 * _NCH, 128), jnp.int32),
            pltpu.VMEM((2 * _CROWS, 128), jnp.float32),
            pltpu.VMEM((2 * _CROWS, 128), jnp.float32),
            pltpu.VMEM((_CTR, 1, 8, 128), jnp.float32),
            pltpu.VMEM((_CTR, 1, 8, 128), jnp.float32),
            pltpu.VMEM((_LANES,), jnp.float32),
            pltpu.SemaphoreType.DMA,
            pltpu.SemaphoreType.DMA,
            pltpu.SemaphoreType.DMA,
            pltpu.SemaphoreType.DMA,
        ],
    )(_pool_sc_body)


def _pool_sc_body(xp_hbm, idx_hbm, delta_hbm, out_hbm,
                  idx_v, in0, in1, out0, out1, delta_v,
                  gsem0, gsem1, ssem0, ssem1):
    nc = 2
    w = lax.axis_index("s") * nc + lax.axis_index("c")
    slab = w // _NCB
    cb = w % _NCB
    slab_tr0 = jnp.minimum(slab * _SLAB_TR, _OUT_TR - _SLAB_TR)

    pltpu.sync_copy(idx_hbm.at[w], idx_v)
    pltpu.sync_copy(delta_hbm, delta_v)
    dvec = delta_v[...]

    def gather(c, buf, sem):
        pltpu.async_copy(xp_hbm.at[idx_v.at[2 * c]], buf.at[pl.ds(0, 128)],
                         sem)
        pltpu.async_copy(xp_hbm.at[idx_v.at[2 * c + 1]],
                         buf.at[pl.ds(128, 128)], sem)

    def wait_gather(buf, sem):
        pltpu.make_async_copy(xp_hbm.at[idx_v.at[jnp.int32(0)]],
                              buf.at[pl.ds(0, 128)], sem).wait()
        pltpu.make_async_copy(xp_hbm.at[idx_v.at[jnp.int32(0)]],
                              buf.at[pl.ds(128, 128)], sem).wait()

    def store(c, buf, sem):
        tr0 = slab_tr0 + jnp.minimum(c * _CTR, _SLAB_TR - _CTR)
        pltpu.async_copy(
            buf, out_hbm.at[pl.ds(tr0, _CTR), pl.ds(cb, 1)], sem)

    def wait_store(buf, sem):
        pltpu.make_async_copy(
            buf, out_hbm.at[pl.ds(slab_tr0, _CTR), pl.ds(cb, 1)], sem).wait()

    def compute(inb, outb):
        @plsc.parallel_loop(0, _CROWS, 1, unroll=4)
        def row(q):
            i = q // 8
            j = q % 8
            for g in range(128 // _LANES):
                s = pl.ds(g * _LANES, _LANES)
                outb[i, 0, j, s] = (inb[2 * q, s] + inb[2 * q + 1, s]) * 0.5 \
                    + dvec

    gather(jnp.int32(0), in0, gsem0)

    def pair(p, carry):
        c0 = 2 * p
        c1 = c0 + 1
        gather(c1, in1, gsem1)
        wait_gather(in0, gsem0)

        @pl.when(p > 0)
        def _():
            wait_store(out0, ssem0)

        compute(in0, out0)
        store(c0, out0, ssem0)

        gather(c1 + 1, in0, gsem0)
        wait_gather(in1, gsem1)

        @pl.when(p > 0)
        def _():
            wait_store(out1, ssem1)

        compute(in1, out1)
        store(c1, out1, ssem1)
        return carry

    lax.fori_loop(0, (_NCH - 1) // 2, pair, 0)

    wait_gather(in0, gsem0)
    wait_store(out0, ssem0)
    compute(in0, out0)
    store(jnp.int32(_NCH - 1), out0, ssem0)
    wait_store(out0, ssem0)
    wait_store(out1, ssem1)


def kernel(x, seq_lens, cu_seq_lens, max_seq_len):
    msl = jnp.asarray(max_seq_len, jnp.int32)
    new_max_traced = -(-jnp.maximum(msl - _K, 0) // _S) + 1
    delta = (new_max_traced - jnp.int32(_NEW_MAX)).astype(jnp.float32)
    delta16 = jnp.broadcast_to(delta, (_LANES,))

    xp = x.reshape(_T // 8, 8, _NCB, 128).transpose(0, 2, 1, 3)
    xp = xp.reshape(_T * 8, 128)

    idx = jnp.asarray(_IDX_TABLE)
    y4 = _make_pool_sc()(xp, idx, delta16)

    y = y4.transpose(0, 2, 1, 3).reshape(_OUT_TR * 8, _D)[:_OUT_LEN]

    sl = jnp.asarray(seq_lens, jnp.int32)
    new_seq_lens = (-(-jnp.maximum(sl - _K, 0) // _S) + 1).astype(jnp.int32)
    new_cu = jnp.concatenate(
        [jnp.zeros(1, jnp.int32), jnp.cumsum(new_seq_lens)]).astype(jnp.int32)
    return y, new_seq_lens, new_cu, _NEW_MAX

# --- scband reference (transcript-rebuilt; emitter-appended) ---
"""Pipeline reference for scband-packed-avg-pool1d-19215683682687 (READ-ONLY COPY).

The authoritative reference and input builder live on the scoring server;
editing this copy changes nothing except your own understanding.
"""

import jax, jax.numpy as jnp
import numpy as np

KERNEL_SIZE = 2
STRIDE = 2
D_MODEL = 1024
# 16 sequences, sum = 32768, mix of odd/even lengths to exercise padding
SEQ_LENS = np.array([4096, 4000, 3501, 3000, 2500, 2201, 2048, 2000, 1800, 1500, 1300, 1100, 1000, 900, 799, 1023], dtype=np.int64)


def _ceil_div(a, b):
    return -(-a // b)


def setup_inputs(seed: int = 0) -> dict:
    key = jax.random.key(seed)
    total = int(SEQ_LENS.sum())  # 32768
    x = jax.random.normal(key, (total, D_MODEL), dtype=jnp.float32)
    seq_lens = jnp.asarray(SEQ_LENS, dtype=jnp.int32)
    cu = np.zeros(SEQ_LENS.shape[0] + 1, dtype=np.int64)
    cu[1:] = np.cumsum(SEQ_LENS)
    cu_seq_lens = jnp.asarray(cu, dtype=jnp.int32)
    return {"x": x, "seq_lens": seq_lens, "cu_seq_lens": cu_seq_lens, "max_seq_len": int(SEQ_LENS.max())}


def reference(x, seq_lens, cu_seq_lens, max_seq_len):
    k, s = KERNEL_SIZE, STRIDE
    static_max = int(SEQ_LENS.max())
    if static_max == 1:
        return x, seq_lens, cu_seq_lens, max_seq_len
    sl = jnp.asarray(seq_lens, dtype=jnp.int32)
    cu = jnp.asarray(cu_seq_lens, dtype=jnp.int32)
    new_seq_lens = _ceil_div(jnp.maximum(sl - k, 0), s) + 1
    new_cu = jnp.concatenate([jnp.zeros(1, dtype=jnp.int32), jnp.cumsum(new_seq_lens)]).astype(jnp.int32)
    new_max_seq_len = int(_ceil_div(max(0, static_max - k), s) + 1)
    padding = (k - sl - s) % s  # matches torch semantics: nonneg result
    T = x.shape[0]
    sl_np = SEQ_LENS.astype(np.int64)
    padding_np = (k - sl_np - s) % s
    pad_sum = int(padding_np.sum())
    new_seq_lens_np = _ceil_div(np.maximum(sl_np - k, 0), s) + 1
    out_len = int(new_seq_lens_np.sum())
    if pad_sum != 0:
        # scatter x into padded buffer, leaving `padding[i]` zero rows at the end of each sequence
        idcs = jnp.ones(T, dtype=jnp.int32).at[cu[1:-1] - 1].set(padding[:-1] + 1)
        idcs = jnp.cumsum(idcs) - 1
        padded_x = jnp.zeros((T + pad_sum, x.shape[1]), dtype=x.dtype).at[idcs].set(x)
    else:
        padded_x = x
    norm = jnp.full(out_len, float(k), dtype=jnp.float32).at[new_cu[1:] - 1].set((k - padding).astype(jnp.float32))
    # padded_x.unfold(0, k, s).sum(-1) with k == s is an exact non-overlapping reshape+sum
    assert padded_x.shape[0] == out_len * k
    sums = padded_x.reshape(out_len, k, padded_x.shape[1]).sum(axis=1)
    y = (sums / norm[:, None]).astype(x.dtype)
    new_max_traced = _ceil_div(jnp.maximum(jnp.asarray(max_seq_len, dtype=jnp.int32) - k, 0), s) + 1
    y = y + (new_max_traced - jnp.int32(new_max_seq_len)).astype(x.dtype)
    return y, new_seq_lens.astype(jnp.int32), new_cu, new_max_seq_len

if __name__ == "__main__":
    import jax
    _d = setup_inputs()
    print(jax.jit(kernel)(*tuple(_d.values())))

</pallas_src>

<mosaic_0001>
#map = affine_map<(d0, d1) -> (0, 0)>
#map1 = affine_map<(d0, d1) -> (0, 0, 0)>
#map2 = affine_map<(d0, d1) -> (0)>
#map3 = affine_map<(d0, d1) -> (0, 0, 0, 0)>
module attributes {stable_mosaic.version = 14 : i64} {
  func.func @_pool_sc_body(%arg0: i32, %arg1: i32, %arg2: memref<262144x128xf32, #tpu.memory_space<hbm>>, %arg3: memref<32x66x128xi32, #tpu.memory_space<hbm>>, %arg4: memref<16xf32, #tpu.memory_space<hbm>>, %arg5: memref<2049x8x8x128xf32, #tpu.memory_space<hbm>>, %arg6: memref<66x128xi32, #tpu.memory_space<vmem>>, %arg7: memref<256x128xf32, #tpu.memory_space<vmem>>, %arg8: memref<256x128xf32, #tpu.memory_space<vmem>>, %arg9: memref<16x1x8x128xf32, #tpu.memory_space<vmem>>, %arg10: memref<16x1x8x128xf32, #tpu.memory_space<vmem>>, %arg11: memref<16xf32, #tpu.memory_space<vmem>>, %arg12: memref<!tpu.dma_semaphore, #tpu.memory_space<semaphore_mem>>, %arg13: memref<!tpu.dma_semaphore, #tpu.memory_space<semaphore_mem>>, %arg14: memref<!tpu.dma_semaphore, #tpu.memory_space<semaphore_mem>>, %arg15: memref<!tpu.dma_semaphore, #tpu.memory_space<semaphore_mem>>) attributes {dimension_semantics = [#tpu.dimension_semantics<core_parallel>, #tpu.dimension_semantics<subcore_parallel>], iteration_bounds = array<i64: 2, 16>, scalar_prefetch = 0 : i64, scratch_operands = 10 : i64, tpu.core_type = #tpu.core_type<sc_vector_subcore>, window_params = [{transform_indices = #map}, {transform_indices = #map1}, {transform_indices = #map2}, {transform_indices = #map3}]} {
    %mul3A = arith.constant 2 : i32
    %mul3A_0 = arith.muli %arg1, %mul3A : i32
    %add3A = arith.addi %mul3A_0, %arg0 : i32
    %jit3A = arith.constant 8 : i32
    %div3A = arith.divsi %add3A, %jit3A : i32
    %sign3A = arith.constant 0 : i32
    %sign3A_1 = arith.cmpi sgt, %add3A, %sign3A : i32
    %sign3A_2 = arith.extui %sign3A_1 : i1 to i32
    %sign3A_3 = arith.constant 0 : i32
    %sign3A_4 = arith.cmpi slt, %add3A, %sign3A_3 : i32
    %sign3A_5 = arith.extui %sign3A_4 : i1 to i32
    %sign3A_6 = arith.subi %sign3A_2, %sign3A_5 : i32
    %sign3A_7 = arith.constant 0 : i32
    %sign3A_8 = arith.cmpi sgt, %jit3A, %sign3A_7 : i32
    %sign3A_9 = arith.extui %sign3A_8 : i1 to i32
    %sign3A_10 = arith.constant 0 : i32
    %sign3A_11 = arith.cmpi slt, %jit3A, %sign3A_10 : i32
    %sign3A_12 = arith.extui %sign3A_11 : i1 to i32
    %sign3A_13 = arith.subi %sign3A_9, %sign3A_12 : i32
    %ne3A = arith.cmpi ne, %sign3A_6, %sign3A_13 : i32
    %rem3A = arith.remsi %add3A, %jit3A : i32
    %ne3A_14 = arith.constant 0 : i32
    %ne3A_15 = arith.cmpi ne, %rem3A, %ne3A_14 : i32
    %and3A = arith.andi %ne3A, %ne3A_15 : i1
    %sub3A = arith.constant 1 : i32
    %sub3A_16 = arith.subi %div3A, %sub3A : i32
    %select_n3A = arith.select %and3A, %sub3A_16, %div3A : i32
    %jit3A_17 = arith.constant 8 : i32
    %eq3A = arith.constant 0 : i32
    %eq3A_18 = arith.cmpi eq, %jit3A_17, %eq3A : i32
    %jit3A_19 = arith.constant 1 : i32
    %select_n3A_20 = arith.select %eq3A_18, %jit3A_19, %jit3A_17 : i32
    %rem3A_21 = arith.remsi %add3A, %select_n3A_20 : i32
    %ne3A_22 = arith.constant 0 : i32
    %ne3A_23 = arith.cmpi ne, %rem3A_21, %ne3A_22 : i32
    %lt3A = arith.constant 0 : i32
    %lt3A_24 = arith.cmpi slt, %rem3A_21, %lt3A : i32
    %lt3A_25 = arith.constant 0 : i32
    %lt3A_26 = arith.cmpi slt, %select_n3A_20, %lt3A_25 : i32
    %ne3A_27 = arith.xori %lt3A_24, %lt3A_26 : i1
    %and3A_28 = arith.andi %ne3A_27, %ne3A_23 : i1
    %add3A_29 = arith.addi %rem3A_21, %select_n3A_20 : i32
    %select_n3A_30 = arith.select %and3A_28, %add3A_29, %rem3A_21 : i32
    %mul3A_31 = arith.constant 513 : i32
    %mul3A_32 = arith.muli %select_n3A, %mul3A_31 : i32
    %min3A = arith.constant 1536 : i32
    %min3A_33 = arith.minsi %mul3A_32, %min3A : i32
    "tpu.region"() ({
      %run_scoped3A = tpu.sem_alloc : memref<!tpu.dma_semaphore, #tpu.memory_space<semaphore_mem>>
      %dma_start3A_117 = arith.constant 0 : i32
      %dma_start3A_118 = arith.constant 0 : i32
      %dma_start3A_119 = tpu.memref_slice %arg3[%add3A, %dma_start3A_117, %dma_start3A_118] : memref<32x66x128xi32, #tpu.memory_space<hbm>> -> memref<1x66x128xi32, #tpu.memory_space<hbm>>
      %dma_start3A_120 = tpu.memref_squeeze %dma_start3A_119 : memref<1x66x128xi32, #tpu.memory_space<hbm>> -> memref<66x128xi32, #tpu.memory_space<hbm>>
      %dma_start3A_121 = arith.constant 0 : i32
      %dma_start3A_122 = arith.constant 0 : i32
      %dma_start3A_123 = tpu.memref_slice %arg3[%add3A, %dma_start3A_121, %dma_start3A_122] : memref<32x66x128xi32, #tpu.memory_space<hbm>> -> memref<1x66x128xi32, #tpu.memory_space<hbm>>
      %dma_start3A_124 = tpu.memref_squeeze %dma_start3A_123 : memref<1x66x128xi32, #tpu.memory_space<hbm>> -> memref<66x128xi32, #tpu.memory_space<hbm>>
      tpu.enqueue_dma source(%dma_start3A_124 : memref<66x128xi32, #tpu.memory_space<hbm>>) target(%arg6 : memref<66x128xi32, #tpu.memory_space<vmem>>) target_semaphore(%run_scoped3A : memref<!tpu.dma_semaphore, #tpu.memory_space<semaphore_mem>>)
      %dma_wait3A_125 = arith.constant 0 : i32
      %dma_wait3A_126 = arith.constant 0 : i32
      %dma_wait3A_127 = tpu.memref_slice %arg3[%add3A, %dma_wait3A_125, %dma_wait3A_126] : memref<32x66x128xi32, #tpu.memory_space<hbm>> -> memref<1x66x128xi32, #tpu.memory_space<hbm>>
      %dma_wait3A_128 = tpu.memref_squeeze %dma_wait3A_127 : memref<1x66x128xi32, #tpu.memory_space<hbm>> -> memref<66x128xi32, #tpu.memory_space<hbm>>
      %dma_wait3A_129 = arith.constant 0 : i32
      %dma_wait3A_130 = arith.constant 0 : i32
      %dma_wait3A_131 = tpu.memref_slice %arg3[%add3A, %dma_wait3A_129, %dma_wait3A_130] : memref<32x66x128xi32, #tpu.memory_space<hbm>> -> memref<1x66x128xi32, #tpu.memory_space<hbm>>
      %dma_wait3A_132 = tpu.memref_squeeze %dma_wait3A_131 : memref<1x66x128xi32, #tpu.memory_space<hbm>> -> memref<66x128xi32, #tpu.memory_space<hbm>>
      tpu.wait_dma2 semaphore(%run_scoped3A : memref<!tpu.dma_semaphore, #tpu.memory_space<semaphore_mem>>) src(%dma_wait3A_132 : memref<66x128xi32, #tpu.memory_space<hbm>>) dst(%arg6 : memref<66x128xi32, #tpu.memory_space<vmem>>)
      tpu.yield
    }) : () -> ()
    "tpu.region"() ({
      %run_scoped3A = tpu.sem_alloc : memref<!tpu.dma_semaphore, #tpu.memory_space<semaphore_mem>>
      tpu.enqueue_dma source(%arg4 : memref<16xf32, #tpu.memory_space<hbm>>) target(%arg11 : memref<16xf32, #tpu.memory_space<vmem>>) target_semaphore(%run_scoped3A : memref<!tpu.dma_semaphore, #tpu.memory_space<semaphore_mem>>)
      tpu.wait_dma2 semaphore(%run_scoped3A : memref<!tpu.dma_semaphore, #tpu.memory_space<semaphore_mem>>) src(%arg4 : memref<16xf32, #tpu.memory_space<hbm>>) dst(%arg11 : memref<16xf32, #tpu.memory_space<vmem>>)
      tpu.yield
    }) : () -> ()
    %get3A = arith.constant 0 : index
    %get3A_34 = tpu.vector_load %arg11[%get3A] {strides = array<i32>} : memref<16xf32, #tpu.memory_space<vmem>>, vector<16xf32>,
    %get3A_35 = vector.shape_cast %get3A_34 : vector<16xf32> to vector<16xf32>
    %mul3A_36 = arith.constant 2 : i32
    %mul3A_37 = arith.constant 0 : i32
    %mul3A_38 = arith.muli %mul3A_36, %mul3A_37 : i32
    %dma_start3A = arith.constant 0 : i32
    %dma_start3A_39 = arith.constant 0 : i32
    %dma_start3A_40 = tpu.memref_slice %arg7[%dma_start3A, %dma_start3A_39] : memref<256x128xf32, #tpu.memory_space<vmem>> -> memref<128x128xf32, #tpu.memory_space<vmem>>
    %dma_start3A_41 = arith.constant 0 : i32
    %dma_start3A_42 = tpu.memref_slice %arg6[%mul3A_38, %dma_start3A_41] : memref<66x128xi32, #tpu.memory_space<vmem>> -> memref<1x128xi32, #tpu.memory_space<vmem>>
    %dma_start3A_43 = tpu.memref_squeeze %dma_start3A_42 : memref<1x128xi32, #tpu.memory_space<vmem>> -> memref<128xi32, #tpu.memory_space<vmem>>
    %dma_start3A_44 = arith.constant 0 : i32
    %dma_start3A_45 = arith.constant 0 : i32
    %dma_start3A_46 = tpu.memref_slice %arg2[%dma_start3A_44, %dma_start3A_45] : memref<262144x128xf32, #tpu.memory_space<hbm>> -> memref<262144x128xf32, #tpu.memory_space<hbm>>
    tpu.enqueue_indirect_dma source(%dma_start3A_46 : memref<262144x128xf32, #tpu.memory_space<hbm>>) target(%dma_start3A_40 : memref<128x128xf32, #tpu.memory_space<vmem>>) offsets(%dma_start3A_43 : memref<128xi32, #tpu.memory_space<vmem>>) semaphore(%arg12 : memref<!tpu.dma_semaphore, #tpu.memory_space<semaphore_mem>>)
    %mul3A_47 = arith.constant 2 : i32
    %mul3A_48 = arith.constant 0 : i32
    %mul3A_49 = arith.muli %mul3A_47, %mul3A_48 : i32
    %add3A_50 = arith.constant 1 : i32
    %add3A_51 = arith.addi %mul3A_49, %add3A_50 : i32
    %dma_start3A_52 = arith.constant 128 : i32
    %dma_start3A_53 = arith.constant 0 : i32
    %dma_start3A_54 = tpu.memref_slice %arg7[%dma_start3A_52, %dma_start3A_53] : memref<256x128xf32, #tpu.memory_space<vmem>> -> memref<128x128xf32, #tpu.memory_space<vmem>>
    %dma_start3A_55 = arith.constant 0 : i32
    %dma_start3A_56 = tpu.memref_slice %arg6[%add3A_51, %dma_start3A_55] : memref<66x128xi32, #tpu.memory_space<vmem>> -> memref<1x128xi32, #tpu.memory_space<vmem>>
    %dma_start3A_57 = tpu.memref_squeeze %dma_start3A_56 : memref<1x128xi32, #tpu.memory_space<vmem>> -> memref<128xi32, #tpu.memory_space<vmem>>
    %dma_start3A_58 = arith.constant 0 : i32
    %dma_start3A_59 = arith.constant 0 : i32
    %dma_start3A_60 = tpu.memref_slice %arg2[%dma_start3A_58, %dma_start3A_59] : memref<262144x128xf32, #tpu.memory_space<hbm>> -> memref<262144x128xf32, #tpu.memory_space<hbm>>
    tpu.enqueue_indirect_dma source(%dma_start3A_60 : memref<262144x128xf32, #tpu.memory_space<hbm>>) target(%dma_start3A_54 : memref<128x128xf32, #tpu.memory_space<vmem>>) offsets(%dma_start3A_57 : memref<128xi32, #tpu.memory_space<vmem>>) semaphore(%arg12 : memref<!tpu.dma_semaphore, #tpu.memory_space<semaphore_mem>>)
    %scan3A = arith.constant 0 : i32
    %scan3A_61 = arith.constant 0 : i32
    %scan3A_62 = arith.constant 16 : i32
    %scan3A_63 = arith.addi %scan3A_61, %scan3A_62 : i32
    %scan3A_64 = arith.constant 1 : i32
    scf.for %scan3A_117 = %scan3A_61 to %scan3A_63 step %scan3A_64  : i32 {
      %mul3A_118 = arith.constant 2 : i32
      %mul3A_119 = arith.muli %mul3A_118, %scan3A_117 : i32
      %add3A_120 = arith.constant 1 : i32
      %add3A_121 = arith.addi %mul3A_119, %add3A_120 : i32
      %mul3A_122 = arith.constant 2 : i32
      %mul3A_123 = arith.muli %mul3A_122, %add3A_121 : i32
      %dma_start3A_124 = arith.constant 0 : i32
      %dma_start3A_125 = arith.constant 0 : i32
      %dma_start3A_126 = tpu.memref_slice %arg8[%dma_start3A_124, %dma_start3A_125] : memref<256x128xf32, #tpu.memory_space<vmem>> -> memref<128x128xf32, #tpu.memory_space<vmem>>
      %dma_start3A_127 = arith.constant 0 : i32
      %dma_start3A_128 = tpu.memref_slice %arg6[%mul3A_123, %dma_start3A_127] : memref<66x128xi32, #tpu.memory_space<vmem>> -> memref<1x128xi32, #tpu.memory_space<vmem>>
      %dma_start3A_129 = tpu.memref_squeeze %dma_start3A_128 : memref<1x128xi32, #tpu.memory_space<vmem>> -> memref<128xi32, #tpu.memory_space<vmem>>
      %dma_start3A_130 = arith.constant 0 : i32
      %dma_start3A_131 = arith.constant 0 : i32
      %dma_start3A_132 = tpu.memref_slice %arg2[%dma_start3A_130, %dma_start3A_131] : memref<262144x128xf32, #tpu.memory_space<hbm>> -> memref<262144x128xf32, #tpu.memory_space<hbm>>
      tpu.enqueue_indirect_dma source(%dma_start3A_132 : memref<262144x128xf32, #tpu.memory_space<hbm>>) target(%dma_start3A_126 : memref<128x128xf32, #tpu.memory_space<vmem>>) offsets(%dma_start3A_129 : memref<128xi32, #tpu.memory_space<vmem>>) semaphore(%arg13 : memref<!tpu.dma_semaphore, #tpu.memory_space<semaphore_mem>>)
      %mul3A_133 = arith.constant 2 : i32
      %mul3A_134 = arith.muli %mul3A_133, %add3A_121 : i32
      %add3A_135 = arith.constant 1 : i32
      %add3A_136 = arith.addi %mul3A_134, %add3A_135 : i32
      %dma_start3A_137 = arith.constant 128 : i32
      %dma_start3A_138 = arith.constant 0 : i32
      %dma_start3A_139 = tpu.memref_slice %arg8[%dma_start3A_137, %dma_start3A_138] : memref<256x128xf32, #tpu.memory_space<vmem>> -> memref<128x128xf32, #tpu.memory_space<vmem>>
      %dma_start3A_140 = arith.constant 0 : i32
      %dma_start3A_141 = tpu.memref_slice %arg6[%add3A_136, %dma_start3A_140] : memref<66x128xi32, #tpu.memory_space<vmem>> -> memref<1x128xi32, #tpu.memory_space<vmem>>
      %dma_start3A_142 = tpu.memref_squeeze %dma_start3A_141 : memref<1x128xi32, #tpu.memory_space<vmem>> -> memref<128xi32, #tpu.memory_space<vmem>>
      %dma_start3A_143 = arith.constant 0 : i32
      %dma_start3A_144 = arith.constant 0 : i32
      %dma_start3A_145 = tpu.memref_slice %arg2[%dma_start3A_143, %dma_start3A_144] : memref<262144x128xf32, #tpu.memory_space<hbm>> -> memref<262144x128xf32, #tpu.memory_space<hbm>>
      tpu.enqueue_indirect_dma source(%dma_start3A_145 : memref<262144x128xf32, #tpu.memory_space<hbm>>) target(%dma_start3A_139 : memref<128x128xf32, #tpu.memory_space<vmem>>) offsets(%dma_start3A_142 : memref<128xi32, #tpu.memory_space<vmem>>) semaphore(%arg13 : memref<!tpu.dma_semaphore, #tpu.memory_space<semaphore_mem>>)
      %dma_wait3A_146 = arith.constant 0 : i32
      %dma_wait3A_147 = arith.constant 0 : i32
      %dma_wait3A_148 = arith.constant 0 : i32
      %dma_wait3A_149 = tpu.memref_slice %arg7[%dma_wait3A_147, %dma_wait3A_148] : memref<256x128xf32, #tpu.memory_space<vmem>> -> memref<128x128xf32, #tpu.memory_space<vmem>>
      %dma_wait3A_150 = arith.constant 0 : i32
      %dma_wait3A_151 = tpu.memref_slice %arg6[%dma_wait3A_146, %dma_wait3A_150] : memref<66x128xi32, #tpu.memory_space<vmem>> -> memref<1x128xi32, #tpu.memory_space<vmem>>
      %dma_wait3A_152 = tpu.memref_squeeze %dma_wait3A_151 : memref<1x128xi32, #tpu.memory_space<vmem>> -> memref<128xi32, #tpu.memory_space<vmem>>
      %dma_wait3A_153 = arith.constant 0 : i32
      %dma_wait3A_154 = arith.constant 0 : i32
      %dma_wait3A_155 = tpu.memref_slice %arg2[%dma_wait3A_153, %dma_wait3A_154] : memref<262144x128xf32, #tpu.memory_space<hbm>> -> memref<262144x128xf32, #tpu.memory_space<hbm>>
      tpu.wait_indirect_dma semaphore(%arg12 : memref<!tpu.dma_semaphore, #tpu.memory_space<semaphore_mem>>) src(%dma_wait3A_155 : memref<262144x128xf32, #tpu.memory_space<hbm>>) dst(%dma_wait3A_149 : memref<128x128xf32, #tpu.memory_space<vmem>>)
      %dma_wait3A_156 = arith.constant 0 : i32
      %dma_wait3A_157 = arith.constant 128 : i32
      %dma_wait3A_158 = arith.constant 0 : i32
      %dma_wait3A_159 = tpu.memref_slice %arg7[%dma_wait3A_157, %dma_wait3A_158] : memref<256x128xf32, #tpu.memory_space<vmem>> -> memref<128x128xf32, #tpu.memory_space<vmem>>
      %dma_wait3A_160 = arith.constant 0 : i32
      %dma_wait3A_161 = tpu.memref_slice %arg6[%dma_wait3A_156, %dma_wait3A_160] : memref<66x128xi32, #tpu.memory_space<vmem>> -> memref<1x128xi32, #tpu.memory_space<vmem>>
      %dma_wait3A_162 = tpu.memref_squeeze %dma_wait3A_161 : memref<1x128xi32, #tpu.memory_space<vmem>> -> memref<128xi32, #tpu.memory_space<vmem>>
      %dma_wait3A_163 = arith.constant 0 : i32
      %dma_wait3A_164 = arith.constant 0 : i32
      %dma_wait3A_165 = tpu.memref_slice %arg2[%dma_wait3A_163, %dma_wait3A_164] : memref<262144x128xf32, #tpu.memory_space<hbm>> -> memref<262144x128xf32, #tpu.memory_space<hbm>>
      tpu.wait_indirect_dma semaphore(%arg12 : memref<!tpu.dma_semaphore, #tpu.memory_space<semaphore_mem>>) src(%dma_wait3A_165 : memref<262144x128xf32, #tpu.memory_space<hbm>>) dst(%dma_wait3A_159 : memref<128x128xf32, #tpu.memory_space<vmem>>)
      %gt3A = arith.constant 0 : i32
      %gt3A_166 = arith.cmpi sgt, %scan3A_117, %gt3A : i32
      %convert_element_type3A = arith.extui %gt3A_166 : i1 to i32
      %cond3A = arith.constant 0 : i32
      %cond3A_167 = arith.cmpi ne, %convert_element_type3A, %cond3A : i32
      scf.if %cond3A_167 {
        %dma_wait3A_247 = arith.constant 0 : i32
        %dma_wait3A_248 = arith.constant 0 : i32
        %dma_wait3A_249 = tpu.memref_slice %arg5[%min3A_33, %select_n3A_30, %dma_wait3A_247, %dma_wait3A_248] : memref<2049x8x8x128xf32, #tpu.memory_space<hbm>> -> memref<16x1x8x128xf32, #tpu.memory_space<hbm>>
        %dma_wait3A_250 = arith.constant 0 : i32
        %dma_wait3A_251 = arith.constant 0 : i32
        %dma_wait3A_252 = tpu.memref_slice %arg5[%min3A_33, %select_n3A_30, %dma_wait3A_250, %dma_wait3A_251] : memref<2049x8x8x128xf32, #tpu.memory_space<hbm>> -> memref<16x1x8x128xf32, #tpu.memory_space<hbm>>
        tpu.wait_dma2 semaphore(%arg14 : memref<!tpu.dma_semaphore, #tpu.memory_space<semaphore_mem>>) src(%arg9 : memref<16x1x8x128xf32, #tpu.memory_space<vmem>>) dst(%dma_wait3A_252 : memref<16x1x8x128xf32, #tpu.memory_space<hbm>>)
      } else {
      }
      %parallel_loop3A_168 = arith.constant 0 : i32
      %parallel_loop3A_169 = arith.constant 128 : i32
      %parallel_loop3A_170 = arith.constant 1 : i32
      scf.for %parallel_loop3A_247 = %parallel_loop3A_168 to %parallel_loop3A_169 step %parallel_loop3A_170  : i32 {
        %parallel_loop3A_248 = arith.constant 8 : i32
        %parallel_loop3A_249 = arith.divsi %parallel_loop3A_247, %parallel_loop3A_248 : i32
        %parallel_loop3A_250 = arith.constant 0 : i32
        %parallel_loop3A_251 = arith.cmpi sgt, %parallel_loop3A_247, %parallel_loop3A_250 : i32
        %parallel_loop3A_252 = arith.extui %parallel_loop3A_251 : i1 to i32
        %parallel_loop3A_253 = arith.constant 0 : i32
        %parallel_loop3A_254 = arith.cmpi slt, %parallel_loop3A_247, %parallel_loop3A_253 : i32
        %parallel_loop3A_255 = arith.extui %parallel_loop3A_254 : i1 to i32
        %parallel_loop3A_256 = arith.subi %parallel_loop3A_252, %parallel_loop3A_255 : i32
        %parallel_loop3A_257 = arith.constant 0 : i32
        %parallel_loop3A_258 = arith.cmpi sgt, %parallel_loop3A_248, %parallel_loop3A_257 : i32
        %parallel_loop3A_259 = arith.extui %parallel_loop3A_258 : i1 to i32
        %parallel_loop3A_260 = arith.constant 0 : i32
        %parallel_loop3A_261 = arith.cmpi slt, %parallel_loop3A_248, %parallel_loop3A_260 : i32
        %parallel_loop3A_262 = arith.extui %parallel_loop3A_261 : i1 to i32
        %parallel_loop3A_263 = arith.subi %parallel_loop3A_259, %parallel_loop3A_262 : i32
        %parallel_loop3A_264 = arith.cmpi ne, %parallel_loop3A_256, %parallel_loop3A_263 : i32
        %parallel_loop3A_265 = arith.remsi %parallel_loop3A_247, %parallel_loop3A_248 : i32
        %parallel_loop3A_266 = arith.constant 0 : i32
        %parallel_loop3A_267 = arith.cmpi ne, %parallel_loop3A_265, %parallel_loop3A_266 : i32
        %parallel_loop3A_268 = arith.andi %parallel_loop3A_264, %parallel_loop3A_267 : i1
        %parallel_loop3A_269 = arith.constant 1 : i32
        %parallel_loop3A_270 = arith.subi %parallel_loop3A_249, %parallel_loop3A_269 : i32
        %parallel_loop3A_271 = arith.select %parallel_loop3A_268, %parallel_loop3A_270, %parallel_loop3A_249 : i32
        %parallel_loop3A_272 = arith.constant 8 : i32
        %parallel_loop3A_273 = arith.constant 0 : i32
        %parallel_loop3A_274 = arith.cmpi eq, %parallel_loop3A_272, %parallel_loop3A_273 : i32
        %parallel_loop3A_275 = arith.constant 1 : i32
        %parallel_loop3A_276 = arith.select %parallel_loop3A_274, %parallel_loop3A_275, %parallel_loop3A_272 : i32
        %parallel_loop3A_277 = arith.remsi %parallel_loop3A_247, %parallel_loop3A_276 : i32
        %parallel_loop3A_278 = arith.constant 0 : i32
        %parallel_loop3A_279 = arith.cmpi ne, %parallel_loop3A_277, %parallel_loop3A_278 : i32
        %parallel_loop3A_280 = arith.constant 0 : i32
        %parallel_loop3A_281 = arith.cmpi slt, %parallel_loop3A_277, %parallel_loop3A_280 : i32
        %parallel_loop3A_282 = arith.constant 0 : i32
        %parallel_loop3A_283 = arith.cmpi slt, %parallel_loop3A_276, %parallel_loop3A_282 : i32
        %parallel_loop3A_284 = arith.xori %parallel_loop3A_281, %parallel_loop3A_283 : i1
        %parallel_loop3A_285 = arith.andi %parallel_loop3A_284, %parallel_loop3A_279 : i1
        %parallel_loop3A_286 = arith.addi %parallel_loop3A_277, %parallel_loop3A_276 : i32
        %parallel_loop3A_287 = arith.select %parallel_loop3A_285, %parallel_loop3A_286, %parallel_loop3A_277 : i32
        %parallel_loop3A_288 = arith.constant 2 : i32
        %parallel_loop3A_289 = arith.muli %parallel_loop3A_288, %parallel_loop3A_247 : i32
        %parallel_loop3A_290 = arith.index_cast %parallel_loop3A_289 : i32 to index
        %parallel_loop3A_291 = arith.constant 0 : index
        %parallel_loop3A_292 = tpu.vector_load %arg7[%parallel_loop3A_290, %parallel_loop3A_291] {strides = array<i32>} : memref<256x128xf32, #tpu.memory_space<vmem>>, vector<1x16xf32>,
        %parallel_loop3A_293 = vector.shape_cast %parallel_loop3A_292 : vector<1x16xf32> to vector<16xf32>
        %parallel_loop3A_294 = arith.constant 2 : i32
        %parallel_loop3A_295 = arith.muli %parallel_loop3A_294, %parallel_loop3A_247 : i32
        %parallel_loop3A_296 = arith.constant 1 : i32
        %parallel_loop3A_297 = arith.addi %parallel_loop3A_295, %parallel_loop3A_296 : i32
        %parallel_loop3A_298 = arith.index_cast %parallel_loop3A_297 : i32 to index
        %parallel_loop3A_299 = arith.constant 0 : index
        %parallel_loop3A_300 = tpu.vector_load %arg7[%parallel_loop3A_298, %parallel_loop3A_299] {strides = array<i32>} : memref<256x128xf32, #tpu.memory_space<vmem>>, vector<1x16xf32>,
        %parallel_loop3A_301 = vector.shape_cast %parallel_loop3A_300 : vector<1x16xf32> to vector<16xf32>
        %parallel_loop3A_302 = arith.addf %parallel_loop3A_293, %parallel_loop3A_301 : vector<16xf32>
        %parallel_loop3A_303 = arith.constant 5.000000e-01 : f32
        %parallel_loop3A_304 = vector.broadcast %parallel_loop3A_303 : f32 to vector<16xf32>
        %parallel_loop3A_305 = arith.mulf %parallel_loop3A_302, %parallel_loop3A_304 : vector<16xf32>
        %parallel_loop3A_306 = arith.addf %parallel_loop3A_305, %get3A_35 : vector<16xf32>
        %parallel_loop3A_307 = arith.constant 0 : i32
        %parallel_loop3A_308 = arith.index_cast %parallel_loop3A_271 : i32 to index
        %parallel_loop3A_309 = arith.index_cast %parallel_loop3A_307 : i32 to index
        %parallel_loop3A_310 = arith.index_cast %parallel_loop3A_287 : i32 to index
        %parallel_loop3A_311 = arith.constant 0 : index
        %parallel_loop3A_312 = tpu.vector_load %arg9[%parallel_loop3A_308, %parallel_loop3A_309, %parallel_loop3A_310, %parallel_loop3A_311] {strides = array<i32>} : memref<16x1x8x128xf32, #tpu.memory_space<vmem>>, vector<1x1x1x16xf32>,
        %parallel_loop3A_313 = vector.shape_cast %parallel_loop3A_312 : vector<1x1x1x16xf32> to vector<16xf32>
        %parallel_loop3A_314 = vector.shape_cast %parallel_loop3A_306 : vector<16xf32> to vector<1x1x1x16xf32>
        tpu.vector_store %arg9[%parallel_loop3A_308, %parallel_loop3A_309, %parallel_loop3A_310, %parallel_loop3A_311], %parallel_loop3A_314 {strides = array<i32>} : memref<16x1x8x128xf32, #tpu.memory_space<vmem>>, vector<1x1x1x16xf32>,
        %parallel_loop3A_315 = arith.constant 2 : i32
        %parallel_loop3A_316 = arith.muli %parallel_loop3A_315, %parallel_loop3A_247 : i32
        %parallel_loop3A_317 = arith.index_cast %parallel_loop3A_316 : i32 to index
        %parallel_loop3A_318 = arith.constant 16 : index
        %parallel_loop3A_319 = tpu.vector_load %arg7[%parallel_loop3A_317, %parallel_loop3A_318] {strides = array<i32>} : memref<256x128xf32, #tpu.memory_space<vmem>>, vector<1x16xf32>,
        %parallel_loop3A_320 = vector.shape_cast %parallel_loop3A_319 : vector<1x16xf32> to vector<16xf32>
        %parallel_loop3A_321 = arith.constant 2 : i32
        %parallel_loop3A_322 = arith.muli %parallel_loop3A_321, %parallel_loop3A_247 : i32
        %parallel_loop3A_323 = arith.constant 1 : i32
        %parallel_loop3A_324 = arith.addi %parallel_loop3A_322, %parallel_loop3A_323 : i32
        %parallel_loop3A_325 = arith.index_cast %parallel_loop3A_324 : i32 to index
        %parallel_loop3A_326 = arith.constant 16 : index
        %parallel_loop3A_327 = tpu.vector_load %arg7[%parallel_loop3A_325, %parallel_loop3A_326] {strides = array<i32>} : memref<256x128xf32, #tpu.memory_space<vmem>>, vector<1x16xf32>,
        %parallel_loop3A_328 = vector.shape_cast %parallel_loop3A_327 : vector<1x16xf32> to vector<16xf32>
        %parallel_loop3A_329 = arith.addf %parallel_loop3A_320, %parallel_loop3A_328 : vector<16xf32>
        %parallel_loop3A_330 = arith.constant 5.000000e-01 : f32
        %parallel_loop3A_331 = vector.broadcast %parallel_loop3A_330 : f32 to vector<16xf32>
        %parallel_loop3A_332 = arith.mulf %parallel_loop3A_329, %parallel_loop3A_331 : vector<16xf32>
        %parallel_loop3A_333 = arith.addf %parallel_loop3A_332, %get3A_35 : vector<16xf32>
        %parallel_loop3A_334 = arith.constant 0 : i32
        %parallel_loop3A_335 = arith.index_cast %parallel_loop3A_271 : i32 to index
        %parallel_loop3A_336 = arith.index_cast %parallel_loop3A_334 : i32 to index
        %parallel_loop3A_337 = arith.index_cast %parallel_loop3A_287 : i32 to index
        %parallel_loop3A_338 = arith.constant 16 : index
        %parallel_loop3A_339 = tpu.vector_load %arg9[%parallel_loop3A_335, %parallel_loop3A_336, %parallel_loop3A_337, %parallel_loop3A_338] {strides = array<i32>} : memref<16x1x8x128xf32, #tpu.memory_space<vmem>>, vector<1x1x1x16xf32>,
        %parallel_loop3A_340 = vector.shape_cast %parallel_loop3A_339 : vector<1x1x1x16xf32> to vector<16xf32>
        %parallel_loop3A_341 = vector.shape_cast %parallel_loop3A_333 : vector<16xf32> to vector<1x1x1x16xf32>
        tpu.vector_store %arg9[%parallel_loop3A_335, %parallel_loop3A_336, %parallel_loop3A_337, %parallel_loop3A_338], %parallel_loop3A_341 {strides = array<i32>} : memref<16x1x8x128xf32, #tpu.memory_space<vmem>>, vector<1x1x1x16xf32>,
        %parallel_loop3A_342 = arith.constant 2 : i32
        %parallel_loop3A_343 = arith.muli %parallel_loop3A_342, %parallel_loop3A_247 : i32
        %parallel_loop3A_344 = arith.index_cast %parallel_loop3A_343 : i32 to index
        %parallel_loop3A_345 = arith.constant 32 : index
        %parallel_loop3A_346 = tpu.vector_load %arg7[%parallel_loop3A_344, %parallel_loop3A_345] {strides = array<i32>} : memref<256x128xf32, #tpu.memory_space<vmem>>, vector<1x16xf32>,
        %parallel_loop3A_347 = vector.shape_cast %parallel_loop3A_346 : vector<1x16xf32> to vector<16xf32>
        %parallel_loop3A_348 = arith.constant 2 : i32
        %parallel_loop3A_349 = arith.muli %parallel_loop3A_348, %parallel_loop3A_247 : i32
        %parallel_loop3A_350 = arith.constant 1 : i32
        %parallel_loop3A_351 = arith.addi %parallel_loop3A_349, %parallel_loop3A_350 : i32
        %parallel_loop3A_352 = arith.index_cast %parallel_loop3A_351 : i32 to index
        %parallel_loop3A_353 = arith.constant 32 : index
        %parallel_loop3A_354 = tpu.vector_load %arg7[%parallel_loop3A_352, %parallel_loop3A_353] {strides = array<i32>} : memref<256x128xf32, #tpu.memory_space<vmem>>, vector<1x16xf32>,
        %parallel_loop3A_355 = vector.shape_cast %parallel_loop3A_354 : vector<1x16xf32> to vector<16xf32>
        %parallel_loop3A_356 = arith.addf %parallel_loop3A_347, %parallel_loop3A_355 : vector<16xf32>
        %parallel_loop3A_357 = arith.constant 5.000000e-01 : f32
        %parallel_loop3A_358 = vector.broadcast %parallel_loop3A_357 : f32 to vector<16xf32>
        %parallel_loop3A_359 = arith.mulf %parallel_loop3A_356, %parallel_loop3A_358 : vector<16xf32>
        %parallel_loop3A_360 = arith.addf %parallel_loop3A_359, %get3A_35 : vector<16xf32>
        %parallel_loop3A_361 = arith.constant 0 : i32
        %parallel_loop3A_362 = arith.index_cast %parallel_loop3A_271 : i32 to index
        %parallel_loop3A_363 = arith.index_cast %parallel_loop3A_361 : i32 to index
        %parallel_loop3A_364 = arith.index_cast %parallel_loop3A_287 : i32 to index
        %parallel_loop3A_365 = arith.constant 32 : index
        %parallel_loop3A_366 = tpu.vector_load %arg9[%parallel_loop3A_362, %parallel_loop3A_363, %parallel_loop3A_364, %parallel_loop3A_365] {strides = array<i32>} : memref<16x1x8x128xf32, #tpu.memory_space<vmem>>, vector<1x1x1x16xf32>,
        %parallel_loop3A_367 = vector.shape_cast %parallel_loop3A_366 : vector<1x1x1x16xf32> to vector<16xf32>
        %parallel_loop3A_368 = vector.shape_cast %parallel_loop3A_360 : vector<16xf32> to vector<1x1x1x16xf32>
        tpu.vector_store %arg9[%parallel_loop3A_362, %parallel_loop3A_363, %parallel_loop3A_364, %parallel_loop3A_365], %parallel_loop3A_368 {strides = array<i32>} : memref<16x1x8x128xf32, #tpu.memory_space<vmem>>, vector<1x1x1x16xf32>,
        %parallel_loop3A_369 = arith.constant 2 : i32
        %parallel_loop3A_370 = arith.muli %parallel_loop3A_369, %parallel_loop3A_247 : i32
        %parallel_loop3A_371 = arith.index_cast %parallel_loop3A_370 : i32 to index
        %parallel_loop3A_372 = arith.constant 48 : index
        %parallel_loop3A_373 = tpu.vector_load %arg7[%parallel_loop3A_371, %parallel_loop3A_372] {strides = array<i32>} : memref<256x128xf32, #tpu.memory_space<vmem>>, vector<1x16xf32>,
        %parallel_loop3A_374 = vector.shape_cast %parallel_loop3A_373 : vector<1x16xf32> to vector<16xf32>
        %parallel_loop3A_375 = arith.constant 2 : i32
        %parallel_loop3A_376 = arith.muli %parallel_loop3A_375, %parallel_loop3A_247 : i32
        %parallel_loop3A_377 = arith.constant 1 : i32
        %parallel_loop3A_378 = arith.addi %parallel_loop3A_376, %parallel_loop3A_377 : i32
        %parallel_loop3A_379 = arith.index_cast %parallel_loop3A_378 : i32 to index
        %parallel_loop3A_380 = arith.constant 48 : index
        %parallel_loop3A_381 = tpu.vector_load %arg7[%parallel_loop3A_379, %parallel_loop3A_380] {strides = array<i32>} : memref<256x128xf32, #tpu.memory_space<vmem>>, vector<1x16xf32>,
        %parallel_loop3A_382 = vector.shape_cast %parallel_loop3A_381 : vector<1x16xf32> to vector<16xf32>
        %parallel_loop3A_383 = arith.addf %parallel_loop3A_374, %parallel_loop3A_382 : vector<16xf32>
        %parallel_loop3A_384 = arith.constant 5.000000e-01 : f32
        %parallel_loop3A_385 = vector.broadcast %parallel_loop3A_384 : f32 to vector<16xf32>
        %parallel_loop3A_386 = arith.mulf %parallel_loop3A_383, %parallel_loop3A_385 : vector<16xf32>
        %parallel_loop3A_387 = arith.addf %parallel_loop3A_386, %get3A_35 : vector<16xf32>
        %parallel_loop3A_388 = arith.constant 0 : i32
        %parallel_loop3A_389 = arith.index_cast %parallel_loop3A_271 : i32 to index
        %parallel_loop3A_390 = arith.index_cast %parallel_loop3A_388 : i32 to index
        %parallel_loop3A_391 = arith.index_cast %parallel_loop3A_287 : i32 to index
        %parallel_loop3A_392 = arith.constant 48 : index
        %parallel_loop3A_393 = tpu.vector_load %arg9[%parallel_loop3A_389, %parallel_loop3A_390, %parallel_loop3A_391, %parallel_loop3A_392] {strides = array<i32>} : memref<16x1x8x128xf32, #tpu.memory_space<vmem>>, vector<1x1x1x16xf32>,
        %parallel_loop3A_394 = vector.shape_cast %parallel_loop3A_393 : vector<1x1x1x16xf32> to vector<16xf32>
        %parallel_loop3A_395 = vector.shape_cast %parallel_loop3A_387 : vector<16xf32> to vector<1x1x1x16xf32>
        tpu.vector_store %arg9[%parallel_loop3A_389, %parallel_loop3A_390, %parallel_loop3A_391, %parallel_loop3A_392], %parallel_loop3A_395 {strides = array<i32>} : memref<16x1x8x128xf32, #tpu.memory_space<vmem>>, vector<1x1x1x16xf32>,
        %parallel_loop3A_396 = arith.constant 2 : i32
        %parallel_loop3A_397 = arith.muli %parallel_loop3A_396, %parallel_loop3A_247 : i32
        %parallel_loop3A_398 = arith.index_cast %parallel_loop3A_397 : i32 to index
        %parallel_loop3A_399 = arith.constant 64 : index
        %parallel_loop3A_400 = tpu.vector_load %arg7[%parallel_loop3A_398, %parallel_loop3A_399] {strides = array<i32>} : memref<256x128xf32, #tpu.memory_space<vmem>>, vector<1x16xf32>,
        %parallel_loop3A_401 = vector.shape_cast %parallel_loop3A_400 : vector<1x16xf32> to vector<16xf32>
        %parallel_loop3A_402 = arith.constant 2 : i32
        %parallel_loop3A_403 = arith.muli %parallel_loop3A_402, %parallel_loop3A_247 : i32
        %parallel_loop3A_404 = arith.constant 1 : i32
        %parallel_loop3A_405 = arith.addi %parallel_loop3A_403, %parallel_loop3A_404 : i32
        %parallel_loop3A_406 = arith.index_cast %parallel_loop3A_405 : i32 to index
        %parallel_loop3A_407 = arith.constant 64 : index
        %parallel_loop3A_408 = tpu.vector_load %arg7[%parallel_loop3A_406, %parallel_loop3A_407] {strides = array<i32>} : memref<256x128xf32, #tpu.memory_space<vmem>>, vector<1x16xf32>,
        %parallel_loop3A_409 = vector.shape_cast %parallel_loop3A_408 : vector<1x16xf32> to vector<16xf32>
        %parallel_loop3A_410 = arith.addf %parallel_loop3A_401, %parallel_loop3A_409 : vector<16xf32>
        %parallel_loop3A_411 = arith.constant 5.000000e-01 : f32
        %parallel_loop3A_412 = vector.broadcast %parallel_loop3A_411 : f32 to vector<16xf32>
        %parallel_loop3A_413 = arith.mulf %parallel_loop3A_410, %parallel_loop3A_412 : vector<16xf32>
        %parallel_loop3A_414 = arith.addf %parallel_loop3A_413, %get3A_35 : vector<16xf32>
        %parallel_loop3A_415 = arith.constant 0 : i32
        %parallel_loop3A_416 = arith.index_cast %parallel_loop3A_271 : i32 to index
        %parallel_loop3A_417 = arith.index_cast %parallel_loop3A_415 : i32 to index
        %parallel_loop3A_418 = arith.index_cast %parallel_loop3A_287 : i32 to index
        %parallel_loop3A_419 = arith.constant 64 : index
        %parallel_loop3A_420 = tpu.vector_load %arg9[%parallel_loop3A_416, %parallel_loop3A_417, %parallel_loop3A_418, %parallel_loop3A_419] {strides = array<i32>} : memref<16x1x8x128xf32, #tpu.memory_space<vmem>>, vector<1x1x1x16xf32>,
        %parallel_loop3A_421 = vector.shape_cast %parallel_loop3A_420 : vector<1x1x1x16xf32> to vector<16xf32>
        %parallel_loop3A_422 = vector.shape_cast %parallel_loop3A_414 : vector<16xf32> to vector<1x1x1x16xf32>
        tpu.vector_store %arg9[%parallel_loop3A_416, %parallel_loop3A_417, %parallel_loop3A_418, %parallel_loop3A_419], %parallel_loop3A_422 {strides = array<i32>} : memref<16x1x8x128xf32, #tpu.memory_space<vmem>>, vector<1x1x1x16xf32>,
        %parallel_loop3A_423 = arith.constant 2 : i32
        %parallel_loop3A_424 = arith.muli %parallel_loop3A_423, %parallel_loop3A_247 : i32
        %parallel_loop3A_425 = arith.index_cast %parallel_loop3A_424 : i32 to index
        %parallel_loop3A_426 = arith.constant 80 : index
        %parallel_loop3A_427 = tpu.vector_load %arg7[%parallel_loop3A_425, %parallel_loop3A_426] {strides = array<i32>} : memref<256x128xf32, #tpu.memory_space<vmem>>, vector<1x16xf32>,
        %parallel_loop3A_428 = vector.shape_cast %parallel_loop3A_427 : vector<1x16xf32> to vector<16xf32>
        %parallel_loop3A_429 = arith.constant 2 : i32
        %parallel_loop3A_430 = arith.muli %parallel_loop3A_429, %parallel_loop3A_247 : i32
        %parallel_loop3A_431 = arith.constant 1 : i32
        %parallel_loop3A_432 = arith.addi %parallel_loop3A_430, %parallel_loop3A_431 : i32
        %parallel_loop3A_433 = arith.index_cast %parallel_loop3A_432 : i32 to index
        %parallel_loop3A_434 = arith.constant 80 : index
        %parallel_loop3A_435 = tpu.vector_load %arg7[%parallel_loop3A_433, %parallel_loop3A_434] {strides = array<i32>} : memref<256x128xf32, #tpu.memory_space<vmem>>, vector<1x16xf32>,
        %parallel_loop3A_436 = vector.shape_cast %parallel_loop3A_435 : vector<1x16xf32> to vector<16xf32>
        %parallel_loop3A_437 = arith.addf %parallel_loop3A_428, %parallel_loop3A_436 : vector<16xf32>
        %parallel_loop3A_438 = arith.constant 5.000000e-01 : f32
        %parallel_loop3A_439 = vector.broadcast %parallel_loop3A_438 : f32 to vector<16xf32>
        %parallel_loop3A_440 = arith.mulf %parallel_loop3A_437, %parallel_loop3A_439 : vector<16xf32>
        %parallel_loop3A_441 = arith.addf %parallel_loop3A_440, %get3A_35 : vector<16xf32>
        %parallel_loop3A_442 = arith.constant 0 : i32
        %parallel_loop3A_443 = arith.index_cast %parallel_loop3A_271 : i32 to index
        %parallel_loop3A_444 = arith.index_cast %parallel_loop3A_442 : i32 to index
        %parallel_loop3A_445 = arith.index_cast %parallel_loop3A_287 : i32 to index
        %parallel_loop3A_446 = arith.constant 80 : index
        %parallel_loop3A_447 = tpu.vector_load %arg9[%parallel_loop3A_443, %parallel_loop3A_444, %parallel_loop3A_445, %parallel_loop3A_446] {strides = array<i32>} : memref<16x1x8x128xf32, #tpu.memory_space<vmem>>, vector<1x1x1x16xf32>,
        %parallel_loop3A_448 = vector.shape_cast %parallel_loop3A_447 : vector<1x1x1x16xf32> to vector<16xf32>
        %parallel_loop3A_449 = vector.shape_cast %parallel_loop3A_441 : vector<16xf32> to vector<1x1x1x16xf32>
        tpu.vector_store %arg9[%parallel_loop3A_443, %parallel_loop3A_444, %parallel_loop3A_445, %parallel_loop3A_446], %parallel_loop3A_449 {strides = array<i32>} : memref<16x1x8x128xf32, #tpu.memory_space<vmem>>, vector<1x1x1x16xf32>,
        %parallel_loop3A_450 = arith.constant 2 : i32
        %parallel_loop3A_451 = arith.muli %parallel_loop3A_450, %parallel_loop3A_247 : i32
        %parallel_loop3A_452 = arith.index_cast %parallel_loop3A_451 : i32 to index
        %parallel_loop3A_453 = arith.constant 96 : index
        %parallel_loop3A_454 = tpu.vector_load %arg7[%parallel_loop3A_452, %parallel_loop3A_453] {strides = array<i32>} : memref<256x128xf32, #tpu.memory_space<vmem>>, vector<1x16xf32>,
        %parallel_loop3A_455 = vector.shape_cast %parallel_loop3A_454 : vector<1x16xf32> to vector<16xf32>
        %parallel_loop3A_456 = arith.constant 2 : i32
        %parallel_loop3A_457 = arith.muli %parallel_loop3A_456, %parallel_loop3A_247 : i32
        %parallel_loop3A_458 = arith.constant 1 : i32
        %parallel_loop3A_459 = arith.addi %parallel_loop3A_457, %parallel_loop3A_458 : i32
        %parallel_loop3A_460 = arith.index_cast %parallel_loop3A_459 : i32 to index
        %parallel_loop3A_461 = arith.constant 96 : index
        %parallel_loop3A_462 = tpu.vector_load %arg7[%parallel_loop3A_460, %parallel_loop3A_461] {strides = array<i32>} : memref<256x128xf32, #tpu.memory_space<vmem>>, vector<1x16xf32>,
        %parallel_loop3A_463 = vector.shape_cast %parallel_loop3A_462 : vector<1x16xf32> to vector<16xf32>
        %parallel_loop3A_464 = arith.addf %parallel_loop3A_455, %parallel_loop3A_463 : vector<16xf32>
        %parallel_loop3A_465 = arith.constant 5.000000e-01 : f32
        %parallel_loop3A_466 = vector.broadcast %parallel_loop3A_465 : f32 to vector<16xf32>
        %parallel_loop3A_467 = arith.mulf %parallel_loop3A_464, %parallel_loop3A_466 : vector<16xf32>
        %parallel_loop3A_468 = arith.addf %parallel_loop3A_467, %get3A_35 : vector<16xf32>
        %parallel_loop3A_469 = arith.constant 0 : i32
        %parallel_loop3A_470 = arith.index_cast %parallel_loop3A_271 : i32 to index
        %parallel_loop3A_471 = arith.index_cast %parallel_loop3A_469 : i32 to index
        %parallel_loop3A_472 = arith.index_cast %parallel_loop3A_287 : i32 to index
        %parallel_loop3A_473 = arith.constant 96 : index
        %parallel_loop3A_474 = tpu.vector_load %arg9[%parallel_loop3A_470, %parallel_loop3A_471, %parallel_loop3A_472, %parallel_loop3A_473] {strides = array<i32>} : memref<16x1x8x128xf32, #tpu.memory_space<vmem>>, vector<1x1x1x16xf32>,
        %parallel_loop3A_475 = vector.shape_cast %parallel_loop3A_474 : vector<1x1x1x16xf32> to vector<16xf32>
        %parallel_loop3A_476 = vector.shape_cast %parallel_loop3A_468 : vector<16xf32> to vector<1x1x1x16xf32>
        tpu.vector_store %arg9[%parallel_loop3A_470, %parallel_loop3A_471, %parallel_loop3A_472, %parallel_loop3A_473], %parallel_loop3A_476 {strides = array<i32>} : memref<16x1x8x128xf32, #tpu.memory_space<vmem>>, vector<1x1x1x16xf32>,
        %parallel_loop3A_477 = arith.constant 2 : i32
        %parallel_loop3A_478 = arith.muli %parallel_loop3A_477, %parallel_loop3A_247 : i32
        %parallel_loop3A_479 = arith.index_cast %parallel_loop3A_478 : i32 to index
        %parallel_loop3A_480 = arith.constant 112 : index
        %parallel_loop3A_481 = tpu.vector_load %arg7[%parallel_loop3A_479, %parallel_loop3A_480] {strides = array<i32>} : memref<256x128xf32, #tpu.memory_space<vmem>>, vector<1x16xf32>,
        %parallel_loop3A_482 = vector.shape_cast %parallel_loop3A_481 : vector<1x16xf32> to vector<16xf32>
        %parallel_loop3A_483 = arith.constant 2 : i32
        %parallel_loop3A_484 = arith.muli %parallel_loop3A_483, %parallel_loop3A_247 : i32
        %parallel_loop3A_485 = arith.constant 1 : i32
        %parallel_loop3A_486 = arith.addi %parallel_loop3A_484, %parallel_loop3A_485 : i32
        %parallel_loop3A_487 = arith.index_cast %parallel_loop3A_486 : i32 to index
        %parallel_loop3A_488 = arith.constant 112 : index
        %parallel_loop3A_489 = tpu.vector_load %arg7[%parallel_loop3A_487, %parallel_loop3A_488] {strides = array<i32>} : memref<256x128xf32, #tpu.memory_space<vmem>>, vector<1x16xf32>,
        %parallel_loop3A_490 = vector.shape_cast %parallel_loop3A_489 : vector<1x16xf32> to vector<16xf32>
        %parallel_loop3A_491 = arith.addf %parallel_loop3A_482, %parallel_loop3A_490 : vector<16xf32>
        %parallel_loop3A_492 = arith.constant 5.000000e-01 : f32
        %parallel_loop3A_493 = vector.broadcast %parallel_loop3A_492 : f32 to vector<16xf32>
        %parallel_loop3A_494 = arith.mulf %parallel_loop3A_491, %parallel_loop3A_493 : vector<16xf32>
        %parallel_loop3A_495 = arith.addf %parallel_loop3A_494, %get3A_35 : vector<16xf32>
        %parallel_loop3A_496 = arith.constant 0 : i32
        %parallel_loop3A_497 = arith.index_cast %parallel_loop3A_271 : i32 to index
        %parallel_loop3A_498 = arith.index_cast %parallel_loop3A_496 : i32 to index
        %parallel_loop3A_499 = arith.index_cast %parallel_loop3A_287 : i32 to index
        %parallel_loop3A_500 = arith.constant 112 : index
        %parallel_loop3A_501 = tpu.vector_load %arg9[%parallel_loop3A_497, %parallel_loop3A_498, %parallel_loop3A_499, %parallel_loop3A_500] {strides = array<i32>} : memref<16x1x8x128xf32, #tpu.memory_space<vmem>>, vector<1x1x1x16xf32>,
        %parallel_loop3A_502 = vector.shape_cast %parallel_loop3A_501 : vector<1x1x1x16xf32> to vector<16xf32>
        %parallel_loop3A_503 = vector.shape_cast %parallel_loop3A_495 : vector<16xf32> to vector<1x1x1x16xf32>
        tpu.vector_store %arg9[%parallel_loop3A_497, %parallel_loop3A_498, %parallel_loop3A_499, %parallel_loop3A_500], %parallel_loop3A_503 {strides = array<i32>} : memref<16x1x8x128xf32, #tpu.memory_space<vmem>>, vector<1x1x1x16xf32>,
      } {sc.loop_unroll_factor = 4 : i64, sc.parallel_access}
      %mul3A_171 = arith.constant 16 : i32
      %mul3A_172 = arith.muli %mul3A_119, %mul3A_171 : i32
      %min3A_173 = arith.constant 497 : i32
      %min3A_174 = arith.minsi %mul3A_172, %min3A_173 : i32
      %add3A_175 = arith.addi %min3A_33, %min3A_174 : i32
      %dma_start3A_176 = arith.constant 0 : i32
      %dma_start3A_177 = arith.constant 0 : i32
      %dma_start3A_178 = tpu.memref_slice %arg5[%add3A_175, %select_n3A_30, %dma_start3A_176, %dma_start3A_177] : memref<2049x8x8x128xf32, #tpu.memory_space<hbm>> -> memref<16x1x8x128xf32, #tpu.memory_space<hbm>>
      %dma_start3A_179 = arith.constant 0 : i32
      %dma_start3A_180 = arith.constant 0 : i32
      %dma_start3A_181 = tpu.memref_slice %arg5[%add3A_175, %select_n3A_30, %dma_start3A_179, %dma_start3A_180] : memref<2049x8x8x128xf32, #tpu.memory_space<hbm>> -> memref<16x1x8x128xf32, #tpu.memory_space<hbm>>
      tpu.enqueue_dma source(%arg9 : memref<16x1x8x128xf32, #tpu.memory_space<vmem>>) target(%dma_start3A_181 : memref<16x1x8x128xf32, #tpu.memory_space<hbm>>) target_semaphore(%arg14 : memref<!tpu.dma_semaphore, #tpu.memory_space<semaphore_mem>>)
      %add3A_182 = arith.constant 1 : i32
      %add3A_183 = arith.addi %add3A_121, %add3A_182 : i32
      %mul3A_184 = arith.constant 2 : i32
      %mul3A_185 = arith.muli %mul3A_184, %add3A_183 : i32
      %dma_start3A_186 = arith.constant 0 : i32
      %dma_start3A_187 = arith.constant 0 : i32
      %dma_start3A_188 = tpu.memref_slice %arg7[%dma_start3A_186, %dma_start3A_187] : memref<256x128xf32, #tpu.memory_space<vmem>> -> memref<128x128xf32, #tpu.memory_space<vmem>>
      %dma_start3A_189 = arith.constant 0 : i32
      %dma_start3A_190 = tpu.memref_slice %arg6[%mul3A_185, %dma_start3A_189] : memref<66x128xi32, #tpu.memory_space<vmem>> -> memref<1x128xi32, #tpu.memory_space<vmem>>
      %dma_start3A_191 = tpu.memref_squeeze %dma_start3A_190 : memref<1x128xi32, #tpu.memory_space<vmem>> -> memref<128xi32, #tpu.memory_space<vmem>>
      %dma_start3A_192 = arith.constant 0 : i32
      %dma_start3A_193 = arith.constant 0 : i32
      %dma_start3A_194 = tpu.memref_slice %arg2[%dma_start3A_192, %dma_start3A_193] : memref<262144x128xf32, #tpu.memory_space<hbm>> -> memref<262144x128xf32, #tpu.memory_space<hbm>>
      tpu.enqueue_indirect_dma source(%dma_start3A_194 : memref<262144x128xf32, #tpu.memory_space<hbm>>) target(%dma_start3A_188 : memref<128x128xf32, #tpu.memory_space<vmem>>) offsets(%dma_start3A_191 : memref<128xi32, #tpu.memory_space<vmem>>) semaphore(%arg12 : memref<!tpu.dma_semaphore, #tpu.memory_space<semaphore_mem>>)
      %mul3A_195 = arith.constant 2 : i32
      %mul3A_196 = arith.muli %mul3A_195, %add3A_183 : i32
      %add3A_197 = arith.constant 1 : i32
      %add3A_198 = arith.addi %mul3A_196, %add3A_197 : i32
      %dma_start3A_199 = arith.constant 128 : i32
      %dma_start3A_200 = arith.constant 0 : i32
      %dma_start3A_201 = tpu.memref_slice %arg7[%dma_start3A_199, %dma_start3A_200] : memref<256x128xf32, #tpu.memory_space<vmem>> -> memref<128x128xf32, #tpu.memory_space<vmem>>
      %dma_start3A_202 = arith.constant 0 : i32
      %dma_start3A_203 = tpu.memref_slice %arg6[%add3A_198, %dma_start3A_202] : memref<66x128xi32, #tpu.memory_space<vmem>> -> memref<1x128xi32, #tpu.memory_space<vmem>>
      %dma_start3A_204 = tpu.memref_squeeze %dma_start3A_203 : memref<1x128xi32, #tpu.memory_space<vmem>> -> memref<128xi32, #tpu.memory_space<vmem>>
      %dma_start3A_205 = arith.constant 0 : i32
      %dma_start3A_206 = arith.constant 0 : i32
      %dma_start3A_207 = tpu.memref_slice %arg2[%dma_start3A_205, %dma_start3A_206] : memref<262144x128xf32, #tpu.memory_space<hbm>> -> memref<262144x128xf32, #tpu.memory_space<hbm>>
      tpu.enqueue_indirect_dma source(%dma_start3A_207 : memref<262144x128xf32, #tpu.memory_space<hbm>>) target(%dma_start3A_201 : memref<128x128xf32, #tpu.memory_space<vmem>>) offsets(%dma_start3A_204 : memref<128xi32, #tpu.memory_space<vmem>>) semaphore(%arg12 : memref<!tpu.dma_semaphore, #tpu.memory_space<semaphore_mem>>)
      %dma_wait3A_208 = arith.constant 0 : i32
      %dma_wait3A_209 = arith.constant 0 : i32
      %dma_wait3A_210 = arith.constant 0 : i32
      %dma_wait3A_211 = tpu.memref_slice %arg8[%dma_wait3A_209, %dma_wait3A_210] : memref<256x128xf32, #tpu.memory_space<vmem>> -> memref<128x128xf32, #tpu.memory_space<vmem>>
      %dma_wait3A_212 = arith.constant 0 : i32
      %dma_wait3A_213 = tpu.memref_slice %arg6[%dma_wait3A_208, %dma_wait3A_212] : memref<66x128xi32, #tpu.memory_space<vmem>> -> memref<1x128xi32, #tpu.memory_space<vmem>>
      %dma_wait3A_214 = tpu.memref_squeeze %dma_wait3A_213 : memref<1x128xi32, #tpu.memory_space<vmem>> -> memref<128xi32, #tpu.memory_space<vmem>>
      %dma_wait3A_215 = arith.constant 0 : i32
      %dma_wait3A_216 = arith.constant 0 : i32
      %dma_wait3A_217 = tpu.memref_slice %arg2[%dma_wait3A_215, %dma_wait3A_216] : memref<262144x128xf32, #tpu.memory_space<hbm>> -> memref<262144x128xf32, #tpu.memory_space<hbm>>
      tpu.wait_indirect_dma semaphore(%arg13 : memref<!tpu.dma_semaphore, #tpu.memory_space<semaphore_mem>>) src(%dma_wait3A_217 : memref<262144x128xf32, #tpu.memory_space<hbm>>) dst(%dma_wait3A_211 : memref<128x128xf32, #tpu.memory_space<vmem>>)
      %dma_wait3A_218 = arith.constant 0 : i32
      %dma_wait3A_219 = arith.constant 128 : i32
      %dma_wait3A_220 = arith.constant 0 : i32
      %dma_wait3A_221 = tpu.memref_slice %arg8[%dma_wait3A_219, %dma_wait3A_220] : memref<256x128xf32, #tpu.memory_space<vmem>> -> memref<128x128xf32, #tpu.memory_space<vmem>>
      %dma_wait3A_222 = arith.constant 0 : i32
      %dma_wait3A_223 = tpu.memref_slice %arg6[%dma_wait3A_218, %dma_wait3A_222] : memref<66x128xi32, #tpu.memory_space<vmem>> -> memref<1x128xi32, #tpu.memory_space<vmem>>
      %dma_wait3A_224 = tpu.memref_squeeze %dma_wait3A_223 : memref<1x128xi32, #tpu.memory_space<vmem>> -> memref<128xi32, #tpu.memory_space<vmem>>
      %dma_wait3A_225 = arith.constant 0 : i32
      %dma_wait3A_226 = arith.constant 0 : i32
      %dma_wait3A_227 = tpu.memref_slice %arg2[%dma_wait3A_225, %dma_wait3A_226] : memref<262144x128xf32, #tpu.memory_space<hbm>> -> memref<262144x128xf32, #tpu.memory_space<hbm>>
      tpu.wait_indirect_dma semaphore(%arg13 : memref<!tpu.dma_semaphore, #tpu.memory_space<semaphore_mem>>) src(%dma_wait3A_227 : memref<262144x128xf32, #tpu.memory_space<hbm>>) dst(%dma_wait3A_221 : memref<128x128xf32, #tpu.memory_space<vmem>>)
      %gt3A_228 = arith.constant 0 : i32
      %gt3A_229 = arith.cmpi sgt, %scan3A_117, %gt3A_228 : i32
      %convert_element_type3A_230 = arith.extui %gt3A_229 : i1 to i32
      %cond3A_231 = arith.constant 0 : i32
      %cond3A_232 = arith.cmpi ne, %convert_element_type3A_230, %cond3A_231 : i32
      scf.if %cond3A_232 {
        %dma_wait3A_247 = arith.constant 0 : i32
        %dma_wait3A_248 = arith.constant 0 : i32
        %dma_wait3A_249 = tpu.memref_slice %arg5[%min3A_33, %select_n3A_30, %dma_wait3A_247, %dma_wait3A_248] : memref<2049x8x8x128xf32, #tpu.memory_space<hbm>> -> memref<16x1x8x128xf32, #tpu.memory_space<hbm>>
        %dma_wait3A_250 = arith.constant 0 : i32
        %dma_wait3A_251 = arith.constant 0 : i32
        %dma_wait3A_252 = tpu.memref_slice %arg5[%min3A_33, %select_n3A_30, %dma_wait3A_250, %dma_wait3A_251] : memref<2049x8x8x128xf32, #tpu.memory_space<hbm>> -> memref<16x1x8x128xf32, #tpu.memory_space<hbm>>
        tpu.wait_dma2 semaphore(%arg15 : memref<!tpu.dma_semaphore, #tpu.memory_space<semaphore_mem>>) src(%arg10 : memref<16x1x8x128xf32, #tpu.memory_space<vmem>>) dst(%dma_wait3A_252 : memref<16x1x8x128xf32, #tpu.memory_space<hbm>>)
      } else {
      }
      %parallel_loop3A_233 = arith.constant 0 : i32
      %parallel_loop3A_234 = arith.constant 128 : i32
      %parallel_loop3A_235 = arith.constant 1 : i32
      scf.for %parallel_loop3A_247 = %parallel_loop3A_233 to %parallel_loop3A_234 step %parallel_loop3A_235  : i32 {
        %parallel_loop3A_248 = arith.constant 8 : i32
        %parallel_loop3A_249 = arith.divsi %parallel_loop3A_247, %parallel_loop3A_248 : i32
        %parallel_loop3A_250 = arith.constant 0 : i32
        %parallel_loop3A_251 = arith.cmpi sgt, %parallel_loop3A_247, %parallel_loop3A_250 : i32
        %parallel_loop3A_252 = arith.extui %parallel_loop3A_251 : i1 to i32
        %parallel_loop3A_253 = arith.constant 0 : i32
        %parallel_loop3A_254 = arith.cmpi slt, %parallel_loop3A_247, %parallel_loop3A_253 : i32
        %parallel_loop3A_255 = arith.extui %parallel_loop3A_254 : i1 to i32
        %parallel_loop3A_256 = arith.subi %parallel_loop3A_252, %parallel_loop3A_255 : i32
        %parallel_loop3A_257 = arith.constant 0 : i32
        %parallel_loop3A_258 = arith.cmpi sgt, %parallel_loop3A_248, %parallel_loop3A_257 : i32
        %parallel_loop3A_259 = arith.extui %parallel_loop3A_258 : i1 to i32
        %parallel_loop3A_260 = arith.constant 0 : i32
        %parallel_loop3A_261 = arith.cmpi slt, %parallel_loop3A_248, %parallel_loop3A_260 : i32
        %parallel_loop3A_262 = arith.extui %parallel_loop3A_261 : i1 to i32
        %parallel_loop3A_263 = arith.subi %parallel_loop3A_259, %parallel_loop3A_262 : i32
        %parallel_loop3A_264 = arith.cmpi ne, %parallel_loop3A_256, %parallel_loop3A_263 : i32
        %parallel_loop3A_265 = arith.remsi %parallel_loop3A_247, %parallel_loop3A_248 : i32
        %parallel_loop3A_266 = arith.constant 0 : i32
        %parallel_loop3A_267 = arith.cmpi ne, %parallel_loop3A_265, %parallel_loop3A_266 : i32
        %parallel_loop3A_268 = arith.andi %parallel_loop3A_264, %parallel_loop3A_267 : i1
        %parallel_loop3A_269 = arith.constant 1 : i32
        %parallel_loop3A_270 = arith.subi %parallel_loop3A_249, %parallel_loop3A_269 : i32
        %parallel_loop3A_271 = arith.select %parallel_loop3A_268, %parallel_loop3A_270, %parallel_loop3A_249 : i32
        %parallel_loop3A_272 = arith.constant 8 : i32
        %parallel_loop3A_273 = arith.constant 0 : i32
        %parallel_loop3A_274 = arith.cmpi eq, %parallel_loop3A_272, %parallel_loop3A_273 : i32
        %parallel_loop3A_275 = arith.constant 1 : i32
        %parallel_loop3A_276 = arith.select %parallel_loop3A_274, %parallel_loop3A_275, %parallel_loop3A_272 : i32
        %parallel_loop3A_277 = arith.remsi %parallel_loop3A_247, %parallel_loop3A_276 : i32
        %parallel_loop3A_278 = arith.constant 0 : i32
        %parallel_loop3A_279 = arith.cmpi ne, %parallel_loop3A_277, %parallel_loop3A_278 : i32
        %parallel_loop3A_280 = arith.constant 0 : i32
        %parallel_loop3A_281 = arith.cmpi slt, %parallel_loop3A_277, %parallel_loop3A_280 : i32
        %parallel_loop3A_282 = arith.constant 0 : i32
        %parallel_loop3A_283 = arith.cmpi slt, %parallel_loop3A_276, %parallel_loop3A_282 : i32
        %parallel_loop3A_284 = arith.xori %parallel_loop3A_281, %parallel_loop3A_283 : i1
        %parallel_loop3A_285 = arith.andi %parallel_loop3A_284, %parallel_loop3A_279 : i1
        %parallel_loop3A_286 = arith.addi %parallel_loop3A_277, %parallel_loop3A_276 : i32
        %parallel_loop3A_287 = arith.select %parallel_loop3A_285, %parallel_loop3A_286, %parallel_loop3A_277 : i32
        %parallel_loop3A_288 = arith.constant 2 : i32
        %parallel_loop3A_289 = arith.muli %parallel_loop3A_288, %parallel_loop3A_247 : i32
        %parallel_loop3A_290 = arith.index_cast %parallel_loop3A_289 : i32 to index
        %parallel_loop3A_291 = arith.constant 0 : index
        %parallel_loop3A_292 = tpu.vector_load %arg8[%parallel_loop3A_290, %parallel_loop3A_291] {strides = array<i32>} : memref<256x128xf32, #tpu.memory_space<vmem>>, vector<1x16xf32>,
        %parallel_loop3A_293 = vector.shape_cast %parallel_loop3A_292 : vector<1x16xf32> to vector<16xf32>
        %parallel_loop3A_294 = arith.constant 2 : i32
        %parallel_loop3A_295 = arith.muli %parallel_loop3A_294, %parallel_loop3A_247 : i32
        %parallel_loop3A_296 = arith.constant 1 : i32
        %parallel_loop3A_297 = arith.addi %parallel_loop3A_295, %parallel_loop3A_296 : i32
        %parallel_loop3A_298 = arith.index_cast %parallel_loop3A_297 : i32 to index
        %parallel_loop3A_299 = arith.constant 0 : index
        %parallel_loop3A_300 = tpu.vector_load %arg8[%parallel_loop3A_298, %parallel_loop3A_299] {strides = array<i32>} : memref<256x128xf32, #tpu.memory_space<vmem>>, vector<1x16xf32>,
        %parallel_loop3A_301 = vector.shape_cast %parallel_loop3A_300 : vector<1x16xf32> to vector<16xf32>
        %parallel_loop3A_302 = arith.addf %parallel_loop3A_293, %parallel_loop3A_301 : vector<16xf32>
        %parallel_loop3A_303 = arith.constant 5.000000e-01 : f32
        %parallel_loop3A_304 = vector.broadcast %parallel_loop3A_303 : f32 to vector<16xf32>
        %parallel_loop3A_305 = arith.mulf %parallel_loop3A_302, %parallel_loop3A_304 : vector<16xf32>
        %parallel_loop3A_306 = arith.addf %parallel_loop3A_305, %get3A_35 : vector<16xf32>
        %parallel_loop3A_307 = arith.constant 0 : i32
        %parallel_loop3A_308 = arith.index_cast %parallel_loop3A_271 : i32 to index
        %parallel_loop3A_309 = arith.index_cast %parallel_loop3A_307 : i32 to index
        %parallel_loop3A_310 = arith.index_cast %parallel_loop3A_287 : i32 to index
        %parallel_loop3A_311 = arith.constant 0 : index
        %parallel_loop3A_312 = tpu.vector_load %arg10[%parallel_loop3A_308, %parallel_loop3A_309, %parallel_loop3A_310, %parallel_loop3A_311] {strides = array<i32>} : memref<16x1x8x128xf32, #tpu.memory_space<vmem>>, vector<1x1x1x16xf32>,
        %parallel_loop3A_313 = vector.shape_cast %parallel_loop3A_312 : vector<1x1x1x16xf32> to vector<16xf32>
        %parallel_loop3A_314 = vector.shape_cast %parallel_loop3A_306 : vector<16xf32> to vector<1x1x1x16xf32>
        tpu.vector_store %arg10[%parallel_loop3A_308, %parallel_loop3A_309, %parallel_loop3A_310, %parallel_loop3A_311], %parallel_loop3A_314 {strides = array<i32>} : memref<16x1x8x128xf32, #tpu.memory_space<vmem>>, vector<1x1x1x16xf32>,
        %parallel_loop3A_315 = arith.constant 2 : i32
        %parallel_loop3A_316 = arith.muli %parallel_loop3A_315, %parallel_loop3A_247 : i32
        %parallel_loop3A_317 = arith.index_cast %parallel_loop3A_316 : i32 to index
        %parallel_loop3A_318 = arith.constant 16 : index
        %parallel_loop3A_319 = tpu.vector_load %arg8[%parallel_loop3A_317, %parallel_loop3A_318] {strides = array<i32>} : memref<256x128xf32, #tpu.memory_space<vmem>>, vector<1x16xf32>,
        %parallel_loop3A_320 = vector.shape_cast %parallel_loop3A_319 : vector<1x16xf32> to vector<16xf32>
        %parallel_loop3A_321 = arith.constant 2 : i32
        %parallel_loop3A_322 = arith.muli %parallel_loop3A_321, %parallel_loop3A_247 : i32
        %parallel_loop3A_323 = arith.constant 1 : i32
        %parallel_loop3A_324 = arith.addi %parallel_loop3A_322, %parallel_loop3A_323 : i32
        %parallel_loop3A_325 = arith.index_cast %parallel_loop3A_324 : i32 to index
        %parallel_loop3A_326 = arith.constant 16 : index
        %parallel_loop3A_327 = tpu.vector_load %arg8[%parallel_loop3A_325, %parallel_loop3A_326] {strides = array<i32>} : memref<256x128xf32, #tpu.memory_space<vmem>>, vector<1x16xf32>,
        %parallel_loop3A_328 = vector.shape_cast %parallel_loop3A_327 : vector<1x16xf32> to vector<16xf32>
        %parallel_loop3A_329 = arith.addf %parallel_loop3A_320, %parallel_loop3A_328 : vector<16xf32>
        %parallel_loop3A_330 = arith.constant 5.000000e-01 : f32
        %parallel_loop3A_331 = vector.broadcast %parallel_loop3A_330 : f32 to vector<16xf32>
        %parallel_loop3A_332 = arith.mulf %parallel_loop3A_329, %parallel_loop3A_331 : vector<16xf32>
        %parallel_loop3A_333 = arith.addf %parallel_loop3A_332, %get3A_35 : vector<16xf32>
        %parallel_loop3A_334 = arith.constant 0 : i32
        %parallel_loop3A_335 = arith.index_cast %parallel_loop3A_271 : i32 to index
        %parallel_loop3A_336 = arith.index_cast %parallel_loop3A_334 : i32 to index
        %parallel_loop3A_337 = arith.index_cast %parallel_loop3A_287 : i32 to index
        %parallel_loop3A_338 = arith.constant 16 : index
        %parallel_loop3A_339 = tpu.vector_load %arg10[%parallel_loop3A_335, %parallel_loop3A_336, %parallel_loop3A_337, %parallel_loop3A_338] {strides = array<i32>} : memref<16x1x8x128xf32, #tpu.memory_space<vmem>>, vector<1x1x1x16xf32>,
        %parallel_loop3A_340 = vector.shape_cast %parallel_loop3A_339 : vector<1x1x1x16xf32> to vector<16xf32>
        %parallel_loop3A_341 = vector.shape_cast %parallel_loop3A_333 : vector<16xf32> to vector<1x1x1x16xf32>
        tpu.vector_store %arg10[%parallel_loop3A_335, %parallel_loop3A_336, %parallel_loop3A_337, %parallel_loop3A_338], %parallel_loop3A_341 {strides = array<i32>} : memref<16x1x8x128xf32, #tpu.memory_space<vmem>>, vector<1x1x1x16xf32>,
        %parallel_loop3A_342 = arith.constant 2 : i32
        %parallel_loop3A_343 = arith.muli %parallel_loop3A_342, %parallel_loop3A_247 : i32
        %parallel_loop3A_344 = arith.index_cast %parallel_loop3A_343 : i32 to index
        %parallel_loop3A_345 = arith.constant 32 : index
        %parallel_loop3A_346 = tpu.vector_load %arg8[%parallel_loop3A_344, %parallel_loop3A_345] {strides = array<i32>} : memref<256x128xf32, #tpu.memory_space<vmem>>, vector<1x16xf32>,
        %parallel_loop3A_347 = vector.shape_cast %parallel_loop3A_346 : vector<1x16xf32> to vector<16xf32>
        %parallel_loop3A_348 = arith.constant 2 : i32
        %parallel_loop3A_349 = arith.muli %parallel_loop3A_348, %parallel_loop3A_247 : i32
        %parallel_loop3A_350 = arith.constant 1 : i32
        %parallel_loop3A_351 = arith.addi %parallel_loop3A_349, %parallel_loop3A_350 : i32
        %parallel_loop3A_352 = arith.index_cast %parallel_loop3A_351 : i32 to index
        %parallel_loop3A_353 = arith.constant 32 : index
        %parallel_loop3A_354 = tpu.vector_load %arg8[%parallel_loop3A_352, %parallel_loop3A_353] {strides = array<i32>} : memref<256x128xf32, #tpu.memory_space<vmem>>, vector<1x16xf32>,
        %parallel_loop3A_355 = vector.shape_cast %parallel_loop3A_354 : vector<1x16xf32> to vector<16xf32>
        %parallel_loop3A_356 = arith.addf %parallel_loop3A_347, %parallel_loop3A_355 : vector<16xf32>
        %parallel_loop3A_357 = arith.constant 5.000000e-01 : f32
        %parallel_loop3A_358 = vector.broadcast %parallel_loop3A_357 : f32 to vector<16xf32>
        %parallel_loop3A_359 = arith.mulf %parallel_loop3A_356, %parallel_loop3A_358 : vector<16xf32>
        %parallel_loop3A_360 = arith.addf %parallel_loop3A_359, %get3A_35 : vector<16xf32>
        %parallel_loop3A_361 = arith.constant 0 : i32
        %parallel_loop3A_362 = arith.index_cast %parallel_loop3A_271 : i32 to index
        %parallel_loop3A_363 = arith.index_cast %parallel_loop3A_361 : i32 to index
        %parallel_loop3A_364 = arith.index_cast %parallel_loop3A_287 : i32 to index
        %parallel_loop3A_365 = arith.constant 32 : index
        %parallel_loop3A_366 = tpu.vector_load %arg10[%parallel_loop3A_362, %parallel_loop3A_363, %parallel_loop3A_364, %parallel_loop3A_365] {strides = array<i32>} : memref<16x1x8x128xf32, #tpu.memory_space<vmem>>, vector<1x1x1x16xf32>,
        %parallel_loop3A_367 = vector.shape_cast %parallel_loop3A_366 : vector<1x1x1x16xf32> to vector<16xf32>
        %parallel_loop3A_368 = vector.shape_cast %parallel_loop3A_360 : vector<16xf32> to vector<1x1x1x16xf32>
        tpu.vector_store %arg10[%parallel_loop3A_362, %parallel_loop3A_363, %parallel_loop3A_364, %parallel_loop3A_365], %parallel_loop3A_368 {strides = array<i32>} : memref<16x1x8x128xf32, #tpu.memory_space<vmem>>, vector<1x1x1x16xf32>,
        %parallel_loop3A_369 = arith.constant 2 : i32
        %parallel_loop3A_370 = arith.muli %parallel_loop3A_369, %parallel_loop3A_247 : i32
        %parallel_loop3A_371 = arith.index_cast %parallel_loop3A_370 : i32 to index
        %parallel_loop3A_372 = arith.constant 48 : index
        %parallel_loop3A_373 = tpu.vector_load %arg8[%parallel_loop3A_371, %parallel_loop3A_372] {strides = array<i32>} : memref<256x128xf32, #tpu.memory_space<vmem>>, vector<1x16xf32>,
        %parallel_loop3A_374 = vector.shape_cast %parallel_loop3A_373 : vector<1x16xf32> to vector<16xf32>
        %parallel_loop3A_375 = arith.constant 2 : i32
        %parallel_loop3A_376 = arith.muli %parallel_loop3A_375, %parallel_loop3A_247 : i32
        %parallel_loop3A_377 = arith.constant 1 : i32
        %parallel_loop3A_378 = arith.addi %parallel_loop3A_376, %parallel_loop3A_377 : i32
        %parallel_loop3A_379 = arith.index_cast %parallel_loop3A_378 : i32 to index
        %parallel_loop3A_380 = arith.constant 48 : index
        %parallel_loop3A_381 = tpu.vector_load %arg8[%parallel_loop3A_379, %parallel_loop3A_380] {strides = array<i32>} : memref<256x128xf32, #tpu.memory_space<vmem>>, vector<1x16xf32>,
        %parallel_loop3A_382 = vector.shape_cast %parallel_loop3A_381 : vector<1x16xf32> to vector<16xf32>
        %parallel_loop3A_383 = arith.addf %parallel_loop3A_374, %parallel_loop3A_382 : vector<16xf32>
        %parallel_loop3A_384 = arith.constant 5.000000e-01 : f32
        %parallel_loop3A_385 = vector.broadcast %parallel_loop3A_384 : f32 to vector<16xf32>
        %parallel_loop3A_386 = arith.mulf %parallel_loop3A_383, %parallel_loop3A_385 : vector<16xf32>
        %parallel_loop3A_387 = arith.addf %parallel_loop3A_386, %get3A_35 : vector<16xf32>
        %parallel_loop3A_388 = arith.constant 0 : i32
        %parallel_loop3A_389 = arith.index_cast %parallel_loop3A_271 : i32 to index
        %parallel_loop3A_390 = arith.index_cast %parallel_loop3A_388 : i32 to index
        %parallel_loop3A_391 = arith.index_cast %parallel_loop3A_287 : i32 to index
        %parallel_loop3A_392 = arith.constant 48 : index
        %parallel_loop3A_393 = tpu.vector_load %arg10[%parallel_loop3A_389, %parallel_loop3A_390, %parallel_loop3A_391, %parallel_loop3A_392] {strides = array<i32>} : memref<16x1x8x128xf32, #tpu.memory_space<vmem>>, vector<1x1x1x16xf32>,
        %parallel_loop3A_394 = vector.shape_cast %parallel_loop3A_393 : vector<1x1x1x16xf32> to vector<16xf32>
        %parallel_loop3A_395 = vector.shape_cast %parallel_loop3A_387 : vector<16xf32> to vector<1x1x1x16xf32>
        tpu.vector_store %arg10[%parallel_loop3A_389, %parallel_loop3A_390, %parallel_loop3A_391, %parallel_loop3A_392], %parallel_loop3A_395 {strides = array<i32>} : memref<16x1x8x128xf32, #tpu.memory_space<vmem>>, vector<1x1x1x16xf32>,
        %parallel_loop3A_396 = arith.constant 2 : i32
        %parallel_loop3A_397 = arith.muli %parallel_loop3A_396, %parallel_loop3A_247 : i32
        %parallel_loop3A_398 = arith.index_cast %parallel_loop3A_397 : i32 to index
        %parallel_loop3A_399 = arith.constant 64 : index
        %parallel_loop3A_400 = tpu.vector_load %arg8[%parallel_loop3A_398, %parallel_loop3A_399] {strides = array<i32>} : memref<256x128xf32, #tpu.memory_space<vmem>>, vector<1x16xf32>,
        %parallel_loop3A_401 = vector.shape_cast %parallel_loop3A_400 : vector<1x16xf32> to vector<16xf32>
        %parallel_loop3A_402 = arith.constant 2 : i32
        %parallel_loop3A_403 = arith.muli %parallel_loop3A_402, %parallel_loop3A_247 : i32
        %parallel_loop3A_404 = arith.constant 1 : i32
        %parallel_loop3A_405 = arith.addi %parallel_loop3A_403, %parallel_loop3A_404 : i32
        %parallel_loop3A_406 = arith.index_cast %parallel_loop3A_405 : i32 to index
        %parallel_loop3A_407 = arith.constant 64 : index
        %parallel_loop3A_408 = tpu.vector_load %arg8[%parallel_loop3A_406, %parallel_loop3A_407] {strides = array<i32>} : memref<256x128xf32, #tpu.memory_space<vmem>>, vector<1x16xf32>,
        %parallel_loop3A_409 = vector.shape_cast %parallel_loop3A_408 : vector<1x16xf32> to vector<16xf32>
        %parallel_loop3A_410 = arith.addf %parallel_loop3A_401, %parallel_loop3A_409 : vector<16xf32>
        %parallel_loop3A_411 = arith.constant 5.000000e-01 : f32
        %parallel_loop3A_412 = vector.broadcast %parallel_loop3A_411 : f32 to vector<16xf32>
        %parallel_loop3A_413 = arith.mulf %parallel_loop3A_410, %parallel_loop3A_412 : vector<16xf32>
        %parallel_loop3A_414 = arith.addf %parallel_loop3A_413, %get3A_35 : vector<16xf32>
        %parallel_loop3A_415 = arith.constant 0 : i32
        %parallel_loop3A_416 = arith.index_cast %parallel_loop3A_271 : i32 to index
        %parallel_loop3A_417 = arith.index_cast %parallel_loop3A_415 : i32 to index
        %parallel_loop3A_418 = arith.index_cast %parallel_loop3A_287 : i32 to index
        %parallel_loop3A_419 = arith.constant 64 : index
        %parallel_loop3A_420 = tpu.vector_load %arg10[%parallel_loop3A_416, %parallel_loop3A_417, %parallel_loop3A_418, %parallel_loop3A_419] {strides = array<i32>} : memref<16x1x8x128xf32, #tpu.memory_space<vmem>>, vector<1x1x1x16xf32>,
        %parallel_loop3A_421 = vector.shape_cast %parallel_loop3A_420 : vector<1x1x1x16xf32> to vector<16xf32>
        %parallel_loop3A_422 = vector.shape_cast %parallel_loop3A_414 : vector<16xf32> to vector<1x1x1x16xf32>
        tpu.vector_store %arg10[%parallel_loop3A_416, %parallel_loop3A_417, %parallel_loop3A_418, %parallel_loop3A_419], %parallel_loop3A_422 {strides = array<i32>} : memref<16x1x8x128xf32, #tpu.memory_space<vmem>>, vector<1x1x1x16xf32>,
        %parallel_loop3A_423 = arith.constant 2 : i32
        %parallel_loop3A_424 = arith.muli %parallel_loop3A_423, %parallel_loop3A_247 : i32
        %parallel_loop3A_425 = arith.index_cast %parallel_loop3A_424 : i32 to index
        %parallel_loop3A_426 = arith.constant 80 : index
        %parallel_loop3A_427 = tpu.vector_load %arg8[%parallel_loop3A_425, %parallel_loop3A_426] {strides = array<i32>} : memref<256x128xf32, #tpu.memory_space<vmem>>, vector<1x16xf32>,
        %parallel_loop3A_428 = vector.shape_cast %parallel_loop3A_427 : vector<1x16xf32> to vector<16xf32>
        %parallel_loop3A_429 = arith.constant 2 : i32
        %parallel_loop3A_430 = arith.muli %parallel_loop3A_429, %parallel_loop3A_247 : i32
        %parallel_loop3A_431 = arith.constant 1 : i32
        %parallel_loop3A_432 = arith.addi %parallel_loop3A_430, %parallel_loop3A_431 : i32
        %parallel_loop3A_433 = arith.index_cast %parallel_loop3A_432 : i32 to index
        %parallel_loop3A_434 = arith.constant 80 : index
        %parallel_loop3A_435 = tpu.vector_load %arg8[%parallel_loop3A_433, %parallel_loop3A_434] {strides = array<i32>} : memref<256x128xf32, #tpu.memory_space<vmem>>, vector<1x16xf32>,
        %parallel_loop3A_436 = vector.shape_cast %parallel_loop3A_435 : vector<1x16xf32> to vector<16xf32>
        %parallel_loop3A_437 = arith.addf %parallel_loop3A_428, %parallel_loop3A_436 : vector<16xf32>
        %parallel_loop3A_438 = arith.constant 5.000000e-01 : f32
        %parallel_loop3A_439 = vector.broadcast %parallel_loop3A_438 : f32 to vector<16xf32>
        %parallel_loop3A_440 = arith.mulf %parallel_loop3A_437, %parallel_loop3A_439 : vector<16xf32>
        %parallel_loop3A_441 = arith.addf %parallel_loop3A_440, %get3A_35 : vector<16xf32>
        %parallel_loop3A_442 = arith.constant 0 : i32
        %parallel_loop3A_443 = arith.index_cast %parallel_loop3A_271 : i32 to index
        %parallel_loop3A_444 = arith.index_cast %parallel_loop3A_442 : i32 to index
        %parallel_loop3A_445 = arith.index_cast %parallel_loop3A_287 : i32 to index
        %parallel_loop3A_446 = arith.constant 80 : index
        %parallel_loop3A_447 = tpu.vector_load %arg10[%parallel_loop3A_443, %parallel_loop3A_444, %parallel_loop3A_445, %parallel_loop3A_446] {strides = array<i32>} : memref<16x1x8x128xf32, #tpu.memory_space<vmem>>, vector<1x1x1x16xf32>,
        %parallel_loop3A_448 = vector.shape_cast %parallel_loop3A_447 : vector<1x1x1x16xf32> to vector<16xf32>
        %parallel_loop3A_449 = vector.shape_cast %parallel_loop3A_441 : vector<16xf32> to vector<1x1x1x16xf32>
        tpu.vector_store %arg10[%parallel_loop3A_443, %parallel_loop3A_444, %parallel_loop3A_445, %parallel_loop3A_446], %parallel_loop3A_449 {strides = array<i32>} : memref<16x1x8x128xf32, #tpu.memory_space<vmem>>, vector<1x1x1x16xf32>,
        %parallel_loop3A_450 = arith.constant 2 : i32
        %parallel_loop3A_451 = arith.muli %parallel_loop3A_450, %parallel_loop3A_247 : i32
        %parallel_loop3A_452 = arith.index_cast %parallel_loop3A_451 : i32 to index
        %parallel_loop3A_453 = arith.constant 96 : index
        %parallel_loop3A_454 = tpu.vector_load %arg8[%parallel_loop3A_452, %parallel_loop3A_453] {strides = array<i32>} : memref<256x128xf32, #tpu.memory_space<vmem>>, vector<1x16xf32>,
        %parallel_loop3A_455 = vector.shape_cast %parallel_loop3A_454 : vector<1x16xf32> to vector<16xf32>
        %parallel_loop3A_456 = arith.constant 2 : i32
        %parallel_loop3A_457 = arith.muli %parallel_loop3A_456, %parallel_loop3A_247 : i32
        %parallel_loop3A_458 = arith.constant 1 : i32
        %parallel_loop3A_459 = arith.addi %parallel_loop3A_457, %parallel_loop3A_458 : i32
        %parallel_loop3A_460 = arith.index_cast %parallel_loop3A_459 : i32 to index
        %parallel_loop3A_461 = arith.constant 96 : index
        %parallel_loop3A_462 = tpu.vector_load %arg8[%parallel_loop3A_460, %parallel_loop3A_461] {strides = array<i32>} : memref<256x128xf32, #tpu.memory_space<vmem>>, vector<1x16xf32>,
        %parallel_loop3A_463 = vector.shape_cast %parallel_loop3A_462 : vector<1x16xf32> to vector<16xf32>
        %parallel_loop3A_464 = arith.addf %parallel_loop3A_455, %parallel_loop3A_463 : vector<16xf32>
        %parallel_loop3A_465 = arith.constant 5.000000e-01 : f32
        %parallel_loop3A_466 = vector.broadcast %parallel_loop3A_465 : f32 to vector<16xf32>
        %parallel_loop3A_467 = arith.mulf %parallel_loop3A_464, %parallel_loop3A_466 : vector<16xf32>
        %parallel_loop3A_468 = arith.addf %parallel_loop3A_467, %get3A_35 : vector<16xf32>
        %parallel_loop3A_469 = arith.constant 0 : i32
        %parallel_loop3A_470 = arith.index_cast %parallel_loop3A_271 : i32 to index
        %parallel_loop3A_471 = arith.index_cast %parallel_loop3A_469 : i32 to index
        %parallel_loop3A_472 = arith.index_cast %parallel_loop3A_287 : i32 to index
        %parallel_loop3A_473 = arith.constant 96 : index
        %parallel_loop3A_474 = tpu.vector_load %arg10[%parallel_loop3A_470, %parallel_loop3A_471, %parallel_loop3A_472, %parallel_loop3A_473] {strides = array<i32>} : memref<16x1x8x128xf32, #tpu.memory_space<vmem>>, vector<1x1x1x16xf32>,
        %parallel_loop3A_475 = vector.shape_cast %parallel_loop3A_474 : vector<1x1x1x16xf32> to vector<16xf32>
        %parallel_loop3A_476 = vector.shape_cast %parallel_loop3A_468 : vector<16xf32> to vector<1x1x1x16xf32>
        tpu.vector_store %arg10[%parallel_loop3A_470, %parallel_loop3A_471, %parallel_loop3A_472, %parallel_loop3A_473], %parallel_loop3A_476 {strides = array<i32>} : memref<16x1x8x128xf32, #tpu.memory_space<vmem>>, vector<1x1x1x16xf32>,
        %parallel_loop3A_477 = arith.constant 2 : i32
        %parallel_loop3A_478 = arith.muli %parallel_loop3A_477, %parallel_loop3A_247 : i32
        %parallel_loop3A_479 = arith.index_cast %parallel_loop3A_478 : i32 to index
        %parallel_loop3A_480 = arith.constant 112 : index
        %parallel_loop3A_481 = tpu.vector_load %arg8[%parallel_loop3A_479, %parallel_loop3A_480] {strides = array<i32>} : memref<256x128xf32, #tpu.memory_space<vmem>>, vector<1x16xf32>,
        %parallel_loop3A_482 = vector.shape_cast %parallel_loop3A_481 : vector<1x16xf32> to vector<16xf32>
        %parallel_loop3A_483 = arith.constant 2 : i32
        %parallel_loop3A_484 = arith.muli %parallel_loop3A_483, %parallel_loop3A_247 : i32
        %parallel_loop3A_485 = arith.constant 1 : i32
        %parallel_loop3A_486 = arith.addi %parallel_loop3A_484, %parallel_loop3A_485 : i32
        %parallel_loop3A_487 = arith.index_cast %parallel_loop3A_486 : i32 to index
        %parallel_loop3A_488 = arith.constant 112 : index
        %parallel_loop3A_489 = tpu.vector_load %arg8[%parallel_loop3A_487, %parallel_loop3A_488] {strides = array<i32>} : memref<256x128xf32, #tpu.memory_space<vmem>>, vector<1x16xf32>,
        %parallel_loop3A_490 = vector.shape_cast %parallel_loop3A_489 : vector<1x16xf32> to vector<16xf32>
        %parallel_loop3A_491 = arith.addf %parallel_loop3A_482, %parallel_loop3A_490 : vector<16xf32>
        %parallel_loop3A_492 = arith.constant 5.000000e-01 : f32
        %parallel_loop3A_493 = vector.broadcast %parallel_loop3A_492 : f32 to vector<16xf32>
        %parallel_loop3A_494 = arith.mulf %parallel_loop3A_491, %parallel_loop3A_493 : vector<16xf32>
        %parallel_loop3A_495 = arith.addf %parallel_loop3A_494, %get3A_35 : vector<16xf32>
        %parallel_loop3A_496 = arith.constant 0 : i32
        %parallel_loop3A_497 = arith.index_cast %parallel_loop3A_271 : i32 to index
        %parallel_loop3A_498 = arith.index_cast %parallel_loop3A_496 : i32 to index
        %parallel_loop3A_499 = arith.index_cast %parallel_loop3A_287 : i32 to index
        %parallel_loop3A_500 = arith.constant 112 : index
        %parallel_loop3A_501 = tpu.vector_load %arg10[%parallel_loop3A_497, %parallel_loop3A_498, %parallel_loop3A_499, %parallel_loop3A_500] {strides = array<i32>} : memref<16x1x8x128xf32, #tpu.memory_space<vmem>>, vector<1x1x1x16xf32>,
        %parallel_loop3A_502 = vector.shape_cast %parallel_loop3A_501 : vector<1x1x1x16xf32> to vector<16xf32>
        %parallel_loop3A_503 = vector.shape_cast %parallel_loop3A_495 : vector<16xf32> to vector<1x1x1x16xf32>
        tpu.vector_store %arg10[%parallel_loop3A_497, %parallel_loop3A_498, %parallel_loop3A_499, %parallel_loop3A_500], %parallel_loop3A_503 {strides = array<i32>} : memref<16x1x8x128xf32, #tpu.memory_space<vmem>>, vector<1x1x1x16xf32>,
      } {sc.loop_unroll_factor = 4 : i64, sc.parallel_access}
      %mul3A_236 = arith.constant 16 : i32
      %mul3A_237 = arith.muli %add3A_121, %mul3A_236 : i32
      %min3A_238 = arith.constant 497 : i32
      %min3A_239 = arith.minsi %mul3A_237, %min3A_238 : i32
      %add3A_240 = arith.addi %min3A_33, %min3A_239 : i32
      %dma_start3A_241 = arith.constant 0 : i32
      %dma_start3A_242 = arith.constant 0 : i32
      %dma_start3A_243 = tpu.memref_slice %arg5[%add3A_240, %select_n3A_30, %dma_start3A_241, %dma_start3A_242] : memref<2049x8x8x128xf32, #tpu.memory_space<hbm>> -> memref<16x1x8x128xf32, #tpu.memory_space<hbm>>
      %dma_start3A_244 = arith.constant 0 : i32
      %dma_start3A_245 = arith.constant 0 : i32
      %dma_start3A_246 = tpu.memref_slice %arg5[%add3A_240, %select_n3A_30, %dma_start3A_244, %dma_start3A_245] : memref<2049x8x8x128xf32, #tpu.memory_space<hbm>> -> memref<16x1x8x128xf32, #tpu.memory_space<hbm>>
      tpu.enqueue_dma source(%arg10 : memref<16x1x8x128xf32, #tpu.memory_space<vmem>>) target(%dma_start3A_246 : memref<16x1x8x128xf32, #tpu.memory_space<hbm>>) target_semaphore(%arg15 : memref<!tpu.dma_semaphore, #tpu.memory_space<semaphore_mem>>)
    }
    %scan3A_65 = arith.constant 16 : i32
    %dma_wait3A = arith.constant 0 : i32
    %dma_wait3A_66 = arith.constant 0 : i32
    %dma_wait3A_67 = arith.constant 0 : i32
    %dma_wait3A_68 = tpu.memref_slice %arg7[%dma_wait3A_66, %dma_wait3A_67] : memref<256x128xf32, #tpu.memory_space<vmem>> -> memref<128x128xf32, #tpu.memory_space<vmem>>
    %dma_wait3A_69 = arith.constant 0 : i32
    %dma_wait3A_70 = tpu.memref_slice %arg6[%dma_wait3A, %dma_wait3A_69] : memref<66x128xi32, #tpu.memory_space<vmem>> -> memref<1x128xi32, #tpu.memory_space<vmem>>
    %dma_wait3A_71 = tpu.memref_squeeze %dma_wait3A_70 : memref<1x128xi32, #tpu.memory_space<vmem>> -> memref<128xi32, #tpu.memory_space<vmem>>
    %dma_wait3A_72 = arith.constant 0 : i32
    %dma_wait3A_73 = arith.constant 0 : i32
    %dma_wait3A_74 = tpu.memref_slice %arg2[%dma_wait3A_72, %dma_wait3A_73] : memref<262144x128xf32, #tpu.memory_space<hbm>> -> memref<262144x128xf32, #tpu.memory_space<hbm>>
    tpu.wait_indirect_dma semaphore(%arg12 : memref<!tpu.dma_semaphore, #tpu.memory_space<semaphore_mem>>) src(%dma_wait3A_74 : memref<262144x128xf32, #tpu.memory_space<hbm>>) dst(%dma_wait3A_68 : memref<128x128xf32, #tpu.memory_space<vmem>>)
    %dma_wait3A_75 = arith.constant 0 : i32
    %dma_wait3A_76 = arith.constant 128 : i32
    %dma_wait3A_77 = arith.constant 0 : i32
    %dma_wait3A_78 = tpu.memref_slice %arg7[%dma_wait3A_76, %dma_wait3A_77] : memref<256x128xf32, #tpu.memory_space<vmem>> -> memref<128x128xf32, #tpu.memory_space<vmem>>
    %dma_wait3A_79 = arith.constant 0 : i32
    %dma_wait3A_80 = tpu.memref_slice %arg6[%dma_wait3A_75, %dma_wait3A_79] : memref<66x128xi32, #tpu.memory_space<vmem>> -> memref<1x128xi32, #tpu.memory_space<vmem>>
    %dma_wait3A_81 = tpu.memref_squeeze %dma_wait3A_80 : memref<1x128xi32, #tpu.memory_space<vmem>> -> memref<128xi32, #tpu.memory_space<vmem>>
    %dma_wait3A_82 = arith.constant 0 : i32
    %dma_wait3A_83 = arith.constant 0 : i32
    %dma_wait3A_84 = tpu.memref_slice %arg2[%dma_wait3A_82, %dma_wait3A_83] : memref<262144x128xf32, #tpu.memory_space<hbm>> -> memref<262144x128xf32, #tpu.memory_space<hbm>>
    tpu.wait_indirect_dma semaphore(%arg12 : memref<!tpu.dma_semaphore, #tpu.memory_space<semaphore_mem>>) src(%dma_wait3A_84 : memref<262144x128xf32, #tpu.memory_space<hbm>>) dst(%dma_wait3A_78 : memref<128x128xf32, #tpu.memory_space<vmem>>)
    %dma_wait3A_85 = arith.constant 0 : i32
    %dma_wait3A_86 = arith.constant 0 : i32
    %dma_wait3A_87 = tpu.memref_slice %arg5[%min3A_33, %select_n3A_30, %dma_wait3A_85, %dma_wait3A_86] : memref<2049x8x8x128xf32, #tpu.memory_space<hbm>> -> memref<16x1x8x128xf32, #tpu.memory_space<hbm>>
    %dma_wait3A_88 = arith.constant 0 : i32
    %dma_wait3A_89 = arith.constant 0 : i32
    %dma_wait3A_90 = tpu.memref_slice %arg5[%min3A_33, %select_n3A_30, %dma_wait3A_88, %dma_wait3A_89] : memref<2049x8x8x128xf32, #tpu.memory_space<hbm>> -> memref<16x1x8x128xf32, #tpu.memory_space<hbm>>
    tpu.wait_dma2 semaphore(%arg14 : memref<!tpu.dma_semaphore, #tpu.memory_space<semaphore_mem>>) src(%arg9 : memref<16x1x8x128xf32, #tpu.memory_space<vmem>>) dst(%dma_wait3A_90 : memref<16x1x8x128xf32, #tpu.memory_space<hbm>>)
    %parallel_loop3A = arith.constant 0 : i32
    %parallel_loop3A_91 = arith.constant 128 : i32
    %parallel_loop3A_92 = arith.constant 1 : i32
    scf.for %parallel_loop3A_117 = %parallel_loop3A to %parallel_loop3A_91 step %parallel_loop3A_92  : i32 {
      %parallel_loop3A_118 = arith.constant 8 : i32
      %parallel_loop3A_119 = arith.divsi %parallel_loop3A_117, %parallel_loop3A_118 : i32
      %parallel_loop3A_120 = arith.constant 0 : i32
      %parallel_loop3A_121 = arith.cmpi sgt, %parallel_loop3A_117, %parallel_loop3A_120 : i32
      %parallel_loop3A_122 = arith.extui %parallel_loop3A_121 : i1 to i32
      %parallel_loop3A_123 = arith.constant 0 : i32
      %parallel_loop3A_124 = arith.cmpi slt, %parallel_loop3A_117, %parallel_loop3A_123 : i32
      %parallel_loop3A_125 = arith.extui %parallel_loop3A_124 : i1 to i32
      %parallel_loop3A_126 = arith.subi %parallel_loop3A_122, %parallel_loop3A_125 : i32
      %parallel_loop3A_127 = arith.constant 0 : i32
      %parallel_loop3A_128 = arith.cmpi sgt, %parallel_loop3A_118, %parallel_loop3A_127 : i32
      %parallel_loop3A_129 = arith.extui %parallel_loop3A_128 : i1 to i32
      %parallel_loop3A_130 = arith.constant 0 : i32
      %parallel_loop3A_131 = arith.cmpi slt, %parallel_loop3A_118, %parallel_loop3A_130 : i32
      %parallel_loop3A_132 = arith.extui %parallel_loop3A_131 : i1 to i32
      %parallel_loop3A_133 = arith.subi %parallel_loop3A_129, %parallel_loop3A_132 : i32
      %parallel_loop3A_134 = arith.cmpi ne, %parallel_loop3A_126, %parallel_loop3A_133 : i32
      %parallel_loop3A_135 = arith.remsi %parallel_loop3A_117, %parallel_loop3A_118 : i32
      %parallel_loop3A_136 = arith.constant 0 : i32
      %parallel_loop3A_137 = arith.cmpi ne, %parallel_loop3A_135, %parallel_loop3A_136 : i32
      %parallel_loop3A_138 = arith.andi %parallel_loop3A_134, %parallel_loop3A_137 : i1
      %parallel_loop3A_139 = arith.constant 1 : i32
      %parallel_loop3A_140 = arith.subi %parallel_loop3A_119, %parallel_loop3A_139 : i32
      %parallel_loop3A_141 = arith.select %parallel_loop3A_138, %parallel_loop3A_140, %parallel_loop3A_119 : i32
      %parallel_loop3A_142 = arith.constant 8 : i32
      %parallel_loop3A_143 = arith.constant 0 : i32
      %parallel_loop3A_144 = arith.cmpi eq, %parallel_loop3A_142, %parallel_loop3A_143 : i32
      %parallel_loop3A_145 = arith.constant 1 : i32
      %parallel_loop3A_146 = arith.select %parallel_loop3A_144, %parallel_loop3A_145, %parallel_loop3A_142 : i32
      %parallel_loop3A_147 = arith.remsi %parallel_loop3A_117, %parallel_loop3A_146 : i32
      %parallel_loop3A_148 = arith.constant 0 : i32
      %parallel_loop3A_149 = arith.cmpi ne, %parallel_loop3A_147, %parallel_loop3A_148 : i32
      %parallel_loop3A_150 = arith.constant 0 : i32
      %parallel_loop3A_151 = arith.cmpi slt, %parallel_loop3A_147, %parallel_loop3A_150 : i32
      %parallel_loop3A_152 = arith.constant 0 : i32
      %parallel_loop3A_153 = arith.cmpi slt, %parallel_loop3A_146, %parallel_loop3A_152 : i32
      %parallel_loop3A_154 = arith.xori %parallel_loop3A_151, %parallel_loop3A_153 : i1
      %parallel_loop3A_155 = arith.andi %parallel_loop3A_154, %parallel_loop3A_149 : i1
      %parallel_loop3A_156 = arith.addi %parallel_loop3A_147, %parallel_loop3A_146 : i32
      %parallel_loop3A_157 = arith.select %parallel_loop3A_155, %parallel_loop3A_156, %parallel_loop3A_147 : i32
      %parallel_loop3A_158 = arith.constant 2 : i32
      %parallel_loop3A_159 = arith.muli %parallel_loop3A_158, %parallel_loop3A_117 : i32
      %parallel_loop3A_160 = arith.index_cast %parallel_loop3A_159 : i32 to index
      %parallel_loop3A_161 = arith.constant 0 : index
      %parallel_loop3A_162 = tpu.vector_load %arg7[%parallel_loop3A_160, %parallel_loop3A_161] {strides = array<i32>} : memref<256x128xf32, #tpu.memory_space<vmem>>, vector<1x16xf32>,
      %parallel_loop3A_163 = vector.shape_cast %parallel_loop3A_162 : vector<1x16xf32> to vector<16xf32>
      %parallel_loop3A_164 = arith.constant 2 : i32
      %parallel_loop3A_165 = arith.muli %parallel_loop3A_164, %parallel_loop3A_117 : i32
      %parallel_loop3A_166 = arith.constant 1 : i32
      %parallel_loop3A_167 = arith.addi %parallel_loop3A_165, %parallel_loop3A_166 : i32
      %parallel_loop3A_168 = arith.index_cast %parallel_loop3A_167 : i32 to index
      %parallel_loop3A_169 = arith.constant 0 : index
      %parallel_loop3A_170 = tpu.vector_load %arg7[%parallel_loop3A_168, %parallel_loop3A_169] {strides = array<i32>} : memref<256x128xf32, #tpu.memory_space<vmem>>, vector<1x16xf32>,
      %parallel_loop3A_171 = vector.shape_cast %parallel_loop3A_170 : vector<1x16xf32> to vector<16xf32>
      %parallel_loop3A_172 = arith.addf %parallel_loop3A_163, %parallel_loop3A_171 : vector<16xf32>
      %parallel_loop3A_173 = arith.constant 5.000000e-01 : f32
      %parallel_loop3A_174 = vector.broadcast %parallel_loop3A_173 : f32 to vector<16xf32>
      %parallel_loop3A_175 = arith.mulf %parallel_loop3A_172, %parallel_loop3A_174 : vector<16xf32>
      %parallel_loop3A_176 = arith.addf %parallel_loop3A_175, %get3A_35 : vector<16xf32>
      %parallel_loop3A_177 = arith.constant 0 : i32
      %parallel_loop3A_178 = arith.index_cast %parallel_loop3A_141 : i32 to index
      %parallel_loop3A_179 = arith.index_cast %parallel_loop3A_177 : i32 to index
      %parallel_loop3A_180 = arith.index_cast %parallel_loop3A_157 : i32 to index
      %parallel_loop3A_181 = arith.constant 0 : index
      %parallel_loop3A_182 = tpu.vector_load %arg9[%parallel_loop3A_178, %parallel_loop3A_179, %parallel_loop3A_180, %parallel_loop3A_181] {strides = array<i32>} : memref<16x1x8x128xf32, #tpu.memory_space<vmem>>, vector<1x1x1x16xf32>,
      %parallel_loop3A_183 = vector.shape_cast %parallel_loop3A_182 : vector<1x1x1x16xf32> to vector<16xf32>
      %parallel_loop3A_184 = vector.shape_cast %parallel_loop3A_176 : vector<16xf32> to vector<1x1x1x16xf32>
      tpu.vector_store %arg9[%parallel_loop3A_178, %parallel_loop3A_179, %parallel_loop3A_180, %parallel_loop3A_181], %parallel_loop3A_184 {strides = array<i32>} : memref<16x1x8x128xf32, #tpu.memory_space<vmem>>, vector<1x1x1x16xf32>,
      %parallel_loop3A_185 = arith.constant 2 : i32
      %parallel_loop3A_186 = arith.muli %parallel_loop3A_185, %parallel_loop3A_117 : i32
      %parallel_loop3A_187 = arith.index_cast %parallel_loop3A_186 : i32 to index
      %parallel_loop3A_188 = arith.constant 16 : index
      %parallel_loop3A_189 = tpu.vector_load %arg7[%parallel_loop3A_187, %parallel_loop3A_188] {strides = array<i32>} : memref<256x128xf32, #tpu.memory_space<vmem>>, vector<1x16xf32>,
      %parallel_loop3A_190 = vector.shape_cast %parallel_loop3A_189 : vector<1x16xf32> to vector<16xf32>
      %parallel_loop3A_191 = arith.constant 2 : i32
      %parallel_loop3A_192 = arith.muli %parallel_loop3A_191, %parallel_loop3A_117 : i32
      %parallel_loop3A_193 = arith.constant 1 : i32
      %parallel_loop3A_194 = arith.addi %parallel_loop3A_192, %parallel_loop3A_193 : i32
      %parallel_loop3A_195 = arith.index_cast %parallel_loop3A_194 : i32 to index
      %parallel_loop3A_196 = arith.constant 16 : index
      %parallel_loop3A_197 = tpu.vector_load %arg7[%parallel_loop3A_195, %parallel_loop3A_196] {strides = array<i32>} : memref<256x128xf32, #tpu.memory_space<vmem>>, vector<1x16xf32>,
      %parallel_loop3A_198 = vector.shape_cast %parallel_loop3A_197 : vector<1x16xf32> to vector<16xf32>
      %parallel_loop3A_199 = arith.addf %parallel_loop3A_190, %parallel_loop3A_198 : vector<16xf32>
      %parallel_loop3A_200 = arith.constant 5.000000e-01 : f32
      %parallel_loop3A_201 = vector.broadcast %parallel_loop3A_200 : f32 to vector<16xf32>
      %parallel_loop3A_202 = arith.mulf %parallel_loop3A_199, %parallel_loop3A_201 : vector<16xf32>
      %parallel_loop3A_203 = arith.addf %parallel_loop3A_202, %get3A_35 : vector<16xf32>
      %parallel_loop3A_204 = arith.constant 0 : i32
      %parallel_loop3A_205 = arith.index_cast %parallel_loop3A_141 : i32 to index
      %parallel_loop3A_206 = arith.index_cast %parallel_loop3A_204 : i32 to index
      %parallel_loop3A_207 = arith.index_cast %parallel_loop3A_157 : i32 to index
      %parallel_loop3A_208 = arith.constant 16 : index
      %parallel_loop3A_209 = tpu.vector_load %arg9[%parallel_loop3A_205, %parallel_loop3A_206, %parallel_loop3A_207, %parallel_loop3A_208] {strides = array<i32>} : memref<16x1x8x128xf32, #tpu.memory_space<vmem>>, vector<1x1x1x16xf32>,
      %parallel_loop3A_210 = vector.shape_cast %parallel_loop3A_209 : vector<1x1x1x16xf32> to vector<16xf32>
      %parallel_loop3A_211 = vector.shape_cast %parallel_loop3A_203 : vector<16xf32> to vector<1x1x1x16xf32>
      tpu.vector_store %arg9[%parallel_loop3A_205, %parallel_loop3A_206, %parallel_loop3A_207, %parallel_loop3A_208], %parallel_loop3A_211 {strides = array<i32>} : memref<16x1x8x128xf32, #tpu.memory_space<vmem>>, vector<1x1x1x16xf32>,
      %parallel_loop3A_212 = arith.constant 2 : i32
      %parallel_loop3A_213 = arith.muli %parallel_loop3A_212, %parallel_loop3A_117 : i32
      %parallel_loop3A_214 = arith.index_cast %parallel_loop3A_213 : i32 to index
      %parallel_loop3A_215 = arith.constant 32 : index
      %parallel_loop3A_216 = tpu.vector_load %arg7[%parallel_loop3A_214, %parallel_loop3A_215] {strides = array<i32>} : memref<256x128xf32, #tpu.memory_space<vmem>>, vector<1x16xf32>,
      %parallel_loop3A_217 = vector.shape_cast %parallel_loop3A_216 : vector<1x16xf32> to vector<16xf32>
      %parallel_loop3A_218 = arith.constant 2 : i32
      %parallel_loop3A_219 = arith.muli %parallel_loop3A_218, %parallel_loop3A_117 : i32
      %parallel_loop3A_220 = arith.constant 1 : i32
      %parallel_loop3A_221 = arith.addi %parallel_loop3A_219, %parallel_loop3A_220 : i32
      %parallel_loop3A_222 = arith.index_cast %parallel_loop3A_221 : i32 to index
      %parallel_loop3A_223 = arith.constant 32 : index
      %parallel_loop3A_224 = tpu.vector_load %arg7[%parallel_loop3A_222, %parallel_loop3A_223] {strides = array<i32>} : memref<256x128xf32, #tpu.memory_space<vmem>>, vector<1x16xf32>,
      %parallel_loop3A_225 = vector.shape_cast %parallel_loop3A_224 : vector<1x16xf32> to vector<16xf32>
      %parallel_loop3A_226 = arith.addf %parallel_loop3A_217, %parallel_loop3A_225 : vector<16xf32>
      %parallel_loop3A_227 = arith.constant 5.000000e-01 : f32
      %parallel_loop3A_228 = vector.broadcast %parallel_loop3A_227 : f32 to vector<16xf32>
      %parallel_loop3A_229 = arith.mulf %parallel_loop3A_226, %parallel_loop3A_228 : vector<16xf32>
      %parallel_loop3A_230 = arith.addf %parallel_loop3A_229, %get3A_35 : vector<16xf32>
      %parallel_loop3A_231 = arith.constant 0 : i32
      %parallel_loop3A_232 = arith.index_cast %parallel_loop3A_141 : i32 to index
      %parallel_loop3A_233 = arith.index_cast %parallel_loop3A_231 : i32 to index
      %parallel_loop3A_234 = arith.index_cast %parallel_loop3A_157 : i32 to index
      %parallel_loop3A_235 = arith.constant 32 : index
      %parallel_loop3A_236 = tpu.vector_load %arg9[%parallel_loop3A_232, %parallel_loop3A_233, %parallel_loop3A_234, %parallel_loop3A_235] {strides = array<i32>} : memref<16x1x8x128xf32, #tpu.memory_space<vmem>>, vector<1x1x1x16xf32>,
      %parallel_loop3A_237 = vector.shape_cast %parallel_loop3A_236 : vector<1x1x1x16xf32> to vector<16xf32>
      %parallel_loop3A_238 = vector.shape_cast %parallel_loop3A_230 : vector<16xf32> to vector<1x1x1x16xf32>
      tpu.vector_store %arg9[%parallel_loop3A_232, %parallel_loop3A_233, %parallel_loop3A_234, %parallel_loop3A_235], %parallel_loop3A_238 {strides = array<i32>} : memref<16x1x8x128xf32, #tpu.memory_space<vmem>>, vector<1x1x1x16xf32>,
      %parallel_loop3A_239 = arith.constant 2 : i32
      %parallel_loop3A_240 = arith.muli %parallel_loop3A_239, %parallel_loop3A_117 : i32
      %parallel_loop3A_241 = arith.index_cast %parallel_loop3A_240 : i32 to index
      %parallel_loop3A_242 = arith.constant 48 : index
      %parallel_loop3A_243 = tpu.vector_load %arg7[%parallel_loop3A_241, %parallel_loop3A_242] {strides = array<i32>} : memref<256x128xf32, #tpu.memory_space<vmem>>, vector<1x16xf32>,
      %parallel_loop3A_244 = vector.shape_cast %parallel_loop3A_243 : vector<1x16xf32> to vector<16xf32>
      %parallel_loop3A_245 = arith.constant 2 : i32
      %parallel_loop3A_246 = arith.muli %parallel_loop3A_245, %parallel_loop3A_117 : i32
      %parallel_loop3A_247 = arith.constant 1 : i32
      %parallel_loop3A_248 = arith.addi %parallel_loop3A_246, %parallel_loop3A_247 : i32
      %parallel_loop3A_249 = arith.index_cast %parallel_loop3A_248 : i32 to index
      %parallel_loop3A_250 = arith.constant 48 : index
      %parallel_loop3A_251 = tpu.vector_load %arg7[%parallel_loop3A_249, %parallel_loop3A_250] {strides = array<i32>} : memref<256x128xf32, #tpu.memory_space<vmem>>, vector<1x16xf32>,
      %parallel_loop3A_252 = vector.shape_cast %parallel_loop3A_251 : vector<1x16xf32> to vector<16xf32>
      %parallel_loop3A_253 = arith.addf %parallel_loop3A_244, %parallel_loop3A_252 : vector<16xf32>
      %parallel_loop3A_254 = arith.constant 5.000000e-01 : f32
      %parallel_loop3A_255 = vector.broadcast %parallel_loop3A_254 : f32 to vector<16xf32>
      %parallel_loop3A_256 = arith.mulf %parallel_loop3A_253, %parallel_loop3A_255 : vector<16xf32>
      %parallel_loop3A_257 = arith.addf %parallel_loop3A_256, %get3A_35 : vector<16xf32>
      %parallel_loop3A_258 = arith.constant 0 : i32
      %parallel_loop3A_259 = arith.index_cast %parallel_loop3A_141 : i32 to index
      %parallel_loop3A_260 = arith.index_cast %parallel_loop3A_258 : i32 to index
      %parallel_loop3A_261 = arith.index_cast %parallel_loop3A_157 : i32 to index
      %parallel_loop3A_262 = arith.constant 48 : index
      %parallel_loop3A_263 = tpu.vector_load %arg9[%parallel_loop3A_259, %parallel_loop3A_260, %parallel_loop3A_261, %parallel_loop3A_262] {strides = array<i32>} : memref<16x1x8x128xf32, #tpu.memory_space<vmem>>, vector<1x1x1x16xf32>,
      %parallel_loop3A_264 = vector.shape_cast %parallel_loop3A_263 : vector<1x1x1x16xf32> to vector<16xf32>
      %parallel_loop3A_265 = vector.shape_cast %parallel_loop3A_257 : vector<16xf32> to vector<1x1x1x16xf32>
      tpu.vector_store %arg9[%parallel_loop3A_259, %parallel_loop3A_260, %parallel_loop3A_261, %parallel_loop3A_262], %parallel_loop3A_265 {strides = array<i32>} : memref<16x1x8x128xf32, #tpu.memory_space<vmem>>, vector<1x1x1x16xf32>,
      %parallel_loop3A_266 = arith.constant 2 : i32
      %parallel_loop3A_267 = arith.muli %parallel_loop3A_266, %parallel_loop3A_117 : i32
      %parallel_loop3A_268 = arith.index_cast %parallel_loop3A_267 : i32 to index
      %parallel_loop3A_269 = arith.constant 64 : index
      %parallel_loop3A_270 = tpu.vector_load %arg7[%parallel_loop3A_268, %parallel_loop3A_269] {strides = array<i32>} : memref<256x128xf32, #tpu.memory_space<vmem>>, vector<1x16xf32>,
      %parallel_loop3A_271 = vector.shape_cast %parallel_loop3A_270 : vector<1x16xf32> to vector<16xf32>
      %parallel_loop3A_272 = arith.constant 2 : i32
      %parallel_loop3A_273 = arith.muli %parallel_loop3A_272, %parallel_loop3A_117 : i32
      %parallel_loop3A_274 = arith.constant 1 : i32
      %parallel_loop3A_275 = arith.addi %parallel_loop3A_273, %parallel_loop3A_274 : i32
      %parallel_loop3A_276 = arith.index_cast %parallel_loop3A_275 : i32 to index
      %parallel_loop3A_277 = arith.constant 64 : index
      %parallel_loop3A_278 = tpu.vector_load %arg7[%parallel_loop3A_276, %parallel_loop3A_277] {strides = array<i32>} : memref<256x128xf32, #tpu.memory_space<vmem>>, vector<1x16xf32>,
      %parallel_loop3A_279 = vector.shape_cast %parallel_loop3A_278 : vector<1x16xf32> to vector<16xf32>
      %parallel_loop3A_280 = arith.addf %parallel_loop3A_271, %parallel_loop3A_279 : vector<16xf32>
      %parallel_loop3A_281 = arith.constant 5.000000e-01 : f32
      %parallel_loop3A_282 = vector.broadcast %parallel_loop3A_281 : f32 to vector<16xf32>
      %parallel_loop3A_283 = arith.mulf %parallel_loop3A_280, %parallel_loop3A_282 : vector<16xf32>
      %parallel_loop3A_284 = arith.addf %parallel_loop3A_283, %get3A_35 : vector<16xf32>
      %parallel_loop3A_285 = arith.constant 0 : i32
      %parallel_loop3A_286 = arith.index_cast %parallel_loop3A_141 : i32 to index
      %parallel_loop3A_287 = arith.index_cast %parallel_loop3A_285 : i32 to index
      %parallel_loop3A_288 = arith.index_cast %parallel_loop3A_157 : i32 to index
      %parallel_loop3A_289 = arith.constant 64 : index
      %parallel_loop3A_290 = tpu.vector_load %arg9[%parallel_loop3A_286, %parallel_loop3A_287, %parallel_loop3A_288, %parallel_loop3A_289] {strides = array<i32>} : memref<16x1x8x128xf32, #tpu.memory_space<vmem>>, vector<1x1x1x16xf32>,
      %parallel_loop3A_291 = vector.shape_cast %parallel_loop3A_290 : vector<1x1x1x16xf32> to vector<16xf32>
      %parallel_loop3A_292 = vector.shape_cast %parallel_loop3A_284 : vector<16xf32> to vector<1x1x1x16xf32>
      tpu.vector_store %arg9[%parallel_loop3A_286, %parallel_loop3A_287, %parallel_loop3A_288, %parallel_loop3A_289], %parallel_loop3A_292 {strides = array<i32>} : memref<16x1x8x128xf32, #tpu.memory_space<vmem>>, vector<1x1x1x16xf32>,
      %parallel_loop3A_293 = arith.constant 2 : i32
      %parallel_loop3A_294 = arith.muli %parallel_loop3A_293, %parallel_loop3A_117 : i32
      %parallel_loop3A_295 = arith.index_cast %parallel_loop3A_294 : i32 to index
      %parallel_loop3A_296 = arith.constant 80 : index
      %parallel_loop3A_297 = tpu.vector_load %arg7[%parallel_loop3A_295, %parallel_loop3A_296] {strides = array<i32>} : memref<256x128xf32, #tpu.memory_space<vmem>>, vector<1x16xf32>,
      %parallel_loop3A_298 = vector.shape_cast %parallel_loop3A_297 : vector<1x16xf32> to vector<16xf32>
      %parallel_loop3A_299 = arith.constant 2 : i32
      %parallel_loop3A_300 = arith.muli %parallel_loop3A_299, %parallel_loop3A_117 : i32
      %parallel_loop3A_301 = arith.constant 1 : i32
      %parallel_loop3A_302 = arith.addi %parallel_loop3A_300, %parallel_loop3A_301 : i32
      %parallel_loop3A_303 = arith.index_cast %parallel_loop3A_302 : i32 to index
      %parallel_loop3A_304 = arith.constant 80 : index
      %parallel_loop3A_305 = tpu.vector_load %arg7[%parallel_loop3A_303, %parallel_loop3A_304] {strides = array<i32>} : memref<256x128xf32, #tpu.memory_space<vmem>>, vector<1x16xf32>,
      %parallel_loop3A_306 = vector.shape_cast %parallel_loop3A_305 : vector<1x16xf32> to vector<16xf32>
      %parallel_loop3A_307 = arith.addf %parallel_loop3A_298, %parallel_loop3A_306 : vector<16xf32>
      %parallel_loop3A_308 = arith.constant 5.000000e-01 : f32
      %parallel_loop3A_309 = vector.broadcast %parallel_loop3A_308 : f32 to vector<16xf32>
      %parallel_loop3A_310 = arith.mulf %parallel_loop3A_307, %parallel_loop3A_309 : vector<16xf32>
      %parallel_loop3A_311 = arith.addf %parallel_loop3A_310, %get3A_35 : vector<16xf32>
      %parallel_loop3A_312 = arith.constant 0 : i32
      %parallel_loop3A_313 = arith.index_cast %parallel_loop3A_141 : i32 to index
      %parallel_loop3A_314 = arith.index_cast %parallel_loop3A_312 : i32 to index
      %parallel_loop3A_315 = arith.index_cast %parallel_loop3A_157 : i32 to index
      %parallel_loop3A_316 = arith.constant 80 : index
      %parallel_loop3A_317 = tpu.vector_load %arg9[%parallel_loop3A_313, %parallel_loop3A_314, %parallel_loop3A_315, %parallel_loop3A_316] {strides = array<i32>} : memref<16x1x8x128xf32, #tpu.memory_space<vmem>>, vector<1x1x1x16xf32>,
      %parallel_loop3A_318 = vector.shape_cast %parallel_loop3A_317 : vector<1x1x1x16xf32> to vector<16xf32>
      %parallel_loop3A_319 = vector.shape_cast %parallel_loop3A_311 : vector<16xf32> to vector<1x1x1x16xf32>
      tpu.vector_store %arg9[%parallel_loop3A_313, %parallel_loop3A_314, %parallel_loop3A_315, %parallel_loop3A_316], %parallel_loop3A_319 {strides = array<i32>} : memref<16x1x8x128xf32, #tpu.memory_space<vmem>>, vector<1x1x1x16xf32>,
      %parallel_loop3A_320 = arith.constant 2 : i32
      %parallel_loop3A_321 = arith.muli %parallel_loop3A_320, %parallel_loop3A_117 : i32
      %parallel_loop3A_322 = arith.index_cast %parallel_loop3A_321 : i32 to index
      %parallel_loop3A_323 = arith.constant 96 : index
      %parallel_loop3A_324 = tpu.vector_load %arg7[%parallel_loop3A_322, %parallel_loop3A_323] {strides = array<i32>} : memref<256x128xf32, #tpu.memory_space<vmem>>, vector<1x16xf32>,
      %parallel_loop3A_325 = vector.shape_cast %parallel_loop3A_324 : vector<1x16xf32> to vector<16xf32>
      %parallel_loop3A_326 = arith.constant 2 : i32
      %parallel_loop3A_327 = arith.muli %parallel_loop3A_326, %parallel_loop3A_117 : i32
      %parallel_loop3A_328 = arith.constant 1 : i32
      %parallel_loop3A_329 = arith.addi %parallel_loop3A_327, %parallel_loop3A_328 : i32
      %parallel_loop3A_330 = arith.index_cast %parallel_loop3A_329 : i32 to index
      %parallel_loop3A_331 = arith.constant 96 : index
      %parallel_loop3A_332 = tpu.vector_load %arg7[%parallel_loop3A_330, %parallel_loop3A_331] {strides = array<i32>} : memref<256x128xf32, #tpu.memory_space<vmem>>, vector<1x16xf32>,
      %parallel_loop3A_333 = vector.shape_cast %parallel_loop3A_332 : vector<1x16xf32> to vector<16xf32>
      %parallel_loop3A_334 = arith.addf %parallel_loop3A_325, %parallel_loop3A_333 : vector<16xf32>
      %parallel_loop3A_335 = arith.constant 5.000000e-01 : f32
      %parallel_loop3A_336 = vector.broadcast %parallel_loop3A_335 : f32 to vector<16xf32>
      %parallel_loop3A_337 = arith.mulf %parallel_loop3A_334, %parallel_loop3A_336 : vector<16xf32>
      %parallel_loop3A_338 = arith.addf %parallel_loop3A_337, %get3A_35 : vector<16xf32>
      %parallel_loop3A_339 = arith.constant 0 : i32
      %parallel_loop3A_340 = arith.index_cast %parallel_loop3A_141 : i32 to index
      %parallel_loop3A_341 = arith.index_cast %parallel_loop3A_339 : i32 to index
      %parallel_loop3A_342 = arith.index_cast %parallel_loop3A_157 : i32 to index
      %parallel_loop3A_343 = arith.constant 96 : index
      %parallel_loop3A_344 = tpu.vector_load %arg9[%parallel_loop3A_340, %parallel_loop3A_341, %parallel_loop3A_342, %parallel_loop3A_343] {strides = array<i32>} : memref<16x1x8x128xf32, #tpu.memory_space<vmem>>, vector<1x1x1x16xf32>,
      %parallel_loop3A_345 = vector.shape_cast %parallel_loop3A_344 : vector<1x1x1x16xf32> to vector<16xf32>
      %parallel_loop3A_346 = vector.shape_cast %parallel_loop3A_338 : vector<16xf32> to vector<1x1x1x16xf32>
      tpu.vector_store %arg9[%parallel_loop3A_340, %parallel_loop3A_341, %parallel_loop3A_342, %parallel_loop3A_343], %parallel_loop3A_346 {strides = array<i32>} : memref<16x1x8x128xf32, #tpu.memory_space<vmem>>, vector<1x1x1x16xf32>,
      %parallel_loop3A_347 = arith.constant 2 : i32
      %parallel_loop3A_348 = arith.muli %parallel_loop3A_347, %parallel_loop3A_117 : i32
      %parallel_loop3A_349 = arith.index_cast %parallel_loop3A_348 : i32 to index
      %parallel_loop3A_350 = arith.constant 112 : index
      %parallel_loop3A_351 = tpu.vector_load %arg7[%parallel_loop3A_349, %parallel_loop3A_350] {strides = array<i32>} : memref<256x128xf32, #tpu.memory_space<vmem>>, vector<1x16xf32>,
      %parallel_loop3A_352 = vector.shape_cast %parallel_loop3A_351 : vector<1x16xf32> to vector<16xf32>
      %parallel_loop3A_353 = arith.constant 2 : i32
      %parallel_loop3A_354 = arith.muli %parallel_loop3A_353, %parallel_loop3A_117 : i32
      %parallel_loop3A_355 = arith.constant 1 : i32
      %parallel_loop3A_356 = arith.addi %parallel_loop3A_354, %parallel_loop3A_355 : i32
      %parallel_loop3A_357 = arith.index_cast %parallel_loop3A_356 : i32 to index
      %parallel_loop3A_358 = arith.constant 112 : index
      %parallel_loop3A_359 = tpu.vector_load %arg7[%parallel_loop3A_357, %parallel_loop3A_358] {strides = array<i32>} : memref<256x128xf32, #tpu.memory_space<vmem>>, vector<1x16xf32>,
      %parallel_loop3A_360 = vector.shape_cast %parallel_loop3A_359 : vector<1x16xf32> to vector<16xf32>
      %parallel_loop3A_361 = arith.addf %parallel_loop3A_352, %parallel_loop3A_360 : vector<16xf32>
      %parallel_loop3A_362 = arith.constant 5.000000e-01 : f32
      %parallel_loop3A_363 = vector.broadcast %parallel_loop3A_362 : f32 to vector<16xf32>
      %parallel_loop3A_364 = arith.mulf %parallel_loop3A_361, %parallel_loop3A_363 : vector<16xf32>
      %parallel_loop3A_365 = arith.addf %parallel_loop3A_364, %get3A_35 : vector<16xf32>
      %parallel_loop3A_366 = arith.constant 0 : i32
      %parallel_loop3A_367 = arith.index_cast %parallel_loop3A_141 : i32 to index
      %parallel_loop3A_368 = arith.index_cast %parallel_loop3A_366 : i32 to index
      %parallel_loop3A_369 = arith.index_cast %parallel_loop3A_157 : i32 to index
      %parallel_loop3A_370 = arith.constant 112 : index
      %parallel_loop3A_371 = tpu.vector_load %arg9[%parallel_loop3A_367, %parallel_loop3A_368, %parallel_loop3A_369, %parallel_loop3A_370] {strides = array<i32>} : memref<16x1x8x128xf32, #tpu.memory_space<vmem>>, vector<1x1x1x16xf32>,
      %parallel_loop3A_372 = vector.shape_cast %parallel_loop3A_371 : vector<1x1x1x16xf32> to vector<16xf32>
      %parallel_loop3A_373 = vector.shape_cast %parallel_loop3A_365 : vector<16xf32> to vector<1x1x1x16xf32>
      tpu.vector_store %arg9[%parallel_loop3A_367, %parallel_loop3A_368, %parallel_loop3A_369, %parallel_loop3A_370], %parallel_loop3A_373 {strides = array<i32>} : memref<16x1x8x128xf32, #tpu.memory_space<vmem>>, vector<1x1x1x16xf32>,
    } {sc.loop_unroll_factor = 4 : i64, sc.parallel_access}
    %mul3A_93 = arith.constant 32 : i32
    %mul3A_94 = arith.constant 16 : i32
    %mul3A_95 = arith.muli %mul3A_93, %mul3A_94 : i32
    %min3A_96 = arith.constant 497 : i32
    %min3A_97 = arith.minsi %mul3A_95, %min3A_96 : i32
    %add3A_98 = arith.addi %min3A_33, %min3A_97 : i32
    %dma_start3A_99 = arith.constant 0 : i32
    %dma_start3A_100 = arith.constant 0 : i32
    %dma_start3A_101 = tpu.memref_slice %arg5[%add3A_98, %select_n3A_30, %dma_start3A_99, %dma_start3A_100] : memref<2049x8x8x128xf32, #tpu.memory_space<hbm>> -> memref<16x1x8x128xf32, #tpu.memory_space<hbm>>
    %dma_start3A_102 = arith.constant 0 : i32
    %dma_start3A_103 = arith.constant 0 : i32
    %dma_start3A_104 = tpu.memref_slice %arg5[%add3A_98, %select_n3A_30, %dma_start3A_102, %dma_start3A_103] : memref<2049x8x8x128xf32, #tpu.memory_space<hbm>> -> memref<16x1x8x128xf32, #tpu.memory_space<hbm>>
    tpu.enqueue_dma source(%arg9 : memref<16x1x8x128xf32, #tpu.memory_space<vmem>>) target(%dma_start3A_104 : memref<16x1x8x128xf32, #tpu.memory_space<hbm>>) target_semaphore(%arg14 : memref<!tpu.dma_semaphore, #tpu.memory_space<semaphore_mem>>)
    %dma_wait3A_105 = arith.constant 0 : i32
    %dma_wait3A_106 = arith.constant 0 : i32
    %dma_wait3A_107 = tpu.memref_slice %arg5[%min3A_33, %select_n3A_30, %dma_wait3A_105, %dma_wait3A_106] : memref<2049x8x8x128xf32, #tpu.memory_space<hbm>> -> memref<16x1x8x128xf32, #tpu.memory_space<hbm>>
    %dma_wait3A_108 = arith.constant 0 : i32
    %dma_wait3A_109 = arith.constant 0 : i32
    %dma_wait3A_110 = tpu.memref_slice %arg5[%min3A_33, %select_n3A_30, %dma_wait3A_108, %dma_wait3A_109] : memref<2049x8x8x128xf32, #tpu.memory_space<hbm>> -> memref<16x1x8x128xf32, #tpu.memory_space<hbm>>
    tpu.wait_dma2 semaphore(%arg14 : memref<!tpu.dma_semaphore, #tpu.memory_space<semaphore_mem>>) src(%arg9 : memref<16x1x8x128xf32, #tpu.memory_space<vmem>>) dst(%dma_wait3A_110 : memref<16x1x8x128xf32, #tpu.memory_space<hbm>>)
    %dma_wait3A_111 = arith.constant 0 : i32
    %dma_wait3A_112 = arith.constant 0 : i32
    %dma_wait3A_113 = tpu.memref_slice %arg5[%min3A_33, %select_n3A_30, %dma_wait3A_111, %dma_wait3A_112] : memref<2049x8x8x128xf32, #tpu.memory_space<hbm>> -> memref<16x1x8x128xf32, #tpu.memory_space<hbm>>
    %dma_wait3A_114 = arith.constant 0 : i32
    %dma_wait3A_115 = arith.constant 0 : i32
    %dma_wait3A_116 = tpu.memref_slice %arg5[%min3A_33, %select_n3A_30, %dma_wait3A_114, %dma_wait3A_115] : memref<2049x8x8x128xf32, #tpu.memory_space<hbm>> -> memref<16x1x8x128xf32, #tpu.memory_space<hbm>>
    tpu.wait_dma2 semaphore(%arg15 : memref<!tpu.dma_semaphore, #tpu.memory_space<semaphore_mem>>) src(%arg10 : memref<16x1x8x128xf32, #tpu.memory_space<vmem>>) dst(%dma_wait3A_116 : memref<16x1x8x128xf32, #tpu.memory_space<hbm>>)
    return
  }
}

</mosaic_0001>

<sc_bundles>
// kernel: kernel.3.cloned.1.call-start
scs
__scs_entry_jumppad:
0x0: {  	(pc) =	sbr.rel $0x88, $3  }
0x1: {  	(tag) =	ssettag $0x0;
	lr =	simm.s32 $0x1  }
0x2: {  	[smem:$0x3F9E] =	sst lr;
	_ =	strace $0xD0000000  }
0x3: {  	_ = 	snop  }
0x4: {  	_ = 	snop  }
0x5: {  	_ = 	snop  }
0x6: {  	_ = 	snop  }
0x7: {  	_ = 	snop  }
__scs_overlays_trampoline_lowered:
0x8: {  	[smem:$0x3FAD] =	sst s0  }
0x9: {  	[smem:$0x3FAE] =	sst s1  }
0xa: {  	[smem:$0x3FAF] =	sst s2  }
0xb: {  	[smem:$0x3FB0] =	sst s3  }
0xc: {  	[smem:$0x3FB1] =	sst s4  }
0xd: {  	[smem:$0x3FB2] =	sst s5  }
0xe: {  	[smem:$0x3FB3] =	sst s6  }
0xf: {  	[smem:$0x3FB4] =	sst s7  }
0x10: {  	[smem:$0x3FB5] =	sst s8  }
0x11: {  	[smem:$0x3FB6] =	sst s9;
	s0 =	simm.s32 @!p0 $0x0  }
0x12: {  	s1 =	sld [smem:$0x3F9C];
	s0 =	simm.s32 @p0 $0x1  }
0x13: {  	[smem:$0x3FB7] =	sst s0;
	s0 =	simm.s32 @!p1 $0x0  }
0x14: {  	s2 =	sld [smem:$0x3F9B];
	s0 =	simm.s32 @p1 $0x1  }
0x15: {  	[smem:$0x3FB8] =	sst s0;
	s0 =	simm.s32 @!p2 $0x0  }
0x16: {  	s3 =	sld [smem:$0x3FDB];
	s0 =	simm.s32 @p2 $0x1  }
0x17: {  	s4 =	simm.s32 $0x1BF5;
	[smem:$0x3FBA] =	sst s0  }
0x18: {  	s0 =	sld [smem:$0x3F9D];
	_ =	swait.ge [sflag:s4], $0x0  }
0x19: {  	s7 =	sld [smem:$0x3F9E]  }
0x1a: {  	s8 =	sadd.s32 $0xFFFFE003, lr  }
0x1b: {  	s9 =	sadd.s32 $0xFFFFFEF7, lr;
	s5 =	simm.s32 $0xFFFFFFFF;
	p2 =	slt.u32 s8, $0xFFFFF086  }
0x1c: {  	p1 =	slt.u32 s9, $0xF7A;
	s5 =	simm.s32 @!p2 $0x0  }
0x1d: {  	s5 =	simm.s32 @p1 $0x1;
	p0 =	seq.s32 s7, s2  }
0x1e: {  	s7 =	smul.u32 @!p0 $0xF7A, s2;
	p2 =	seq.s32 @!p0 s5, $0x0  }
0x1f: {  	s9 =	smul.u32 $0xF7A, s1;
	s8 =	simm.s32 @!p0 $0x1BF5;
	p2 =	por !p2, p0  }
0x20: {  	[sflag:s8] =	ssyncset.s32 @!p0 $0xFFFFF086;
	s6 =	sadd.s32 @!p0 s3, s7;
	s7 =	simm.s32 @!p0 $0x108  }
0x21: {  	s3 =	sadd.s32 s3, s9;
	s6 =	sadd.s32 @!p0 $0x88, s6;
	s7 =	simm.s32 @p2 $0x1082  }
0x22: {  	[simem:s7], [sflag:s8] =	dma.local @!p0 [hbm:s6], $0xF7A  }
0x23: {  	s9 =	sor.u32 $0xD0000000, s2;
	s6 =	simm.s32 $0x108;
	_ =	swait.ge @!p0 [sflag:s8], $0x0  }
0x24: {  	s3 =	sadd.s32 $0x88, s3;
	s6 =	simm.s32 @!p1 $0x1082;
	[sflag:s4] =	ssyncset.s32 $0xFFFFF086  }
0x25: {  	[simem:s6], [sflag:s4] =	dma.local [hbm:s3], $0xF7A  }
0x26: {  	[smem:$0x3F9E] =	sst s1;
	(tag) =	ssettag s2;
	_ =	strace s9  }
0x27: {  	s1 =	sld [smem:$0x3FAE]  }
0x28: {  	s2 =	sld [smem:$0x3FAF]  }
0x29: {  	s4 =	sld [smem:$0x3FB1]  }
0x2a: {  	p0 =	seq.s32 s5, $0x0;
	s5 =	sld [smem:$0x3FB2]  }
0x2b: {  	s6 =	sld [smem:$0x3FB3]  }
0x2c: {  	s7 =	sld [smem:$0x3FB4]  }
0x2d: {  	s3 =	simm.s32 $0x108;
	s8 =	sld [smem:$0x3FB5]  }
0x2e: {  	s3 =	simm.s32 @!p0 $0x1082;
	s9 =	sld [smem:$0x3FB6]  }
0x2f: {  	lr =	sadd.s32 s0, s3;
	s0 =	sld [smem:$0x3FAD]  }
0x30: {  	s3 =	sld [smem:$0x3FB0]  }
0x31: {  	[smem:$0x3FB9] =	sst s10  }
0x32: {  	s10 =	sld [smem:$0x3FB7];
	_ =	sdelay $0x3  }
0x33: {  	p0 =	seq.s32 s10, $0x1;
	s10 =	sld [smem:$0x3FB9];
	_ =	sdelay $0x3  }
0x34: {  	[smem:$0x3FB9] =	sst s10  }
0x35: {  	s10 =	sld [smem:$0x3FB8];
	_ =	sdelay $0x3  }
0x36: {  	p1 =	seq.s32 s10, $0x1;
	s10 =	sld [smem:$0x3FB9];
	_ =	sdelay $0x3  }
0x37: {  	[smem:$0x3FB9] =	sst s10  }
0x38: {  	s10 =	sld [smem:$0x3FBA]  }
0x39: {  	_ = 	snop;
	(pc) =	sbr.ind lr, $3  }
0x3a: {  	_ = 	snop  }
0x3b: {  	_ = 	snop  }
0x3c: {  	p2 =	seq.s32 s10, $0x1;
	s10 =	sld [smem:$0x3FB9]  }
0x3d: {  	_ =	shalt  }
0x3e: {  	_ =	shalt  }
0x3f: {  	_ =	shalt  }
0x40: {  	_ =	shalt  }
0x41: {  	_ =	shalt  }
0x42: {  	_ =	shalt  }
0x43: {  	_ =	shalt  }
0x44: {  	_ =	shalt  }
0x45: {  	_ =	shalt  }
0x46: {  	_ =	shalt  }
0x47: {  	_ =	shalt  }
0x48: {  	_ =	shalt  }
0x49: {  	_ =	shalt  }
0x4a: {  	_ =	shalt  }
0x4b: {  	_ =	shalt  }
0x4c: {  	_ =	shalt  }
0x4d: {  	_ =	shalt  }
0x4e: {  	_ =	shalt  }
0x4f: {  	_ =	shalt  }
0x50: {  	_ =	shalt  }
0x51: {  	_ =	shalt  }
0x52: {  	_ =	shalt  }
0x53: {  	_ =	shalt  }
0x54: {  	_ =	shalt  }
0x55: {  	_ =	shalt  }
0x56: {  	_ =	shalt  }
0x57: {  	_ =	shalt  }
0x58: {  	_ =	shalt  }
0x59: {  	_ =	shalt  }
0x5a: {  	_ =	shalt  }
0x5b: {  	_ =	shalt  }
0x5c: {  	_ =	shalt  }
0x5d: {  	_ =	shalt  }
0x5e: {  	_ =	shalt  }
0x5f: {  	_ =	shalt  }
0x60: {  	_ =	shalt  }
0x61: {  	_ =	shalt  }
0x62: {  	_ =	shalt  }
0x63: {  	_ =	shalt  }
0x64: {  	_ =	shalt  }
0x65: {  	_ =	shalt  }
0x66: {  	_ =	shalt  }
0x67: {  	_ =	shalt  }
0x68: {  	_ =	shalt  }
0x69: {  	_ =	shalt  }
0x6a: {  	_ =	shalt  }
0x6b: {  	_ =	shalt  }
0x6c: {  	_ =	shalt  }
0x6d: {  	_ =	shalt  }
0x6e: {  	_ =	shalt  }
0x6f: {  	_ =	shalt  }
0x70: {  	_ =	shalt  }
0x71: {  	_ =	shalt  }
0x72: {  	_ =	shalt  }
0x73: {  	_ =	shalt  }
0x74: {  	_ =	shalt  }
0x75: {  	_ =	shalt  }
0x76: {  	_ =	shalt  }
0x77: {  	_ =	shalt  }
0x78: {  	_ =	shalt  }
0x79: {  	_ =	shalt  }
0x7a: {  	_ =	shalt  }
0x7b: {  	_ =	shalt  }
0x7c: {  	_ =	shalt  }
0x7d: {  	_ =	shalt  }
0x7e: {  	_ =	shalt  }
0x7f: {  	_ =	shalt  }
0x80: {  	_ =	shalt  }
0x81: {  	_ =	shalt  }
0x82: {  	_ =	shalt  }
0x83: {  	_ =	shalt  }
0x84: {  	_ =	shalt  }
0x85: {  	_ =	shalt  }
0x86: {  	_ =	shalt  }
0x87: {  	_ =	shalt  }
.Lfunc_end0:
.L_simem_size_0:
called_computation_lowered:
.L_overlay_start_0:
0x88: {  	s2 =	sld [smem:$0x3FD9]  }
0x89: {  	s3 =	sld [smem:$0x3FFE];
	_ =	sdelay $0x1  }
0x8a: {  	s1 =	srdreg.scid  }
0x8b: {  	s0 =	sand.u32 $0x1, s1  }
0x8c: {  	s14 =	sshll.u32 s0, $0xA;
	s2 =	sadd.s32 s3, s2  }
0x8d: {  	s2 =	sadd.s32 s2, s14  }
0x8e: {  	[smem:$0x3FC5] =	sst s2  }
0x8f: {  	_ = 	snop  }
0x90: {  	s2 =	sld [smem:$0x3FD0];
	_ =	sdelay $0x2  }
0x91: {  	s4 =	simm.s32 $0xA;
	s5 =	simm.s32 $0x10;
	s15 =	sld [smem:$0x3FC9]  }
0x92: {  	[smem:s5], [sflag:s4] =	dma.local [hbm:s2], $0x1  }
0x93: {  	_ =	swait.eq [sflag:s4], $0x1  }
0x94: {  	[sflag:s4] =	ssyncset.done $0x0  }
0x95: {  	s16 =	sld [smem:$0x10];
	[sflag:s4] =	ssyncadd.s32 $0xFFFFFFFF  }
0x96: {  	s17 =	sld [smem:$0x13];
	(tm) =	ssettm $0x1  }
0x97: {  	s18 =	sld [smem:$0x3FFB];
	_ =	sdelay $0x3  }
0x98: {  	_ =	strace s18  }
0x99: {  	s5 =	sld [smem:$0x3FFC];
	_ =	sdelay $0x3  }
0x9a: {  	_ =	strace s5  }
0x9b: {  	s5 =	sld [smem:$0x3FFD];
	_ =	sdelay $0x3  }
0x9c: {  	_ =	strace s5  }
0x9d: {  	_ =	strace $0x8FFFFFFF  }
0x9e: {  	s19 =	sld [smem:$0x3FDB];
	_ =	sdelay $0x1  }
0x9f: {  	s6 =	simm.s32 $_scs_section_size  }
0xa0: {  	s7 =	simm.s32 $_size__tile_overlayer_lowered;
	s8 =	simm.s32 $_tile_overlayer_lowered  }
0xa1: {  	s22 =	simm.s32 $0x1BFF;
	s21 =	sshll.u32 s8, $0x1;
	s5 =	sadd.s32 s6, s19  }
0xa2: {  	s9 =	simm.s32 $0x0;
	s20 =	sshll.u32 s7, $0x1;
	s7 =	sadd.s32 s21, s5  }
0xa3: {  	[timem:s9], [sflag:s22] =	dma.local [hbm:s7], s20  }
0xa4: {  	_ =	swait.ge [sflag:s22], s20  }
0xa5: {  	s6 =	ssub.s32 $0x0, s20;
	[sflag:s22] =	ssyncset.done $0x0  }
0xa6: {  	[sflag:s22] =	ssyncadd.s32 s6;
	_ =	sdelay $0x1  }
0xa7: {  	s23 =	simm.s32 $0x1B8B  }
0xa8: {  	_ =	swait.ge [sflag:s23], $0x1  }
0xa9: {  	[sflag:s23] =	ssyncset.done $0x0  }
0xaa: {  	s25 =	simm.s32 $0x1B8E;
	s24 =	sld [smem:$0x3FFE];
	[sflag:s23] =	ssyncadd.s32 $0xFFFFFFFF  }
0xab: {  	s26 =	simm.s32 $execute0_lowered;
	[smem:$0x3FD2] =	sst s25  }
0xac: {  	s7 =	sshll.u32 s26, $0x1;
	_ =	strace $0x80000046;
	[dreg:$0x1] =	wrdreg $0xFFFFFFFF  }
0xad: {  	s28 =	simm.s32 $_size_execute0_lowered;
	s5 =	sadd.s32 s5, s7;
	[dreg:$0x0] =	wrdreg $0x0  }
0xae: {  	s7 =	sshll.u32 s28, $0x1;
	[dreg:$0x2] =	wrdreg s5  }
0xaf: {  	[dreg:$0x3] =	wrdreg s7  }
0xb0: {  	[dreg:$0x4] =	wrdreg $0xC0  }
0xb1: {  	_ =	task [dreg:s9], $0x5FFFF  }
0xb2: {  	[dreg:$0x1] =	wrdreg $0xFFFFFFFF  }
0xb3: {  	[dreg:$0x0] =	wrdreg $0x60  }
0xb4: {  	[dreg:$0x2] =	wrdreg s15  }
0xb5: {  	[dreg:$0x3] =	wrdreg s24  }
0xb6: {  	[dreg:$0x4] =	wrdreg s17  }
0xb7: {  	[dreg:$0x5] =	wrdreg s16  }
0xb8: {  	[dreg:$0x6] =	wrdreg $0x9  }
0xb9: {  	_ =	task.clear_ibuf [dreg:s9], $0x7FFFF;
	_ =	strace $0x90000046  }
0xba: {  	s29 =	simm.s32 $0x9;
	_ =	strace $0x80000048  }
0xbb: {  	_ =	swait.ge [sflag:s29], $0x1  }
0xbc: {  	[sflag:s29] =	ssyncadd.s32 $0xFFFFFFFF  }
0xbd: {  	_ =	strace $0x90000048  }
0xbe: {  	_ =	sfence  }
0xbf: {  	s30 =	sld [smem:$0x0];
	_ =	sdelay $0x2  }
0xc0: {  	s31 =	sshll.u32 s1, $0xD;
	s1 =	sshrl.u32 s1, $0x2  }
0xc1: {  	s3 =	sand.u32 $0x4000, s31;
	s1 =	sadd.s32 s1, s30  }
0xc2: {  	s0 =	sor.u32 s3, s0;
	s1 =	sshll.u32 s1, $0x11  }
0xc3: {  	s0 =	sor.u32 s1, s0  }
0xc4: {  	s0 =	sadd.s32 $0x8F2B, s0  }
0xc5: {  	[sflag:s0] =	ssyncadd.remote.s32 $0x1  }
0xc6: {  	_ =	sfence.sel $0xFFFF  }
0xc7: {  	[dreg:$0x0] =	wrdreg $0xFFFFFFFF;
	(pc) =	sbr.abs _section_cstart, $3  }
0xc8: {  	[dreg:$0x1] =	wrdreg $0xFFFFFFFF  }
0xc9: {  	_ =	task.clear_ibuf [dreg:s9], $0x2FFFF;
	_ =	strace $0x9FFFFFFF  }
0xca: {  	(tm) =	ssettm $0x7FFFFFFF  }
0xcb: {  	_ =	shalt  }
tec
execute0_lowered:
.L_overlay_start_1:
0x0: {  	(tag) =	ssettag $0x1  }
0x1: {  	s1 =	rddreg [dreg:$0x0]  }
0x2: {  	s0 =	rddreg [dreg:$0x1]  }
0x3: {  	s4 =	rddreg [dreg:$0x3];
	s3 =	simm.s32 $0x0;
	s2 =	srdreg.scid  }
0x4: {  	s6 =	stileid.u32;
	s12 =	simm.s32 $0x80;
	s13 =	simm.s32 $0x2100  }
0x5: {  	s14 =	simm.s32 $0x6100;
	s15 =	simm.s32 $0xA100;
	s16 =	simm.s32 $0xE100  }
0x6: {  	s17 =	simm.s32 $0x1;
	s18 =	simm.s32 $0x400;
	s19 =	simm.s32 $0x2000  }
0x7: {  	s20 =	simm.s32 $0x12100;
	s21 =	simm.s32 $0x2;
	s22 =	simm.s32 $0x16100  }
0x8: {  	[smem:$0x7FF] =	sst s3;
	s2 =	sand.u32 $0x1, s2;
	s28 =	sshrl.u32 s6, $0x2  }
0x9: {  	s6 =	sshll.u32 s6, $0x1;
	s5 =	ssub.s32 $0x2, s2;
	s3 =	smul.u32 $0x201, s28  }
0xa: {  	_ =	strace $0x80000047;
	s2 =	sor.u32 s2, s6;
	s7 =	sshrl.u32 s5, $0x1  }
0xb: {  	s6 =	sand.u32 $0x7, s2;
	s2 =	smul.u32 $0x420, s2;
	s3 =	smin.u32 s3, $0x600  }
0xc: {  	s5 =	ssub.s32 s5, s7;
	s29 =	sshll.u32 s6, $0xA;
	s8 =	sshll.u32 s3, $0xA  }
0xd: {  	s6 =	sshll.u32 s6, $0x7;
	s0 =	sadd.s32 s0, s2;
	s8 =	sadd.s32 s8, s4  }
0xe: {  	s31 =	smax.u32 s5, $0x1;
	[dreg:$0x5] =	wrdreg s0;
	s30 =	sadd.s32 s6, s8  }
0xf: {  	s3 =	sshll.u32 s3, $0xD;
	[dreg:$0x7] =	wrdreg s31;
	s0 =	sadd.s32 $0x7C400, s30  }
0x10: {  	s25 =	simm.s32 $0x0;
	s7 =	sor.u32 s29, s3;
	[dreg:$0x6] =	wrdreg s0  }
.LBB2_1:
0x11: {  	s2 =	simm.s32 $0x0;
	s0 =	rddreg [dreg:$0x5];
	s3 =	simm.s32 $0x5  }
0x12: {  	[tilespmem:s2], [sflag:$0x5] =	stream.linear.gather [hbm4b:s0+s2], $0x2100, $0x38;
	[tilespmem:$0x1A110] =	vst v63  }
0x13: {  	_ =	swait.ge [sflag:s3], $0x2100  }
0x14: {  	[sflag:s3] =	ssyncset.done $0x0  }
0x15: {  	[sflag:s3] =	ssyncadd.s32 $0xFFFFDF00  }
0x16: {  	s5 =	simm.s32 $0x1A100;
	s31 =	rddreg [dreg:$0x2]  }
0x17: {  	[tilespmem:s5], [sflag:$0x5] =	stream.linear.gather [hbm4b:s31+s2], $0x10, $0x38;
	[tilespmem:$0x1A110] =	vst v63  }
0x18: {  	_ =	swait.ge [sflag:s3], $0x10  }
0x19: {  	[sflag:s3] =	ssyncset.done $0x0  }
0x1a: {  	[sflag:s3] =	ssyncadd.s32 $0xFFFFFFF0  }
0x1b: {  	v0 =	vld [tilespmem:$0x1A100];
	_ =	sdelay $0x1  }
0x1c: {  	[tilespmem:s13], [sflag:$0x1] =	stream.indirect.gather [hbm4b:s1+s12], $0x80, s2, s12, $0xb8;
	[tilespmem:$0x1A110] =	vst v63  }
0x1d: {  	s26 =	simm.s32 $0x0  }
0x1e: {  	[tilespmem:s14], [sflag:$0x1] =	stream.indirect.gather [hbm4b:s1+s12], $0x80, s12, s12, $0xb8;
	[tilespmem:$0x1A110] =	vst v63  }
.LBB2_2:
0x1f: {  	s28 =	sshllo.u32 s26, $0x1  }
0x20: {  	s0 =	sshll.u32 s28, $0x8  }
0x21: {  	s0 =	sand.u32 $0x3FFFFF00, s0  }
0x22: {  	[tilespmem:s15], [sflag:$0x2] =	stream.indirect.gather [hbm4b:s1+s12], $0x80, s0, s12, $0xb8;
	[tilespmem:$0x1A110] =	vst v63  }
0x23: {  	s0 =	sor.u32 $0x80, s0  }
0x24: {  	[tilespmem:s16], [sflag:$0x2] =	stream.indirect.gather [hbm4b:s1+s12], $0x80, s0, s12, $0xb8;
	[tilespmem:$0x1A110] =	vst v63  }
0x25: {  	_ =	swait.ge [sflag:s17], $0x4000  }
0x26: {  	[sflag:s17] =	ssyncset.done $0x0  }
0x27: {  	[sflag:s17] =	ssyncadd.s32 $0xFFFFC000  }
0x28: {  	_ =	swait.ge [sflag:s17], $0x4000  }
0x29: {  	p0 =	seq.s32 s26, $0x0;
	[sflag:s17] =	ssyncset.done $0x0  }
0x2a: {  	s0 =	simm.s32 @!p0 $0x3;
	[sflag:s17] =	ssyncadd.s32 $0xFFFFC000  }
0x2b: {  	_ =	swait.ge @!p0 [sflag:s0], $0x4000  }
0x2c: {  	[sflag:s0] =	ssyncset.done @!p0 $0x0  }
0x2d: {  	s8 =	simm.s32 $0x2300;
	[sflag:s0] =	ssyncadd.s32 @!p0 $0xFFFFC000  }
0x2e: {  	v1 =	vld [tilespmem:s8+$0x100]  }
0x2f: {  	v2 =	vld [tilespmem:s8+$0x180];
	_ =	sdelay $0x3  }
0x30: {  	v3 =	vld [tilespmem:s8+$0xFFFFFF00]  }
0x31: {  	v4 =	vld [tilespmem:s8+$0xFFFFFF80];
	v1 =	vadd.f32 v2, v1  }
0x32: {  	v5 =	vld [tilespmem:s8+$0xFFFFFE00]  }
0x33: {  	s23 =	simm.s32 $0x0;
	v2 =	vld [tilespmem:s8+$0xFFFFFE80];
	v1 =	vmul.f32 $5.000000000e-01, v1  }
0x34: {  	s2 =	simm.s32 $0x180;
	s0 =	sand.u32 $0x3C00, s23;
	v6 =	vld [tilespmem:s8+$0x0]  }
0x35: {  	s2 =	sand.u32 $0x380, s2;
	v7 =	vld [tilespmem:s8+$0x80];
	s0 =	sadd.s32 $0x12100, s0;
	v1 =	vadd.f32 v1, v0  }
0x36: {  	s9 =	sadd.s32 s2, s0;
	v3 =	vadd.f32 v4, v3  }
0x37: {  	[tilespmem:s9+$0x0] =	vst v1  }
0x38: {  	v2 =	vadd.f32 v2, v5;
	v1 =	vmul.f32 $5.000000000e-01, v3;
	v3 =	vld [tilespmem:s8+$0x110]  }
0x39: {  	s24 =	simm.s32 $0x80;
	v4 =	vld [tilespmem:s8+$0x190]  }
0x3a: {  	s2 =	sand.u32 $0x280, s24;
	v5 =	vadd.f32 v7, v6;
	v2 =	vmul.f32 $5.000000000e-01, v2;
	v1 =	vadd.f32 v1, v0  }
0x3b: {  	s29 =	sor.u32 s2, s0  }
0x3c: {  	v5 =	vmul.f32 $5.000000000e-01, v5;
	[tilespmem:s29+$0x0] =	vst v1;
	v1 =	vadd.f32 v2, v0  }
0x3d: {  	s5 =	simm.s32 $0x12140;
	s3 =	simm.s32 $0x100;
	v2 =	vld [tilespmem:s8+$0xFFFFFF10]  }
0x3e: {  	s2 =	sand.u32 $0x300, s3;
	v5 =	vadd.f32 v5, v0;
	v6 =	vld [tilespmem:s8+$0xFFFFFF90];
	v3 =	vadd.f32 v4, v3;
	[tilespmem:s5+$0xFFFFFFC0] =	vst v1  }
0x3f: {  	s30 =	sadd.s32 s2, s0;
	v1 =	vld [tilespmem:s8+$0xFFFFFE10]  }
0x40: {  	[tilespmem:s30+$0x0] =	vst v5;
	v4 =	vld [tilespmem:s8+$0xFFFFFE90];
	v3 =	vmul.f32 $5.000000000e-01, v3  }
0x41: {  	v5 =	vld [tilespmem:s8+$0x10]  }
0x42: {  	v7 =	vld [tilespmem:s8+$0x90];
	v3 =	vadd.f32 v3, v0  }
0x43: {  	v2 =	vadd.f32 v6, v2  }
0x44: {  	[tilespmem:s9+$0x10] =	vst v3  }
0x45: {  	v2 =	vmul.f32 $5.000000000e-01, v2;
	v1 =	vadd.f32 v4, v1;
	v3 =	vld [tilespmem:s8+$0x120]  }
0x46: {  	v4 =	vld [tilespmem:s8+$0x1A0]  }
0x47: {  	v5 =	vadd.f32 v7, v5;
	v2 =	vadd.f32 v2, v0;
	v1 =	vmul.f32 $5.000000000e-01, v1;
	_ =	sdelay $0x1  }
0x48: {  	[tilespmem:s29+$0x10] =	vst v2;
	v2 =	vmul.f32 $5.000000000e-01, v5;
	v1 =	vadd.f32 v1, v0  }
0x49: {  	v5 =	vld [tilespmem:s8+$0xFFFFFF20]  }
0x4a: {  	v6 =	vld [tilespmem:s8+$0xFFFFFFA0];
	v2 =	vadd.f32 v2, v0;
	[tilespmem:s5+$0xFFFFFFD0] =	vst v1;
	v1 =	vadd.f32 v4, v3  }
0x4b: {  	v3 =	vld [tilespmem:s8+$0xFFFFFE20]  }
0x4c: {  	[tilespmem:s30+$0x10] =	vst v2;
	v2 =	vld [tilespmem:s8+$0xFFFFFEA0];
	v1 =	vmul.f32 $5.000000000e-01, v1  }
0x4d: {  	v4 =	vld [tilespmem:s8+$0x20]  }
0x4e: {  	v7 =	vld [tilespmem:s8+$0xA0];
	v1 =	vadd.f32 v1, v0  }
0x4f: {  	v5 =	vadd.f32 v6, v5  }
0x50: {  	[tilespmem:s9+$0x20] =	vst v1  }
0x51: {  	v1 =	vmul.f32 $5.000000000e-01, v5;
	v2 =	vadd.f32 v2, v3;
	v3 =	vld [tilespmem:s8+$0x130]  }
0x52: {  	v5 =	vld [tilespmem:s8+$0x1B0]  }
0x53: {  	v1 =	vadd.f32 v1, v0;
	v4 =	vadd.f32 v7, v4;
	v2 =	vmul.f32 $5.000000000e-01, v2;
	_ =	sdelay $0x1  }
0x54: {  	[tilespmem:s29+$0x20] =	vst v1;
	v1 =	vadd.f32 v2, v0;
	v2 =	vmul.f32 $5.000000000e-01, v4  }
0x55: {  	v4 =	vld [tilespmem:s8+$0xFFFFFF30]  }
0x56: {  	v6 =	vld [tilespmem:s8+$0xFFFFFFB0];
	[tilespmem:s5+$0xFFFFFFE0] =	vst v1;
	v1 =	vadd.f32 v2, v0;
	v2 =	vadd.f32 v5, v3  }
0x57: {  	v3 =	vld [tilespmem:s8+$0xFFFFFE30]  }
0x58: {  	v5 =	vld [tilespmem:s8+$0xFFFFFEB0];
	[tilespmem:s30+$0x20] =	vst v1;
	v1 =	vmul.f32 $5.000000000e-01, v2  }
0x59: {  	v2 =	vld [tilespmem:s8+$0x30]  }
0x5a: {  	v7 =	vld [tilespmem:s8+$0xB0];
	v1 =	vadd.f32 v1, v0  }
0x5b: {  	v4 =	vadd.f32 v6, v4  }
0x5c: {  	[tilespmem:s9+$0x30] =	vst v1  }
0x5d: {  	v1 =	vmul.f32 $5.000000000e-01, v4;
	v3 =	vadd.f32 v5, v3;
	v4 =	vld [tilespmem:s8+$0x140]  }
0x5e: {  	v5 =	vld [tilespmem:s8+$0x1C0]  }
0x5f: {  	v1 =	vadd.f32 v1, v0;
	v3 =	vmul.f32 $5.000000000e-01, v3;
	v2 =	vadd.f32 v7, v2;
	_ =	sdelay $0x1  }
0x60: {  	s31 =	simm.s32 $0x2700;
	[tilespmem:s29+$0x30] =	vst v1;
	v1 =	vadd.f32 v3, v0;
	v2 =	vmul.f32 $5.000000000e-01, v2  }
0x61: {  	v8 =	vld [tilespmem:s31+$0x100]  }
0x62: {  	v9 =	vld [tilespmem:s31+$0x180];
	[tilespmem:s5+$0xFFFFFFF0] =	vst v1;
	v1 =	vadd.f32 v2, v0;
	v2 =	vadd.f32 v5, v4  }
0x63: {  	v4 =	vld [tilespmem:s8+$0xFFFFFE40]  }
0x64: {  	v5 =	vld [tilespmem:s8+$0xFFFFFEC0];
	[tilespmem:s30+$0x30] =	vst v1;
	v1 =	vmul.f32 $5.000000000e-01, v2  }
0x65: {  	v3 =	vld [tilespmem:s8+$0xFFFFFF40]  }
0x66: {  	v6 =	vld [tilespmem:s8+$0xFFFFFFC0];
	v1 =	vadd.f32 v1, v0  }
0x67: {  	v10 =	vld [tilespmem:s31+$0xFFFFFE80]  }
0x68: {  	v11 =	vld [tilespmem:s31+$0xFFFFFF80];
	[tilespmem:s9+$0x40] =	vst v1  }
0x69: {  	v4 =	vadd.f32 v5, v4;
	v1 =	vld [tilespmem:s8+$0x150]  }
0x6a: {  	v5 =	vld [tilespmem:s8+$0x1D0]  }
0x6b: {  	v12 =	vld [tilespmem:s31+$0x80];
	v3 =	vadd.f32 v6, v3;
	v4 =	vmul.f32 $5.000000000e-01, v4  }
0x6c: {  	v6 =	vld [tilespmem:s31+$0xFFFFFF00]  }
0x6d: {  	v8 =	vadd.f32 v9, v8;
	v9 =	vld [tilespmem:s31+$0x0];
	v3 =	vmul.f32 $5.000000000e-01, v3;
	v4 =	vadd.f32 v4, v0  }
0x6e: {  	v2 =	vld [tilespmem:s8+$0x40]  }
0x6f: {  	s11 =	simm.s32 $0x200;
	v8 =	vmul.f32 $5.000000000e-01, v8;
	v3 =	vadd.f32 v3, v0;
	v1 =	vadd.f32 v5, v1;
	[tilespmem:s5+$0x0] =	vst v4;
	v4 =	vld [tilespmem:s31+$0xFFFFFE00]  }
0x70: {  	s10 =	simm.s32 $0x380;
	s6 =	sand.u32 $0x3C00, s11;
	v7 =	vld [tilespmem:s8+$0xC0]  }
0x71: {  	s23 =	sand.u32 $0x380, s10;
	s3 =	sadd.s32 $0x12100, s6;
	[tilespmem:s29+$0x40] =	vst v3;
	v3 =	vadd.f32 v11, v6;
	v5 =	vadd.f32 v8, v0;
	v8 =	vld [tilespmem:s8+$0xFFFFFE50];
	v1 =	vmul.f32 $5.000000000e-01, v1  }
0x72: {  	s0 =	sadd.s32 s23, s3;
	v6 =	vld [tilespmem:s8+$0xFFFFFED0]  }
0x73: {  	v9 =	vadd.f32 v12, v9;
	v3 =	vmul.f32 $5.000000000e-01, v3;
	[tilespmem:s0+$0x0] =	vst v5;
	v5 =	vld [tilespmem:s8+$0xFFFFFF50];
	v1 =	vadd.f32 v1, v0  }
0x74: {  	s24 =	simm.s32 $0x280;
	v11 =	vld [tilespmem:s31+$0x110];
	v4 =	vadd.f32 v10, v4  }
0x75: {  	s2 =	sand.u32 $0x280, s24;
	v10 =	vld [tilespmem:s31+$0x190];
	[tilespmem:s9+$0x50] =	vst v1;
	v1 =	vadd.f32 v3, v0;
	v3 =	vmul.f32 $5.000000000e-01, v9  }
0x76: {  	s6 =	simm.s32 $0x300;
	s2 =	sor.u32 s2, s3;
	v9 =	vld [tilespmem:s8+$0x160];
	v4 =	vmul.f32 $5.000000000e-01, v4  }
0x77: {  	s6 =	sand.u32 $0x300, s6;
	v2 =	vadd.f32 v7, v2;
	v58 =	vld [tilespmem:s8+$0x1E0];
	[tilespmem:s2+$0x0] =	vst v1;
	v1 =	vadd.f32 v3, v0  }
0x78: {  	s3 =	sadd.s32 s6, s3;
	v4 =	vadd.f32 v4, v0;
	v7 =	vld [tilespmem:s31+$0xFFFFFF10]  }
0x79: {  	s6 =	simm.s32 $0x12340;
	v2 =	vmul.f32 $5.000000000e-01, v2;
	[tilespmem:s3+$0x0] =	vst v1;
	v1 =	vld [tilespmem:s31+$0xFFFFFF90]  }
0x7a: {  	v3 =	vld [tilespmem:s8+$0xFFFFFFD0];
	v10 =	vadd.f32 v10, v11;
	[tilespmem:s6+$0xFFFFFFC0] =	vst v4  }
0x7b: {  	v2 =	vadd.f32 v2, v0;
	v11 =	vld [tilespmem:s31+$0xFFFFFE10]  }
0x7c: {  	v10 =	vmul.f32 $5.000000000e-01, v10;
	v9 =	vadd.f32 v58, v9;
	v59 =	vld [tilespmem:s31+$0xFFFFFE90]  }
0x7d: {  	[tilespmem:s30+$0x40] =	vst v2;
	v2 =	vadd.f32 v6, v8;
	v4 =	vld [tilespmem:s31+$0x10]  }
0x7e: {  	v6 =	vld [tilespmem:s31+$0x90];
	v8 =	vadd.f32 v10, v0;
	v9 =	vmul.f32 $5.000000000e-01, v9;
	v1 =	vadd.f32 v1, v7  }
0x7f: {  	v2 =	vmul.f32 $5.000000000e-01, v2;
	v7 =	vld [tilespmem:s8+$0x50]  }
0x80: {  	[tilespmem:s0+$0x10] =	vst v8;
	v8 =	vld [tilespmem:s8+$0xD0];
	v9 =	vadd.f32 v9, v0;
	v1 =	vmul.f32 $5.000000000e-01, v1  }
0x81: {  	v2 =	vadd.f32 v2, v0;
	v10 =	vld [tilespmem:s31+$0x120];
	v11 =	vadd.f32 v59, v11  }
0x82: {  	v60 =	vld [tilespmem:s31+$0x1A0];
	[tilespmem:s9+$0x60] =	vst v9;
	v1 =	vadd.f32 v1, v0  }
0x83: {  	[tilespmem:s5+$0x10] =	vst v2;
	v2 =	vadd.f32 v6, v4;
	v9 =	vld [tilespmem:s8+$0x170];
	v4 =	vmul.f32 $5.000000000e-01, v11  }
0x84: {  	[tilespmem:s2+$0x10] =	vst v1;
	v1 =	vld [tilespmem:s8+$0xFFFFFE60]  }
0x85: {  	v3 =	vadd.f32 v3, v5;
	v2 =	vmul.f32 $5.000000000e-01, v2;
	v4 =	vadd.f32 v4, v0;
	v5 =	vld [tilespmem:s31+$0xFFFFFF20]  }
0x86: {  	v11 =	vld [tilespmem:s31+$0xFFFFFFA0]  }
0x87: {  	v3 =	vmul.f32 $5.000000000e-01, v3;
	v2 =	vadd.f32 v2, v0;
	[tilespmem:s6+$0xFFFFFFD0] =	vst v4;
	v4 =	vadd.f32 v60, v10;
	v10 =	vld [tilespmem:s8+$0xFFFFFEE0]  }
0x88: {  	v61 =	vld [tilespmem:s31+$0xFFFFFE20]  }
0x89: {  	v3 =	vadd.f32 v3, v0;
	v7 =	vadd.f32 v8, v7;
	[tilespmem:s3+$0x10] =	vst v2;
	v2 =	vld [tilespmem:s31+$0xFFFFFEA0]  }
0x8a: {  	v8 =	vld [tilespmem:s31+$0x20];
	v4 =	vmul.f32 $5.000000000e-01, v4  }
0x8b: {  	[tilespmem:s29+$0x50] =	vst v3;
	v3 =	vmul.f32 $5.000000000e-01, v7;
	v7 =	vld [tilespmem:s31+$0xA0]  }
0x8c: {  	v6 =	vld [tilespmem:s8+$0x1F0];
	v5 =	vadd.f32 v11, v5;
	v4 =	vadd.f32 v4, v0  }
0x8d: {  	v11 =	vld [tilespmem:s8+$0xFFFFFF60];
	v1 =	vadd.f32 v10, v1  }
0x8e: {  	v3 =	vadd.f32 v3, v0;
	v5 =	vmul.f32 $5.000000000e-01, v5;
	[tilespmem:s0+$0x20] =	vst v4;
	v4 =	vld [tilespmem:s8+$0xFFFFFFE0];
	v2 =	vadd.f32 v2, v61  }
0x8f: {  	v10 =	vld [tilespmem:s31+$0x130];
	v1 =	vmul.f32 $5.000000000e-01, v1  }
0x90: {  	[tilespmem:s30+$0x50] =	vst v3;
	v7 =	vadd.f32 v7, v8;
	v3 =	vadd.f32 v5, v0;
	v5 =	vld [tilespmem:s31+$0x1B0];
	v2 =	vmul.f32 $5.000000000e-01, v2  }
0x91: {  	v8 =	vld [tilespmem:s8+$0x60];
	v1 =	vadd.f32 v1, v0  }
0x92: {  	v7 =	vmul.f32 $5.000000000e-01, v7;
	[tilespmem:s2+$0x20] =	vst v3;
	v3 =	vld [tilespmem:s8+$0xE0];
	v2 =	vadd.f32 v2, v0  }
0x93: {  	v62 =	vld [tilespmem:s31+$0xFFFFFF30];
	[tilespmem:s5+$0x20] =	vst v1  }
0x94: {  	v1 =	vadd.f32 v4, v11;
	v4 =	vld [tilespmem:s31+$0xFFFFFFB0];
	[tilespmem:s6+$0xFFFFFFE0] =	vst v2;
	v2 =	vadd.f32 v7, v0  }
0x95: {  	v5 =	vadd.f32 v5, v10;
	v10 =	vld [tilespmem:s31+$0xFFFFFE30]  }
0x96: {  	v1 =	vmul.f32 $5.000000000e-01, v1;
	v11 =	vld [tilespmem:s31+$0xFFFFFEB0];
	[tilespmem:s3+$0x20] =	vst v2  }
0x97: {  	v2 =	vmul.f32 $5.000000000e-01, v5;
	v5 =	vld [tilespmem:s31+$0x30]  }
0x98: {  	v1 =	vadd.f32 v1, v0;
	v3 =	vadd.f32 v3, v8;
	v8 =	vld [tilespmem:s31+$0xB0]  }
0x99: {  	v7 =	vld [tilespmem:s8+$0xFFFFFE70];
	v4 =	vadd.f32 v4, v62;
	v2 =	vadd.f32 v2, v0  }
0x9a: {  	[tilespmem:s29+$0x60] =	vst v1;
	v1 =	vmul.f32 $5.000000000e-01, v3;
	v3 =	vld [tilespmem:s8+$0xFFFFFEF0]  }
0x9b: {  	v4 =	vmul.f32 $5.000000000e-01, v4;
	v63 =	vld [tilespmem:s8+$0xFFFFFF70];
	[tilespmem:s0+$0x30] =	vst v2  }
0x9c: {  	v1 =	vadd.f32 v1, v0;
	v2 =	vadd.f32 v11, v10;
	v10 =	vld [tilespmem:s31+$0x140]  }
0x9d: {  	v4 =	vadd.f32 v4, v0;
	v11 =	vld [tilespmem:s31+$0x1C0];
	v5 =	vadd.f32 v8, v5  }
0x9e: {  	v6 =	vadd.f32 v6, v9;
	v8 =	vld [tilespmem:s8+$0xFFFFFFF0];
	[tilespmem:s30+$0x60] =	vst v1;
	v2 =	vmul.f32 $5.000000000e-01, v2  }
0x9f: {  	[tilespmem:s2+$0x30] =	vst v4;
	v1 =	vld [tilespmem:s8+$0x70];
	v3 =	vadd.f32 v3, v7;
	v4 =	vmul.f32 $5.000000000e-01, v5  }
0xa0: {  	v5 =	vmul.f32 $5.000000000e-01, v6;
	v2 =	vadd.f32 v2, v0;
	v7 =	vld [tilespmem:s31+$0xFFFFFF40]  }
0xa1: {  	v9 =	vld [tilespmem:s31+$0xFFFFFFC0];
	v3 =	vmul.f32 $5.000000000e-01, v3;
	v13 =	vadd.f32 v4, v0  }
0xa2: {  	v5 =	vadd.f32 v5, v0;
	[tilespmem:s6+$0xFFFFFFF0] =	vst v2;
	v10 =	vadd.f32 v11, v10;
	v2 =	vld [tilespmem:s8+$0xF0]  }
0xa3: {  	v8 =	vadd.f32 v8, v63;
	v4 =	vld [tilespmem:s31+$0xFFFFFE40];
	v3 =	vadd.f32 v3, v0;
	[tilespmem:s3+$0x30] =	vst v13  }
0xa4: {  	v6 =	vld [tilespmem:s31+$0xFFFFFEC0];
	[tilespmem:s9+$0x70] =	vst v5;
	v10 =	vmul.f32 $5.000000000e-01, v10  }
0xa5: {  	v5 =	vld [tilespmem:s31+$0x40];
	[tilespmem:s5+$0x30] =	vst v3;
	v3 =	vmul.f32 $5.000000000e-01, v8  }
0xa6: {  	s8 =	simm.s32 $0x12340;
	s9 =	simm.s32 $0x4;
	v8 =	vadd.f32 v9, v7;
	v7 =	vld [tilespmem:s31+$0xC0];
	s5 =	simm.s32 $0x2B00;
	v9 =	vadd.f32 v10, v0  }
.LBB2_3:
0xa7: {  	v10 =	vld [tilespmem:s5+$0x100];
	v3 =	vadd.f32 v3, v0;
	v1 =	vadd.f32 v2, v1  }
0xa8: {  	v2 =	vld [tilespmem:s5+$0x180];
	v8 =	vmul.f32 $5.000000000e-01, v8;
	[tilespmem:s0+$0x40] =	vst v9  }
0xa9: {  	v4 =	vadd.f32 v6, v4;
	v6 =	vld [tilespmem:s31+$0x150];
	[tilespmem:s29+$0x70] =	vst v3;
	v1 =	vmul.f32 $5.000000000e-01, v1;
	s29 =	smov.u32 s2  }
0xaa: {  	v3 =	vadd.f32 v8, v0;
	v8 =	vld [tilespmem:s31+$0x1D0]  }
0xab: {  	v9 =	vld [tilespmem:s5+$0xFFFFFE80];
	v4 =	vmul.f32 $5.000000000e-01, v4;
	v5 =	vadd.f32 v7, v5;
	v1 =	vadd.f32 v1, v0  }
0xac: {  	v7 =	vld [tilespmem:s5+$0xFFFFFF00];
	[tilespmem:s29+$0x40] =	vst v3  }
0xad: {  	v3 =	vld [tilespmem:s5+$0xFFFFFF80];
	v2 =	vadd.f32 v2, v10;
	v4 =	vadd.f32 v4, v0;
	v5 =	vmul.f32 $5.000000000e-01, v5;
	[tilespmem:s30+$0x70] =	vst v1;
	s30 =	smov.u32 s3  }
0xae: {  	v1 =	vld [tilespmem:s5+$0x0]  }
0xaf: {  	s11 =	sadd.s32 $0x200, s11;
	v10 =	vld [tilespmem:s5+$0x80];
	v2 =	vmul.f32 $5.000000000e-01, v2;
	[tilespmem:s6+$0x0] =	vst v4;
	v4 =	vadd.f32 v5, v0;
	v5 =	vadd.f32 v8, v6  }
0xb0: {  	s9 =	sadd.s32 $0x4, s9;
	s2 =	sand.u32 $0x3C00, s11;
	s3 =	sadd.s32 $0x180, s11;
	v6 =	vld [tilespmem:s5+$0xFFFFFE00]  }
0xb1: {  	p1 =	slt.u32 s9, $0x7C;
	s10 =	sadd.s32 $0x12100, s2;
	s2 =	sand.u32 $0x380, s3;
	v2 =	vadd.f32 v2, v0;
	v8 =	vld [tilespmem:s31+$0xFFFFFE50];
	[tilespmem:s30+$0x40] =	vst v4;
	v4 =	vmul.f32 $5.000000000e-01, v5  }
0xb2: {  	s23 =	sadd.s32 $0x100, s11;
	s3 =	sadd.s32 $0x80, s11;
	s24 =	sadd.s32 s2, s10;
	v3 =	vadd.f32 v3, v7;
	v5 =	vld [tilespmem:s31+$0xFFFFFED0]  }
0xb3: {  	s2 =	sand.u32 $0x280, s3;
	s3 =	sand.u32 $0x300, s23;
	[tilespmem:s24+$0x0] =	vst v2;
	v2 =	vld [tilespmem:s31+$0xFFFFFF50];
	v4 =	vadd.f32 v4, v0  }
0xb4: {  	s2 =	sor.u32 s2, s10;
	s3 =	sadd.s32 s3, s10;
	v3 =	vmul.f32 $5.000000000e-01, v3;
	v1 =	vadd.f32 v10, v1;
	v7 =	vld [tilespmem:s5+$0x110]  }
0xb5: {  	v6 =	vadd.f32 v9, v6;
	v9 =	vld [tilespmem:s5+$0x190];
	[tilespmem:s0+$0x50] =	vst v4  }
0xb6: {  	v3 =	vadd.f32 v3, v0;
	v1 =	vmul.f32 $5.000000000e-01, v1;
	v4 =	vld [tilespmem:s31+$0x160]  }
0xb7: {  	v6 =	vmul.f32 $5.000000000e-01, v6;
	v5 =	vadd.f32 v5, v8;
	v8 =	vld [tilespmem:s31+$0x1E0]  }
0xb8: {  	[tilespmem:s2+$0x0] =	vst v3;
	v1 =	vadd.f32 v1, v0;
	v3 =	vld [tilespmem:s31+$0xFFFFFFD0]  }
0xb9: {  	v6 =	vadd.f32 v6, v0;
	v10 =	vld [tilespmem:s5+$0xFFFFFF10];
	v5 =	vmul.f32 $5.000000000e-01, v5  }
0xba: {  	s6 =	sadd.s32 $0x200, s6;
	v11 =	vld [tilespmem:s5+$0xFFFFFF90];
	[tilespmem:s3+$0x0] =	vst v1;
	v1 =	vadd.f32 v9, v7  }
0xbb: {  	[tilespmem:s6+$0xFFFFFFC0] =	vst v6;
	v6 =	vld [tilespmem:s5+$0x10];
	v5 =	vadd.f32 v5, v0  }
0xbc: {  	v7 =	vld [tilespmem:s5+$0xFFFFFE10];
	v1 =	vmul.f32 $5.000000000e-01, v1;
	v4 =	vadd.f32 v8, v4  }
0xbd: {  	v8 =	vld [tilespmem:s5+$0xFFFFFE90];
	[tilespmem:s8+$0x10] =	vst v5;
	v2 =	vadd.f32 v3, v2  }
0xbe: {  	v3 =	vld [tilespmem:s5+$0x90];
	v1 =	vadd.f32 v1, v0;
	v4 =	vmul.f32 $5.000000000e-01, v4  }
0xbf: {  	v5 =	vadd.f32 v11, v10;
	v2 =	vmul.f32 $5.000000000e-01, v2;
	v9 =	vld [tilespmem:s31+$0x50]  }
0xc0: {  	[tilespmem:s24+$0x10] =	vst v1;
	v1 =	vld [tilespmem:s31+$0xD0];
	v4 =	vadd.f32 v4, v0  }
0xc1: {  	v5 =	vmul.f32 $5.000000000e-01, v5;
	v10 =	vld [tilespmem:s5+$0x120];
	v2 =	vadd.f32 v2, v0  }
0xc2: {  	v7 =	vadd.f32 v8, v7;
	v8 =	vld [tilespmem:s5+$0x1A0];
	[tilespmem:s0+$0x60] =	vst v4  }
0xc3: {  	v4 =	vadd.f32 v5, v0;
	v3 =	vadd.f32 v3, v6;
	[tilespmem:s29+$0x50] =	vst v2;
	v2 =	vld [tilespmem:s31+$0x170]  }
0xc4: {  	v5 =	vmul.f32 $5.000000000e-01, v7;
	v6 =	vld [tilespmem:s31+$0x1F0]  }
0xc5: {  	[tilespmem:s2+$0x10] =	vst v4;
	v3 =	vmul.f32 $5.000000000e-01, v3;
	v4 =	vld [tilespmem:s31+$0xFFFFFE60];
	v1 =	vadd.f32 v1, v9  }
0xc6: {  	v5 =	vadd.f32 v5, v0;
	v7 =	vld [tilespmem:s5+$0xFFFFFF20]  }
0xc7: {  	v9 =	vld [tilespmem:s5+$0xFFFFFFA0];
	v3 =	vadd.f32 v3, v0;
	v1 =	vmul.f32 $5.000000000e-01, v1  }
0xc8: {  	[tilespmem:s6+$0xFFFFFFD0] =	vst v5;
	v5 =	vadd.f32 v8, v10;
	v8 =	vld [tilespmem:s31+$0xFFFFFEE0]  }
0xc9: {  	v10 =	vld [tilespmem:s5+$0xFFFFFE20];
	[tilespmem:s3+$0x10] =	vst v3;
	v1 =	vadd.f32 v1, v0;
	v2 =	vadd.f32 v6, v2  }
0xca: {  	v3 =	vld [tilespmem:s5+$0xFFFFFEA0];
	v5 =	vmul.f32 $5.000000000e-01, v5  }
0xcb: {  	v6 =	vld [tilespmem:s5+$0x20];
	[tilespmem:s30+$0x50] =	vst v1;
	v1 =	vmul.f32 $5.000000000e-01, v2  }
0xcc: {  	v2 =	vadd.f32 v9, v7;
	v7 =	vld [tilespmem:s5+$0xA0];
	v5 =	vadd.f32 v5, v0  }
0xcd: {  	v4 =	vadd.f32 v8, v4;
	v8 =	vld [tilespmem:s31+$0xFFFFFF60];
	v1 =	vadd.f32 v1, v0  }
0xce: {  	v2 =	vmul.f32 $5.000000000e-01, v2;
	[tilespmem:s24+$0x20] =	vst v5;
	v5 =	vld [tilespmem:s31+$0xFFFFFFE0]  }
0xcf: {  	v3 =	vadd.f32 v3, v10;
	v9 =	vld [tilespmem:s5+$0x130];
	v4 =	vmul.f32 $5.000000000e-01, v4;
	[tilespmem:s0+$0x70] =	vst v1;
	s0 =	smov.u32 s24  }
0xd0: {  	v1 =	vadd.f32 v2, v0;
	v2 =	vld [tilespmem:s5+$0x1B0]  }
0xd1: {  	v3 =	vmul.f32 $5.000000000e-01, v3;
	v6 =	vadd.f32 v7, v6;
	v4 =	vadd.f32 v4, v0;
	v7 =	vld [tilespmem:s31+$0x60]  }
0xd2: {  	[tilespmem:s2+$0x20] =	vst v1;
	v1 =	vld [tilespmem:s31+$0xE0]  }
0xd3: {  	v3 =	vadd.f32 v3, v0;
	v10 =	vld [tilespmem:s5+$0xFFFFFF30];
	v6 =	vmul.f32 $5.000000000e-01, v6;
	[tilespmem:s8+$0x20] =	vst v4;
	v4 =	vadd.f32 v5, v8  }
0xd4: {  	v5 =	vld [tilespmem:s5+$0xFFFFFFB0]  }
0xd5: {  	[tilespmem:s6+$0xFFFFFFE0] =	vst v3;
	v3 =	vadd.f32 v6, v0;
	v2 =	vadd.f32 v2, v9;
	v6 =	vld [tilespmem:s31+$0xFFFFFE70];
	v4 =	vmul.f32 $5.000000000e-01, v4  }
0xd6: {  	v8 =	vld [tilespmem:s5+$0xFFFFFE30]  }
0xd7: {  	v9 =	vld [tilespmem:s5+$0xFFFFFEB0];
	[tilespmem:s3+$0x20] =	vst v3;
	v2 =	vmul.f32 $5.000000000e-01, v2;
	v3 =	vadd.f32 v4, v0;
	v1 =	vadd.f32 v1, v7  }
0xd8: {  	v4 =	vld [tilespmem:s5+$0x30]  }
0xd9: {  	v5 =	vadd.f32 v5, v10;
	v7 =	vld [tilespmem:s5+$0xB0];
	v2 =	vadd.f32 v2, v0;
	[tilespmem:s29+$0x60] =	vst v3;
	v1 =	vmul.f32 $5.000000000e-01, v1  }
0xda: {  	v3 =	vld [tilespmem:s31+$0xFFFFFEF0]  }
0xdb: {  	v5 =	vmul.f32 $5.000000000e-01, v5;
	[tilespmem:s0+$0x30] =	vst v2;
	v10 =	vld [tilespmem:s31+$0xFFFFFF70];
	v1 =	vadd.f32 v1, v0  }
0xdc: {  	v2 =	vadd.f32 v9, v8;
	v8 =	vld [tilespmem:s5+$0x140]  }
0xdd: {  	v5 =	vadd.f32 v5, v0;
	v9 =	vld [tilespmem:s5+$0x1C0];
	[tilespmem:s30+$0x60] =	vst v1  }
0xde: {  	v2 =	vmul.f32 $5.000000000e-01, v2;
	v4 =	vadd.f32 v7, v4;
	v7 =	vld [tilespmem:s31+$0xFFFFFFF0]  }
0xdf: {  	[tilespmem:s2+$0x30] =	vst v5;
	v3 =	vadd.f32 v3, v6;
	v1 =	vld [tilespmem:s31+$0x70]  }
0xe0: {  	v2 =	vadd.f32 v2, v0;
	v11 =	vld [tilespmem:s5+$0xFFFFFF40];
	v4 =	vmul.f32 $5.000000000e-01, v4  }
0xe1: {  	v12 =	vld [tilespmem:s5+$0xFFFFFFC0];
	v3 =	vmul.f32 $5.000000000e-01, v3  }
.Ltmp0:
0xe2: {  	[tilespmem:s6+$0xFFFFFFF0] =	vst v2;
	v5 =	vadd.f32 v4, v0;
	v8 =	vadd.f32 v9, v8;
	v2 =	vld [tilespmem:s31+$0xF0];
	s31 =	smov.u32 s5;
	(pc) =	sbr.rel @p1 .LBB2_3-.Ltmp0, $4  }
0xe3: {  	v4 =	vld [tilespmem:s5+$0xFFFFFE40];
	v3 =	vadd.f32 v3, v0;
	v7 =	vadd.f32 v7, v10  }
0xe4: {  	v6 =	vld [tilespmem:s5+$0xFFFFFEC0];
	[tilespmem:s3+$0x30] =	vst v5;
	v9 =	vmul.f32 $5.000000000e-01, v8  }
0xe5: {  	v5 =	vld [tilespmem:s5+$0x40];
	[tilespmem:s8+$0x30] =	vst v3;
	v3 =	vmul.f32 $5.000000000e-01, v7;
	s8 =	smov.u32 s6  }
0xe6: {  	s5 =	sadd.s32 $0x400, s5;
	v8 =	vadd.f32 v12, v11;
	v7 =	vld [tilespmem:s31+$0xC0];
	v9 =	vadd.f32 v9, v0  }
0xe7: {  	_ =	sdelay $0x1  }
0xe8: {  	v4 =	vadd.f32 v6, v4;
	_ =	sdelay $0x1  }
0xe9: {  	v4 =	vmul.f32 $5.000000000e-01, v4;
	_ =	sdelay $0x1  }
0xea: {  	[tilespmem:s0+$0x40] =	vst v9;
	v6 =	vmul.f32 $5.000000000e-01, v8;
	v5 =	vadd.f32 v7, v5;
	v4 =	vadd.f32 v4, v0  }
0xeb: {  	v8 =	vld [tilespmem:s31+$0x1D0]  }
0xec: {  	v7 =	vld [tilespmem:s31+$0x150];
	v6 =	vadd.f32 v6, v0;
	v5 =	vmul.f32 $5.000000000e-01, v5;
	[tilespmem:s6+$0x0] =	vst v4  }
0xed: {  	v4 =	vld [tilespmem:s31+$0xFFFFFE50]  }
0xee: {  	[tilespmem:s2+$0x40] =	vst v6;
	v5 =	vadd.f32 v5, v0;
	v6 =	vld [tilespmem:s31+$0xFFFFFED0]  }
0xef: {  	v9 =	vld [tilespmem:s31+$0xFFFFFF50]  }
0xf0: {  	[tilespmem:s3+$0x40] =	vst v5;
	v5 =	vld [tilespmem:s31+$0xFFFFFFD0]  }
0xf1: {  	v7 =	vadd.f32 v8, v7;
	v8 =	vld [tilespmem:s31+$0x50]  }
0xf2: {  	v10 =	vld [tilespmem:s31+$0xD0]  }
0xf3: {  	v7 =	vmul.f32 $5.000000000e-01, v7;
	v4 =	vadd.f32 v6, v4;
	_ =	sdelay $0x1  }
0xf4: {  	v6 =	vadd.f32 v7, v0;
	v5 =	vadd.f32 v5, v9;
	v4 =	vmul.f32 $5.000000000e-01, v4;
	_ =	sdelay $0x1  }
0xf5: {  	[tilespmem:s0+$0x50] =	vst v6;
	v6 =	vadd.f32 v10, v8;
	v5 =	vmul.f32 $5.000000000e-01, v5;
	v4 =	vadd.f32 v4, v0  }
0xf6: {  	v7 =	vld [tilespmem:s31+$0x160]  }
0xf7: {  	v8 =	vld [tilespmem:s31+$0x1E0];
	[tilespmem:s8+$0x10] =	vst v4;
	v4 =	vadd.f32 v5, v0;
	v5 =	vmul.f32 $5.000000000e-01, v6  }
0xf8: {  	v6 =	vld [tilespmem:s31+$0xFFFFFE60]  }
0xf9: {  	[tilespmem:s2+$0x50] =	vst v4;
	v4 =	vld [tilespmem:s31+$0xFFFFFEE0];
	v5 =	vadd.f32 v5, v0  }
0xfa: {  	v9 =	vld [tilespmem:s31+$0xFFFFFF60]  }
0xfb: {  	[tilespmem:s3+$0x50] =	vst v5;
	v5 =	vld [tilespmem:s31+$0xFFFFFFE0]  }
0xfc: {  	v7 =	vadd.f32 v8, v7;
	v8 =	vld [tilespmem:s31+$0x60]  }
0xfd: {  	v10 =	vld [tilespmem:s31+$0xE0]  }
0xfe: {  	v7 =	vmul.f32 $5.000000000e-01, v7;
	v4 =	vadd.f32 v4, v6;
	_ =	sdelay $0x1  }
0xff: {  	v6 =	vadd.f32 v7, v0;
	v4 =	vmul.f32 $5.000000000e-01, v4;
	v5 =	vadd.f32 v5, v9;
	_ =	sdelay $0x1  }
0x100: {  	[tilespmem:s0+$0x60] =	vst v6;
	v6 =	vadd.f32 v10, v8;
	v4 =	vadd.f32 v4, v0;
	v5 =	vmul.f32 $5.000000000e-01, v5  }
0x101: {  	v7 =	vld [tilespmem:s31+$0x170]  }
0x102: {  	v8 =	vld [tilespmem:s31+$0x1F0];
	[tilespmem:s8+$0x20] =	vst v4;
	v4 =	vadd.f32 v5, v0;
	v5 =	vmul.f32 $5.000000000e-01, v6  }
0x103: {  	v6 =	vld [tilespmem:s31+$0xFFFFFE70]  }
0x104: {  	[tilespmem:s2+$0x60] =	vst v4;
	v4 =	vld [tilespmem:s31+$0xFFFFFEF0];
	v5 =	vadd.f32 v5, v0  }
0x105: {  	v9 =	vld [tilespmem:s31+$0xFFFFFF70]  }
0x106: {  	[tilespmem:s3+$0x60] =	vst v5;
	v5 =	vld [tilespmem:s31+$0xFFFFFFF0]  }
0x107: {  	v10 =	vld [tilespmem:s31+$0x70]  }
0x108: {  	v11 =	vld [tilespmem:s31+$0xF0]  }
0x109: {  	v1 =	vadd.f32 v2, v1  }
0x10a: {  	v2 =	vadd.f32 v8, v7  }
0x10b: {  	v1 =	vmul.f32 $5.000000000e-01, v1;
	v4 =	vadd.f32 v4, v6  }
0x10c: {  	v3 =	vadd.f32 v3, v0;
	v2 =	vmul.f32 $5.000000000e-01, v2;
	v5 =	vadd.f32 v5, v9  }
0x10d: {  	v1 =	vadd.f32 v1, v0;
	v4 =	vmul.f32 $5.000000000e-01, v4;
	v6 =	vadd.f32 v11, v10  }
0x10e: {  	[tilespmem:s29+$0x70] =	vst v3;
	v2 =	vadd.f32 v2, v0;
	v3 =	vmul.f32 $5.000000000e-01, v5  }
0x10f: {  	[tilespmem:s30+$0x70] =	vst v1;
	v1 =	vadd.f32 v4, v0;
	v4 =	vmul.f32 $5.000000000e-01, v6  }
0x110: {  	s6 =	sshll.u32 s26, $0x12;
	[tilespmem:s0+$0x70] =	vst v2;
	v2 =	vadd.f32 v3, v0  }
0x111: {  	s0 =	sadd.s32 s7, s6;
	[tilespmem:s8+$0x30] =	vst v1;
	v1 =	vadd.f32 v4, v0  }
0x112: {  	s0 =	sshrl.u32 s0, $0x3;
	[tilespmem:s2+$0x70] =	vst v2  }
0x113: {  	s0 =	sadd.s32 s4, s0;
	s8 =	sshll.u32 s26, $0x9;
	[tilespmem:s3+$0x70] =	vst v1  }
0x114: {  	[hbm4b:s0+s18] =	stream.strided.scatter [tilespmem:s20], [sflag:$0x3], $0x4000, s19, s18, $0x38;
	[tilespmem:$0x1A110] =	vst v63  }
0x115: {  	s0 =	sand.u32 $0x3FFFFE00, s8  }
0x116: {  	s9 =	sadd.s32 $0x200, s0  }
0x117: {  	[tilespmem:s13], [sflag:$0x1] =	stream.indirect.gather [hbm4b:s1+s12], $0x80, s9, s12, $0xb8;
	[tilespmem:$0x1A110] =	vst v63  }
0x118: {  	s0 =	sadd.s32 $0x280, s0  }
0x119: {  	[tilespmem:s14], [sflag:$0x1] =	stream.indirect.gather [hbm4b:s1+s12], $0x80, s0, s12, $0xb8;
	[tilespmem:$0x1A110] =	vst v63  }
0x11a: {  	_ =	swait.ge [sflag:s21], $0x4000  }
0x11b: {  	[sflag:s21] =	ssyncset.done $0x0  }
0x11c: {  	[sflag:s21] =	ssyncadd.s32 $0xFFFFC000  }
0x11d: {  	_ =	swait.ge [sflag:s21], $0x4000  }
0x11e: {  	[sflag:s21] =	ssyncset.done $0x0  }
0x11f: {  	s0 =	simm.s32 @!p0 $0x4;
	[sflag:s21] =	ssyncadd.s32 $0xFFFFC000  }
0x120: {  	_ =	swait.ge @!p0 [sflag:s0], $0x4000  }
0x121: {  	[sflag:s0] =	ssyncset.done @!p0 $0x0  }
0x122: {  	s8 =	simm.s32 $0xA300;
	[sflag:s0] =	ssyncadd.s32 @!p0 $0xFFFFC000  }
0x123: {  	v1 =	vld [tilespmem:s8+$0x100]  }
0x124: {  	v2 =	vld [tilespmem:s8+$0x180];
	_ =	sdelay $0x3  }
0x125: {  	v3 =	vld [tilespmem:s8+$0xFFFFFF00]  }
0x126: {  	v4 =	vld [tilespmem:s8+$0xFFFFFF80];
	v1 =	vadd.f32 v2, v1  }
0x127: {  	v5 =	vld [tilespmem:s8+$0xFFFFFE00]  }
0x128: {  	s10 =	simm.s32 $0x0;
	v2 =	vld [tilespmem:s8+$0xFFFFFE80];
	v1 =	vmul.f32 $5.000000000e-01, v1  }
0x129: {  	s11 =	simm.s32 $0x180;
	s0 =	sand.u32 $0x3C00, s10;
	v6 =	vld [tilespmem:s8+$0x0]  }
0x12a: {  	s2 =	sand.u32 $0x380, s11;
	v7 =	vld [tilespmem:s8+$0x80];
	s0 =	sadd.s32 $0x16100, s0;
	v1 =	vadd.f32 v1, v0  }
0x12b: {  	s9 =	sadd.s32 s2, s0;
	v3 =	vadd.f32 v4, v3  }
0x12c: {  	[tilespmem:s9+$0x0] =	vst v1  }
0x12d: {  	v2 =	vadd.f32 v2, v5;
	v1 =	vmul.f32 $5.000000000e-01, v3;
	v3 =	vld [tilespmem:s8+$0x110]  }
0x12e: {  	s23 =	simm.s32 $0x80;
	v4 =	vld [tilespmem:s8+$0x190]  }
0x12f: {  	s2 =	sand.u32 $0x280, s23;
	v5 =	vadd.f32 v7, v6;
	v2 =	vmul.f32 $5.000000000e-01, v2;
	v1 =	vadd.f32 v1, v0  }
0x130: {  	s29 =	sor.u32 s2, s0  }
0x131: {  	v5 =	vmul.f32 $5.000000000e-01, v5;
	[tilespmem:s29+$0x0] =	vst v1;
	v1 =	vadd.f32 v2, v0  }
0x132: {  	s5 =	simm.s32 $0x16140;
	s24 =	simm.s32 $0x100;
	v2 =	vld [tilespmem:s8+$0xFFFFFF10]  }
0x133: {  	s2 =	sand.u32 $0x300, s24;
	v5 =	vadd.f32 v5, v0;
	v6 =	vld [tilespmem:s8+$0xFFFFFF90];
	v3 =	vadd.f32 v4, v3;
	[tilespmem:s5+$0xFFFFFFC0] =	vst v1  }
0x134: {  	s30 =	sadd.s32 s2, s0;
	v1 =	vld [tilespmem:s8+$0xFFFFFE10]  }
0x135: {  	[tilespmem:s30+$0x0] =	vst v5;
	v4 =	vld [tilespmem:s8+$0xFFFFFE90];
	v3 =	vmul.f32 $5.000000000e-01, v3  }
0x136: {  	v5 =	vld [tilespmem:s8+$0x10]  }
0x137: {  	v7 =	vld [tilespmem:s8+$0x90];
	v3 =	vadd.f32 v3, v0  }
0x138: {  	v2 =	vadd.f32 v6, v2  }
0x139: {  	[tilespmem:s9+$0x10] =	vst v3  }
0x13a: {  	v2 =	vmul.f32 $5.000000000e-01, v2;
	v1 =	vadd.f32 v4, v1;
	v3 =	vld [tilespmem:s8+$0x120]  }
0x13b: {  	v4 =	vld [tilespmem:s8+$0x1A0]  }
0x13c: {  	v5 =	vadd.f32 v7, v5;
	v2 =	vadd.f32 v2, v0;
	v1 =	vmul.f32 $5.000000000e-01, v1;
	_ =	sdelay $0x1  }
0x13d: {  	[tilespmem:s29+$0x10] =	vst v2;
	v2 =	vmul.f32 $5.000000000e-01, v5;
	v1 =	vadd.f32 v1, v0  }
0x13e: {  	v5 =	vld [tilespmem:s8+$0xFFFFFF20]  }
0x13f: {  	v6 =	vld [tilespmem:s8+$0xFFFFFFA0];
	v2 =	vadd.f32 v2, v0;
	[tilespmem:s5+$0xFFFFFFD0] =	vst v1;
	v1 =	vadd.f32 v4, v3  }
0x140: {  	v3 =	vld [tilespmem:s8+$0xFFFFFE20]  }
0x141: {  	[tilespmem:s30+$0x10] =	vst v2;
	v2 =	vld [tilespmem:s8+$0xFFFFFEA0];
	v1 =	vmul.f32 $5.000000000e-01, v1  }
0x142: {  	v4 =	vld [tilespmem:s8+$0x20]  }
0x143: {  	v7 =	vld [tilespmem:s8+$0xA0];
	v1 =	vadd.f32 v1, v0  }
0x144: {  	v5 =	vadd.f32 v6, v5  }
0x145: {  	[tilespmem:s9+$0x20] =	vst v1  }
0x146: {  	v1 =	vmul.f32 $5.000000000e-01, v5;
	v2 =	vadd.f32 v2, v3;
	v3 =	vld [tilespmem:s8+$0x130]  }
0x147: {  	v5 =	vld [tilespmem:s8+$0x1B0]  }
0x148: {  	v1 =	vadd.f32 v1, v0;
	v4 =	vadd.f32 v7, v4;
	v2 =	vmul.f32 $5.000000000e-01, v2;
	_ =	sdelay $0x1  }
0x149: {  	[tilespmem:s29+$0x20] =	vst v1;
	v1 =	vadd.f32 v2, v0;
	v2 =	vmul.f32 $5.000000000e-01, v4  }
0x14a: {  	v4 =	vld [tilespmem:s8+$0xFFFFFF30]  }
0x14b: {  	v6 =	vld [tilespmem:s8+$0xFFFFFFB0];
	[tilespmem:s5+$0xFFFFFFE0] =	vst v1;
	v1 =	vadd.f32 v2, v0;
	v2 =	vadd.f32 v5, v3  }
0x14c: {  	v3 =	vld [tilespmem:s8+$0xFFFFFE30]  }
0x14d: {  	v5 =	vld [tilespmem:s8+$0xFFFFFEB0];
	[tilespmem:s30+$0x20] =	vst v1;
	v1 =	vmul.f32 $5.000000000e-01, v2  }
0x14e: {  	v2 =	vld [tilespmem:s8+$0x30]  }
0x14f: {  	v7 =	vld [tilespmem:s8+$0xB0];
	v1 =	vadd.f32 v1, v0  }
0x150: {  	v4 =	vadd.f32 v6, v4  }
0x151: {  	[tilespmem:s9+$0x30] =	vst v1  }
0x152: {  	v1 =	vmul.f32 $5.000000000e-01, v4;
	v3 =	vadd.f32 v5, v3;
	v4 =	vld [tilespmem:s8+$0x140]  }
0x153: {  	v5 =	vld [tilespmem:s8+$0x1C0]  }
0x154: {  	v1 =	vadd.f32 v1, v0;
	v3 =	vmul.f32 $5.000000000e-01, v3;
	v2 =	vadd.f32 v7, v2;
	_ =	sdelay $0x1  }
0x155: {  	s31 =	simm.s32 $0xA700;
	[tilespmem:s29+$0x30] =	vst v1;
	v1 =	vadd.f32 v3, v0;
	v2 =	vmul.f32 $5.000000000e-01, v2  }
0x156: {  	v8 =	vld [tilespmem:s31+$0x100]  }
0x157: {  	v9 =	vld [tilespmem:s31+$0x180];
	[tilespmem:s5+$0xFFFFFFF0] =	vst v1;
	v1 =	vadd.f32 v2, v0;
	v2 =	vadd.f32 v5, v4  }
0x158: {  	v4 =	vld [tilespmem:s8+$0xFFFFFE40]  }
0x159: {  	v5 =	vld [tilespmem:s8+$0xFFFFFEC0];
	[tilespmem:s30+$0x30] =	vst v1;
	v1 =	vmul.f32 $5.000000000e-01, v2  }
0x15a: {  	v3 =	vld [tilespmem:s8+$0xFFFFFF40]  }
0x15b: {  	v6 =	vld [tilespmem:s8+$0xFFFFFFC0];
	v1 =	vadd.f32 v1, v0  }
0x15c: {  	v10 =	vld [tilespmem:s31+$0xFFFFFE80]  }
0x15d: {  	v11 =	vld [tilespmem:s31+$0xFFFFFF80];
	[tilespmem:s9+$0x40] =	vst v1  }
0x15e: {  	v4 =	vadd.f32 v5, v4;
	v1 =	vld [tilespmem:s8+$0x150]  }
0x15f: {  	v5 =	vld [tilespmem:s8+$0x1D0]  }
0x160: {  	v12 =	vld [tilespmem:s31+$0x80];
	v3 =	vadd.f32 v6, v3;
	v4 =	vmul.f32 $5.000000000e-01, v4  }
0x161: {  	v6 =	vld [tilespmem:s31+$0xFFFFFF00]  }
0x162: {  	v8 =	vadd.f32 v9, v8;
	v9 =	vld [tilespmem:s31+$0x0];
	v3 =	vmul.f32 $5.000000000e-01, v3;
	v4 =	vadd.f32 v4, v0  }
0x163: {  	v2 =	vld [tilespmem:s8+$0x40]  }
0x164: {  	s11 =	simm.s32 $0x200;
	v8 =	vmul.f32 $5.000000000e-01, v8;
	v3 =	vadd.f32 v3, v0;
	v1 =	vadd.f32 v5, v1;
	[tilespmem:s5+$0x0] =	vst v4;
	v4 =	vld [tilespmem:s31+$0xFFFFFE00]  }
0x165: {  	s6 =	simm.s32 $0x380;
	s3 =	sand.u32 $0x3C00, s11;
	v7 =	vld [tilespmem:s8+$0xC0]  }
0x166: {  	s3 =	sadd.s32 $0x16100, s3;
	s10 =	sand.u32 $0x380, s6;
	[tilespmem:s29+$0x40] =	vst v3;
	v3 =	vadd.f32 v11, v6;
	v5 =	vadd.f32 v8, v0;
	v8 =	vld [tilespmem:s8+$0xFFFFFE50];
	v1 =	vmul.f32 $5.000000000e-01, v1  }
0x167: {  	s0 =	sadd.s32 s10, s3;
	v6 =	vld [tilespmem:s8+$0xFFFFFED0]  }
0x168: {  	v9 =	vadd.f32 v12, v9;
	v3 =	vmul.f32 $5.000000000e-01, v3;
	[tilespmem:s0+$0x0] =	vst v5;
	v5 =	vld [tilespmem:s8+$0xFFFFFF50];
	v1 =	vadd.f32 v1, v0  }
0x169: {  	s23 =	simm.s32 $0x280;
	v11 =	vld [tilespmem:s31+$0x110];
	v4 =	vadd.f32 v10, v4  }
0x16a: {  	s2 =	sand.u32 $0x280, s23;
	v10 =	vld [tilespmem:s31+$0x190];
	[tilespmem:s9+$0x50] =	vst v1;
	v1 =	vadd.f32 v3, v0;
	v3 =	vmul.f32 $5.000000000e-01, v9  }
0x16b: {  	s24 =	simm.s32 $0x300;
	s2 =	sor.u32 s2, s3;
	v9 =	vld [tilespmem:s8+$0x160];
	v4 =	vmul.f32 $5.000000000e-01, v4  }
0x16c: {  	s6 =	sand.u32 $0x300, s24;
	v2 =	vadd.f32 v7, v2;
	v58 =	vld [tilespmem:s8+$0x1E0];
	[tilespmem:s2+$0x0] =	vst v1;
	v1 =	vadd.f32 v3, v0  }
0x16d: {  	s3 =	sadd.s32 s6, s3;
	v4 =	vadd.f32 v4, v0;
	v7 =	vld [tilespmem:s31+$0xFFFFFF10]  }
0x16e: {  	s6 =	simm.s32 $0x16340;
	v2 =	vmul.f32 $5.000000000e-01, v2;
	[tilespmem:s3+$0x0] =	vst v1;
	v1 =	vld [tilespmem:s31+$0xFFFFFF90]  }
0x16f: {  	v3 =	vld [tilespmem:s8+$0xFFFFFFD0];
	v10 =	vadd.f32 v10, v11;
	[tilespmem:s6+$0xFFFFFFC0] =	vst v4  }
0x170: {  	v2 =	vadd.f32 v2, v0;
	v11 =	vld [tilespmem:s31+$0xFFFFFE10]  }
0x171: {  	v10 =	vmul.f32 $5.000000000e-01, v10;
	v9 =	vadd.f32 v58, v9;
	v59 =	vld [tilespmem:s31+$0xFFFFFE90]  }
0x172: {  	[tilespmem:s30+$0x40] =	vst v2;
	v2 =	vadd.f32 v6, v8;
	v4 =	vld [tilespmem:s31+$0x10]  }
0x173: {  	v6 =	vld [tilespmem:s31+$0x90];
	v8 =	vadd.f32 v10, v0;
	v9 =	vmul.f32 $5.000000000e-01, v9;
	v1 =	vadd.f32 v1, v7  }
0x174: {  	v2 =	vmul.f32 $5.000000000e-01, v2;
	v7 =	vld [tilespmem:s8+$0x50]  }
0x175: {  	[tilespmem:s0+$0x10] =	vst v8;
	v8 =	vld [tilespmem:s8+$0xD0];
	v9 =	vadd.f32 v9, v0;
	v1 =	vmul.f32 $5.000000000e-01, v1  }
0x176: {  	v2 =	vadd.f32 v2, v0;
	v10 =	vld [tilespmem:s31+$0x120];
	v11 =	vadd.f32 v59, v11  }
0x177: {  	v60 =	vld [tilespmem:s31+$0x1A0];
	[tilespmem:s9+$0x60] =	vst v9;
	v1 =	vadd.f32 v1, v0  }
0x178: {  	[tilespmem:s5+$0x10] =	vst v2;
	v2 =	vadd.f32 v6, v4;
	v9 =	vld [tilespmem:s8+$0x170];
	v4 =	vmul.f32 $5.000000000e-01, v11  }
0x179: {  	[tilespmem:s2+$0x10] =	vst v1;
	v1 =	vld [tilespmem:s8+$0xFFFFFE60]  }
0x17a: {  	v3 =	vadd.f32 v3, v5;
	v2 =	vmul.f32 $5.000000000e-01, v2;
	v4 =	vadd.f32 v4, v0;
	v5 =	vld [tilespmem:s31+$0xFFFFFF20]  }
0x17b: {  	v11 =	vld [tilespmem:s31+$0xFFFFFFA0]  }
0x17c: {  	v3 =	vmul.f32 $5.000000000e-01, v3;
	v2 =	vadd.f32 v2, v0;
	[tilespmem:s6+$0xFFFFFFD0] =	vst v4;
	v4 =	vadd.f32 v60, v10;
	v10 =	vld [tilespmem:s8+$0xFFFFFEE0]  }
0x17d: {  	v61 =	vld [tilespmem:s31+$0xFFFFFE20]  }
0x17e: {  	v3 =	vadd.f32 v3, v0;
	v7 =	vadd.f32 v8, v7;
	[tilespmem:s3+$0x10] =	vst v2;
	v2 =	vld [tilespmem:s31+$0xFFFFFEA0]  }
0x17f: {  	v8 =	vld [tilespmem:s31+$0x20];
	v4 =	vmul.f32 $5.000000000e-01, v4  }
0x180: {  	[tilespmem:s29+$0x50] =	vst v3;
	v3 =	vmul.f32 $5.000000000e-01, v7;
	v7 =	vld [tilespmem:s31+$0xA0]  }
0x181: {  	v6 =	vld [tilespmem:s8+$0x1F0];
	v5 =	vadd.f32 v11, v5;
	v4 =	vadd.f32 v4, v0  }
0x182: {  	v11 =	vld [tilespmem:s8+$0xFFFFFF60];
	v1 =	vadd.f32 v10, v1  }
0x183: {  	v3 =	vadd.f32 v3, v0;
	v5 =	vmul.f32 $5.000000000e-01, v5;
	[tilespmem:s0+$0x20] =	vst v4;
	v4 =	vld [tilespmem:s8+$0xFFFFFFE0];
	v2 =	vadd.f32 v2, v61  }
0x184: {  	v10 =	vld [tilespmem:s31+$0x130];
	v1 =	vmul.f32 $5.000000000e-01, v1  }
0x185: {  	[tilespmem:s30+$0x50] =	vst v3;
	v7 =	vadd.f32 v7, v8;
	v3 =	vadd.f32 v5, v0;
	v5 =	vld [tilespmem:s31+$0x1B0];
	v2 =	vmul.f32 $5.000000000e-01, v2  }
0x186: {  	v8 =	vld [tilespmem:s8+$0x60];
	v1 =	vadd.f32 v1, v0  }
0x187: {  	v7 =	vmul.f32 $5.000000000e-01, v7;
	[tilespmem:s2+$0x20] =	vst v3;
	v3 =	vld [tilespmem:s8+$0xE0];
	v2 =	vadd.f32 v2, v0  }
0x188: {  	v62 =	vld [tilespmem:s31+$0xFFFFFF30];
	[tilespmem:s5+$0x20] =	vst v1  }
0x189: {  	v1 =	vadd.f32 v4, v11;
	v4 =	vld [tilespmem:s31+$0xFFFFFFB0];
	[tilespmem:s6+$0xFFFFFFE0] =	vst v2;
	v2 =	vadd.f32 v7, v0  }
0x18a: {  	v5 =	vadd.f32 v5, v10;
	v10 =	vld [tilespmem:s31+$0xFFFFFE30]  }
0x18b: {  	v1 =	vmul.f32 $5.000000000e-01, v1;
	v11 =	vld [tilespmem:s31+$0xFFFFFEB0];
	[tilespmem:s3+$0x20] =	vst v2  }
0x18c: {  	v2 =	vmul.f32 $5.000000000e-01, v5;
	v5 =	vld [tilespmem:s31+$0x30]  }
0x18d: {  	v1 =	vadd.f32 v1, v0;
	v3 =	vadd.f32 v3, v8;
	v8 =	vld [tilespmem:s31+$0xB0]  }
0x18e: {  	v7 =	vld [tilespmem:s8+$0xFFFFFE70];
	v4 =	vadd.f32 v4, v62;
	v2 =	vadd.f32 v2, v0  }
0x18f: {  	[tilespmem:s29+$0x60] =	vst v1;
	v1 =	vmul.f32 $5.000000000e-01, v3;
	v3 =	vld [tilespmem:s8+$0xFFFFFEF0]  }
0x190: {  	v4 =	vmul.f32 $5.000000000e-01, v4;
	v63 =	vld [tilespmem:s8+$0xFFFFFF70];
	[tilespmem:s0+$0x30] =	vst v2  }
0x191: {  	v1 =	vadd.f32 v1, v0;
	v2 =	vadd.f32 v11, v10;
	v10 =	vld [tilespmem:s31+$0x140]  }
0x192: {  	v4 =	vadd.f32 v4, v0;
	v11 =	vld [tilespmem:s31+$0x1C0];
	v5 =	vadd.f32 v8, v5  }
0x193: {  	v6 =	vadd.f32 v6, v9;
	v8 =	vld [tilespmem:s8+$0xFFFFFFF0];
	[tilespmem:s30+$0x60] =	vst v1;
	v2 =	vmul.f32 $5.000000000e-01, v2  }
0x194: {  	[tilespmem:s2+$0x30] =	vst v4;
	v1 =	vld [tilespmem:s8+$0x70];
	v3 =	vadd.f32 v3, v7;
	v4 =	vmul.f32 $5.000000000e-01, v5  }
0x195: {  	v5 =	vmul.f32 $5.000000000e-01, v6;
	v2 =	vadd.f32 v2, v0;
	v7 =	vld [tilespmem:s31+$0xFFFFFF40]  }
0x196: {  	v9 =	vld [tilespmem:s31+$0xFFFFFFC0];
	v3 =	vmul.f32 $5.000000000e-01, v3;
	v13 =	vadd.f32 v4, v0  }
0x197: {  	v5 =	vadd.f32 v5, v0;
	[tilespmem:s6+$0xFFFFFFF0] =	vst v2;
	v10 =	vadd.f32 v11, v10;
	v2 =	vld [tilespmem:s8+$0xF0]  }
0x198: {  	v8 =	vadd.f32 v8, v63;
	v4 =	vld [tilespmem:s31+$0xFFFFFE40];
	v3 =	vadd.f32 v3, v0;
	[tilespmem:s3+$0x30] =	vst v13  }
0x199: {  	v6 =	vld [tilespmem:s31+$0xFFFFFEC0];
	[tilespmem:s9+$0x70] =	vst v5;
	v10 =	vmul.f32 $5.000000000e-01, v10  }
0x19a: {  	v5 =	vld [tilespmem:s31+$0x40];
	[tilespmem:s5+$0x30] =	vst v3;
	v3 =	vmul.f32 $5.000000000e-01, v8  }
0x19b: {  	s8 =	simm.s32 $0x16340;
	s9 =	simm.s32 $0x4;
	v8 =	vadd.f32 v9, v7;
	v7 =	vld [tilespmem:s31+$0xC0];
	s5 =	simm.s32 $0xAB00;
	v9 =	vadd.f32 v10, v0  }
.LBB2_5:
0x19c: {  	v10 =	vld [tilespmem:s5+$0x100];
	v3 =	vadd.f32 v3, v0;
	v1 =	vadd.f32 v2, v1  }
0x19d: {  	v2 =	vld [tilespmem:s5+$0x180];
	v8 =	vmul.f32 $5.000000000e-01, v8;
	[tilespmem:s0+$0x40] =	vst v9  }
0x19e: {  	v4 =	vadd.f32 v6, v4;
	v6 =	vld [tilespmem:s31+$0x150];
	[tilespmem:s29+$0x70] =	vst v3;
	v1 =	vmul.f32 $5.000000000e-01, v1;
	s29 =	smov.u32 s2  }
0x19f: {  	v3 =	vadd.f32 v8, v0;
	v8 =	vld [tilespmem:s31+$0x1D0]  }
0x1a0: {  	v9 =	vld [tilespmem:s5+$0xFFFFFE80];
	v4 =	vmul.f32 $5.000000000e-01, v4;
	v5 =	vadd.f32 v7, v5;
	v1 =	vadd.f32 v1, v0  }
0x1a1: {  	v7 =	vld [tilespmem:s5+$0xFFFFFF00];
	[tilespmem:s29+$0x40] =	vst v3  }
0x1a2: {  	v3 =	vld [tilespmem:s5+$0xFFFFFF80];
	v2 =	vadd.f32 v2, v10;
	v4 =	vadd.f32 v4, v0;
	v5 =	vmul.f32 $5.000000000e-01, v5;
	[tilespmem:s30+$0x70] =	vst v1;
	s30 =	smov.u32 s3  }
0x1a3: {  	v1 =	vld [tilespmem:s5+$0x0]  }
0x1a4: {  	s11 =	sadd.s32 $0x200, s11;
	v10 =	vld [tilespmem:s5+$0x80];
	v2 =	vmul.f32 $5.000000000e-01, v2;
	[tilespmem:s6+$0x0] =	vst v4;
	v4 =	vadd.f32 v5, v0;
	v5 =	vadd.f32 v8, v6  }
0x1a5: {  	s9 =	sadd.s32 $0x4, s9;
	s2 =	sand.u32 $0x3C00, s11;
	s3 =	sadd.s32 $0x180, s11;
	v6 =	vld [tilespmem:s5+$0xFFFFFE00]  }
0x1a6: {  	p0 =	slt.u32 s9, $0x7C;
	s10 =	sadd.s32 $0x16100, s2;
	s2 =	sand.u32 $0x380, s3;
	v2 =	vadd.f32 v2, v0;
	v8 =	vld [tilespmem:s31+$0xFFFFFE50];
	[tilespmem:s30+$0x40] =	vst v4;
	v4 =	vmul.f32 $5.000000000e-01, v5  }
0x1a7: {  	s23 =	sadd.s32 $0x100, s11;
	s3 =	sadd.s32 $0x80, s11;
	s24 =	sadd.s32 s2, s10;
	v3 =	vadd.f32 v3, v7;
	v5 =	vld [tilespmem:s31+$0xFFFFFED0]  }
0x1a8: {  	s2 =	sand.u32 $0x280, s3;
	s3 =	sand.u32 $0x300, s23;
	[tilespmem:s24+$0x0] =	vst v2;
	v2 =	vld [tilespmem:s31+$0xFFFFFF50];
	v4 =	vadd.f32 v4, v0  }
0x1a9: {  	s2 =	sor.u32 s2, s10;
	s3 =	sadd.s32 s3, s10;
	v3 =	vmul.f32 $5.000000000e-01, v3;
	v1 =	vadd.f32 v10, v1;
	v7 =	vld [tilespmem:s5+$0x110]  }
0x1aa: {  	v6 =	vadd.f32 v9, v6;
	v9 =	vld [tilespmem:s5+$0x190];
	[tilespmem:s0+$0x50] =	vst v4  }
0x1ab: {  	v3 =	vadd.f32 v3, v0;
	v1 =	vmul.f32 $5.000000000e-01, v1;
	v4 =	vld [tilespmem:s31+$0x160]  }
0x1ac: {  	v6 =	vmul.f32 $5.000000000e-01, v6;
	v5 =	vadd.f32 v5, v8;
	v8 =	vld [tilespmem:s31+$0x1E0]  }
0x1ad: {  	[tilespmem:s2+$0x0] =	vst v3;
	v1 =	vadd.f32 v1, v0;
	v3 =	vld [tilespmem:s31+$0xFFFFFFD0]  }
0x1ae: {  	v6 =	vadd.f32 v6, v0;
	v10 =	vld [tilespmem:s5+$0xFFFFFF10];
	v5 =	vmul.f32 $5.000000000e-01, v5  }
0x1af: {  	s6 =	sadd.s32 $0x200, s6;
	v11 =	vld [tilespmem:s5+$0xFFFFFF90];
	[tilespmem:s3+$0x0] =	vst v1;
	v1 =	vadd.f32 v9, v7  }
0x1b0: {  	[tilespmem:s6+$0xFFFFFFC0] =	vst v6;
	v6 =	vld [tilespmem:s5+$0x10];
	v5 =	vadd.f32 v5, v0  }
0x1b1: {  	v7 =	vld [tilespmem:s5+$0xFFFFFE10];
	v1 =	vmul.f32 $5.000000000e-01, v1;
	v4 =	vadd.f32 v8, v4  }
0x1b2: {  	v8 =	vld [tilespmem:s5+$0xFFFFFE90];
	[tilespmem:s8+$0x10] =	vst v5;
	v2 =	vadd.f32 v3, v2  }
0x1b3: {  	v3 =	vld [tilespmem:s5+$0x90];
	v1 =	vadd.f32 v1, v0;
	v4 =	vmul.f32 $5.000000000e-01, v4  }
0x1b4: {  	v5 =	vadd.f32 v11, v10;
	v2 =	vmul.f32 $5.000000000e-01, v2;
	v9 =	vld [tilespmem:s31+$0x50]  }
0x1b5: {  	[tilespmem:s24+$0x10] =	vst v1;
	v1 =	vld [tilespmem:s31+$0xD0];
	v4 =	vadd.f32 v4, v0  }
0x1b6: {  	v5 =	vmul.f32 $5.000000000e-01, v5;
	v10 =	vld [tilespmem:s5+$0x120];
	v2 =	vadd.f32 v2, v0  }
0x1b7: {  	v7 =	vadd.f32 v8, v7;
	v8 =	vld [tilespmem:s5+$0x1A0];
	[tilespmem:s0+$0x60] =	vst v4  }
0x1b8: {  	v4 =	vadd.f32 v5, v0;
	v3 =	vadd.f32 v3, v6;
	[tilespmem:s29+$0x50] =	vst v2;
	v2 =	vld [tilespmem:s31+$0x170]  }
0x1b9: {  	v5 =	vmul.f32 $5.000000000e-01, v7;
	v6 =	vld [tilespmem:s31+$0x1F0]  }
0x1ba: {  	[tilespmem:s2+$0x10] =	vst v4;
	v3 =	vmul.f32 $5.000000000e-01, v3;
	v4 =	vld [tilespmem:s31+$0xFFFFFE60];
	v1 =	vadd.f32 v1, v9  }
0x1bb: {  	v5 =	vadd.f32 v5, v0;
	v7 =	vld [tilespmem:s5+$0xFFFFFF20]  }
0x1bc: {  	v9 =	vld [tilespmem:s5+$0xFFFFFFA0];
	v3 =	vadd.f32 v3, v0;
	v1 =	vmul.f32 $5.000000000e-01, v1  }
0x1bd: {  	[tilespmem:s6+$0xFFFFFFD0] =	vst v5;
	v5 =	vadd.f32 v8, v10;
	v8 =	vld [tilespmem:s31+$0xFFFFFEE0]  }
0x1be: {  	v10 =	vld [tilespmem:s5+$0xFFFFFE20];
	[tilespmem:s3+$0x10] =	vst v3;
	v1 =	vadd.f32 v1, v0;
	v2 =	vadd.f32 v6, v2  }
0x1bf: {  	v3 =	vld [tilespmem:s5+$0xFFFFFEA0];
	v5 =	vmul.f32 $5.000000000e-01, v5  }
0x1c0: {  	v6 =	vld [tilespmem:s5+$0x20];
	[tilespmem:s30+$0x50] =	vst v1;
	v1 =	vmul.f32 $5.000000000e-01, v2  }
0x1c1: {  	v2 =	vadd.f32 v9, v7;
	v7 =	vld [tilespmem:s5+$0xA0];
	v5 =	vadd.f32 v5, v0  }
0x1c2: {  	v4 =	vadd.f32 v8, v4;
	v8 =	vld [tilespmem:s31+$0xFFFFFF60];
	v1 =	vadd.f32 v1, v0  }
0x1c3: {  	v2 =	vmul.f32 $5.000000000e-01, v2;
	[tilespmem:s24+$0x20] =	vst v5;
	v5 =	vld [tilespmem:s31+$0xFFFFFFE0]  }
0x1c4: {  	v3 =	vadd.f32 v3, v10;
	v9 =	vld [tilespmem:s5+$0x130];
	v4 =	vmul.f32 $5.000000000e-01, v4;
	[tilespmem:s0+$0x70] =	vst v1;
	s0 =	smov.u32 s24  }
0x1c5: {  	v1 =	vadd.f32 v2, v0;
	v2 =	vld [tilespmem:s5+$0x1B0]  }
0x1c6: {  	v3 =	vmul.f32 $5.000000000e-01, v3;
	v6 =	vadd.f32 v7, v6;
	v4 =	vadd.f32 v4, v0;
	v7 =	vld [tilespmem:s31+$0x60]  }
0x1c7: {  	[tilespmem:s2+$0x20] =	vst v1;
	v1 =	vld [tilespmem:s31+$0xE0]  }
0x1c8: {  	v3 =	vadd.f32 v3, v0;
	v10 =	vld [tilespmem:s5+$0xFFFFFF30];
	v6 =	vmul.f32 $5.000000000e-01, v6;
	[tilespmem:s8+$0x20] =	vst v4;
	v4 =	vadd.f32 v5, v8  }
0x1c9: {  	v5 =	vld [tilespmem:s5+$0xFFFFFFB0]  }
0x1ca: {  	[tilespmem:s6+$0xFFFFFFE0] =	vst v3;
	v3 =	vadd.f32 v6, v0;
	v2 =	vadd.f32 v2, v9;
	v6 =	vld [tilespmem:s31+$0xFFFFFE70];
	v4 =	vmul.f32 $5.000000000e-01, v4  }
0x1cb: {  	v8 =	vld [tilespmem:s5+$0xFFFFFE30]  }
0x1cc: {  	v9 =	vld [tilespmem:s5+$0xFFFFFEB0];
	[tilespmem:s3+$0x20] =	vst v3;
	v2 =	vmul.f32 $5.000000000e-01, v2;
	v3 =	vadd.f32 v4, v0;
	v1 =	vadd.f32 v1, v7  }
0x1cd: {  	v4 =	vld [tilespmem:s5+$0x30]  }
0x1ce: {  	v5 =	vadd.f32 v5, v10;
	v7 =	vld [tilespmem:s5+$0xB0];
	v2 =	vadd.f32 v2, v0;
	[tilespmem:s29+$0x60] =	vst v3;
	v1 =	vmul.f32 $5.000000000e-01, v1  }
0x1cf: {  	v3 =	vld [tilespmem:s31+$0xFFFFFEF0]  }
0x1d0: {  	v5 =	vmul.f32 $5.000000000e-01, v5;
	[tilespmem:s0+$0x30] =	vst v2;
	v10 =	vld [tilespmem:s31+$0xFFFFFF70];
	v1 =	vadd.f32 v1, v0  }
0x1d1: {  	v2 =	vadd.f32 v9, v8;
	v8 =	vld [tilespmem:s5+$0x140]  }
0x1d2: {  	v5 =	vadd.f32 v5, v0;
	v9 =	vld [tilespmem:s5+$0x1C0];
	[tilespmem:s30+$0x60] =	vst v1  }
0x1d3: {  	v2 =	vmul.f32 $5.000000000e-01, v2;
	v4 =	vadd.f32 v7, v4;
	v7 =	vld [tilespmem:s31+$0xFFFFFFF0]  }
0x1d4: {  	[tilespmem:s2+$0x30] =	vst v5;
	v3 =	vadd.f32 v3, v6;
	v1 =	vld [tilespmem:s31+$0x70]  }
0x1d5: {  	v2 =	vadd.f32 v2, v0;
	v11 =	vld [tilespmem:s5+$0xFFFFFF40];
	v4 =	vmul.f32 $5.000000000e-01, v4  }
0x1d6: {  	v12 =	vld [tilespmem:s5+$0xFFFFFFC0];
	v3 =	vmul.f32 $5.000000000e-01, v3  }
.Ltmp1:
0x1d7: {  	[tilespmem:s6+$0xFFFFFFF0] =	vst v2;
	v5 =	vadd.f32 v4, v0;
	v8 =	vadd.f32 v9, v8;
	v2 =	vld [tilespmem:s31+$0xF0];
	s31 =	smov.u32 s5;
	(pc) =	sbr.rel @p0 .LBB2_5-.Ltmp1, $4  }
0x1d8: {  	v4 =	vld [tilespmem:s5+$0xFFFFFE40];
	v3 =	vadd.f32 v3, v0;
	v7 =	vadd.f32 v7, v10  }
0x1d9: {  	v6 =	vld [tilespmem:s5+$0xFFFFFEC0];
	[tilespmem:s3+$0x30] =	vst v5;
	v9 =	vmul.f32 $5.000000000e-01, v8  }
0x1da: {  	v5 =	vld [tilespmem:s5+$0x40];
	[tilespmem:s8+$0x30] =	vst v3;
	v3 =	vmul.f32 $5.000000000e-01, v7;
	s8 =	smov.u32 s6  }
0x1db: {  	s5 =	sadd.s32 $0x400, s5;
	v8 =	vadd.f32 v12, v11;
	v7 =	vld [tilespmem:s31+$0xC0];
	v9 =	vadd.f32 v9, v0  }
0x1dc: {  	_ =	sdelay $0x1  }
0x1dd: {  	v32 =	vmul.f32 $5.000000000e-01, v8;
	v4 =	vadd.f32 v6, v4;
	_ =	sdelay $0x1  }
0x1de: {  	[tilespmem:s0+$0x40] =	vst v9;
	v6 =	vadd.f32 v32, v0;
	v4 =	vmul.f32 $5.000000000e-01, v4;
	v5 =	vadd.f32 v7, v5  }
0x1df: {  	v33 =	vld [tilespmem:s31+$0x150]  }
0x1e0: {  	v34 =	vld [tilespmem:s31+$0x1D0];
	[tilespmem:s2+$0x40] =	vst v6;
	v4 =	vadd.f32 v4, v0;
	v5 =	vmul.f32 $5.000000000e-01, v5  }
0x1e1: {  	v36 =	vld [tilespmem:s31+$0xFFFFFF50]  }
0x1e2: {  	v37 =	vld [tilespmem:s31+$0xFFFFFFD0];
	[tilespmem:s6+$0x0] =	vst v4;
	v5 =	vadd.f32 v5, v0  }
0x1e3: {  	v4 =	vld [tilespmem:s31+$0xFFFFFE50]  }
0x1e4: {  	v35 =	vld [tilespmem:s31+$0xFFFFFED0];
	[tilespmem:s3+$0x40] =	vst v5  }
0x1e5: {  	v7 =	vadd.f32 v34, v33;
	v38 =	vld [tilespmem:s31+$0x50]  }
0x1e6: {  	v10 =	vld [tilespmem:s31+$0xD0]  }
0x1e7: {  	v7 =	vmul.f32 $5.000000000e-01, v7;
	v5 =	vadd.f32 v37, v36;
	_ =	sdelay $0x1  }
0x1e8: {  	v39 =	vadd.f32 v7, v0;
	v5 =	vmul.f32 $5.000000000e-01, v5;
	v4 =	vadd.f32 v35, v4;
	_ =	sdelay $0x1  }
0x1e9: {  	[tilespmem:s0+$0x50] =	vst v39;
	v43 =	vadd.f32 v5, v0;
	v4 =	vmul.f32 $5.000000000e-01, v4;
	v40 =	vadd.f32 v10, v38  }
0x1ea: {  	v41 =	vld [tilespmem:s31+$0x160]  }
0x1eb: {  	v42 =	vld [tilespmem:s31+$0x1E0];
	[tilespmem:s2+$0x50] =	vst v43;
	v4 =	vadd.f32 v4, v0;
	v44 =	vmul.f32 $5.000000000e-01, v40  }
0x1ec: {  	v47 =	vld [tilespmem:s31+$0xFFFFFF60]  }
0x1ed: {  	v48 =	vld [tilespmem:s31+$0xFFFFFFE0];
	[tilespmem:s8+$0x10] =	vst v4;
	v5 =	vadd.f32 v44, v0  }
0x1ee: {  	v45 =	vld [tilespmem:s31+$0xFFFFFE60]  }
0x1ef: {  	v46 =	vld [tilespmem:s31+$0xFFFFFEE0];
	[tilespmem:s3+$0x50] =	vst v5  }
0x1f0: {  	v7 =	vadd.f32 v42, v41;
	v49 =	vld [tilespmem:s31+$0x60]  }
0x1f1: {  	v50 =	vld [tilespmem:s31+$0xE0]  }
0x1f2: {  	v7 =	vmul.f32 $5.000000000e-01, v7;
	v5 =	vadd.f32 v48, v47;
	_ =	sdelay $0x1  }
0x1f3: {  	v51 =	vadd.f32 v7, v0;
	v5 =	vmul.f32 $5.000000000e-01, v5;
	v4 =	vadd.f32 v46, v45;
	_ =	sdelay $0x1  }
0x1f4: {  	[tilespmem:s0+$0x60] =	vst v51;
	v55 =	vadd.f32 v5, v0;
	v4 =	vmul.f32 $5.000000000e-01, v4;
	v52 =	vadd.f32 v50, v49  }
0x1f5: {  	v53 =	vld [tilespmem:s31+$0x170]  }
0x1f6: {  	v54 =	vld [tilespmem:s31+$0x1F0];
	[tilespmem:s2+$0x60] =	vst v55;
	v4 =	vadd.f32 v4, v0;
	v56 =	vmul.f32 $5.000000000e-01, v52  }
0x1f7: {  	v59 =	vld [tilespmem:s31+$0xFFFFFF70]  }
0x1f8: {  	v60 =	vld [tilespmem:s31+$0xFFFFFFF0];
	[tilespmem:s8+$0x20] =	vst v4;
	v5 =	vadd.f32 v56, v0  }
0x1f9: {  	v57 =	vld [tilespmem:s31+$0xFFFFFE70]  }
0x1fa: {  	v58 =	vld [tilespmem:s31+$0xFFFFFEF0];
	[tilespmem:s3+$0x60] =	vst v5  }
0x1fb: {  	v61 =	vld [tilespmem:s31+$0x70]  }
0x1fc: {  	v11 =	vld [tilespmem:s31+$0xF0]  }
0x1fd: {  	v1 =	vadd.f32 v2, v1  }
0x1fe: {  	v2 =	vadd.f32 v54, v53  }
0x1ff: {  	v1 =	vmul.f32 $5.000000000e-01, v1;
	v4 =	vadd.f32 v58, v57  }
0x200: {  	v3 =	vadd.f32 v3, v0;
	v2 =	vmul.f32 $5.000000000e-01, v2;
	v5 =	vadd.f32 v60, v59  }
0x201: {  	v1 =	vadd.f32 v1, v0;
	v4 =	vmul.f32 $5.000000000e-01, v4;
	v62 =	vadd.f32 v11, v61  }
0x202: {  	s26 =	sadd.s32 $0x1, s26;
	[tilespmem:s29+$0x70] =	vst v3;
	v2 =	vadd.f32 v2, v0;
	v3 =	vmul.f32 $5.000000000e-01, v5  }
0x203: {  	p0 =	sne.s32 s26, $0x10;
	[tilespmem:s30+$0x70] =	vst v1;
	v1 =	vadd.f32 v4, v0;
	v63 =	vmul.f32 $5.000000000e-01, v62  }
.Ltmp2:
0x204: {  	s31 =	sshll.u32 s28, $0x11;
	[tilespmem:s0+$0x70] =	vst v2;
	v2 =	vadd.f32 v3, v0;
	(pc) =	sbr.rel @p0 .LBB2_2-.Ltmp2, $4  }
0x205: {  	s0 =	sadd.s32 s7, s31;
	[tilespmem:s8+$0x30] =	vst v1;
	v1 =	vadd.f32 v63, v0  }
0x206: {  	s0 =	sshrl.u32 s0, $0x3;
	[tilespmem:s2+$0x70] =	vst v2  }
0x207: {  	s0 =	sadd.s32 s4, s0;
	[tilespmem:s3+$0x70] =	vst v1  }
0x208: {  	[hbm4b:s0+s18] =	stream.strided.scatter [tilespmem:s22], [sflag:$0x4], $0x4000, s19, s18, $0x38;
	[tilespmem:$0x1A110] =	vst v63  }
0x209: {  	_ =	swait.ge [sflag:s17], $0x4000  }
0x20a: {  	[sflag:s17] =	ssyncset.done $0x0  }
0x20b: {  	[sflag:s17] =	ssyncadd.s32 $0xFFFFC000  }
0x20c: {  	_ =	swait.ge [sflag:s17], $0x4000  }
0x20d: {  	[sflag:s17] =	ssyncset.done $0x0  }
0x20e: {  	s30 =	simm.s32 $0x3;
	[sflag:s17] =	ssyncadd.s32 $0xFFFFC000  }
0x20f: {  	_ =	swait.ge [sflag:s30], $0x4000  }
0x210: {  	[sflag:s30] =	ssyncset.done $0x0  }
0x211: {  	s8 =	simm.s32 $0x2300;
	[sflag:s30] =	ssyncadd.s32 $0xFFFFC000  }
0x212: {  	v1 =	vld [tilespmem:s8+$0x100]  }
0x213: {  	v2 =	vld [tilespmem:s8+$0x180];
	_ =	sdelay $0x3  }
0x214: {  	v3 =	vld [tilespmem:s8+$0xFFFFFF00]  }
0x215: {  	v4 =	vld [tilespmem:s8+$0xFFFFFF80];
	v1 =	vadd.f32 v2, v1  }
0x216: {  	v5 =	vld [tilespmem:s8+$0xFFFFFE00]  }
0x217: {  	s0 =	simm.s32 $0x0;
	v2 =	vld [tilespmem:s8+$0xFFFFFE80];
	v1 =	vmul.f32 $5.000000000e-01, v1  }
0x218: {  	s2 =	simm.s32 $0x180;
	s0 =	sand.u32 $0x3C00, s0;
	v6 =	vld [tilespmem:s8+$0x0]  }
0x219: {  	s2 =	sand.u32 $0x380, s2;
	s0 =	sadd.s32 $0x12100, s0;
	v7 =	vld [tilespmem:s8+$0x80];
	v1 =	vadd.f32 v1, v0  }
0x21a: {  	s9 =	sadd.s32 s2, s0;
	v3 =	vadd.f32 v4, v3  }
0x21b: {  	[tilespmem:s9+$0x0] =	vst v1  }
0x21c: {  	v2 =	vadd.f32 v2, v5;
	v1 =	vmul.f32 $5.000000000e-01, v3;
	v3 =	vld [tilespmem:s8+$0x110]  }
0x21d: {  	s5 =	simm.s32 $0x80;
	v4 =	vld [tilespmem:s8+$0x190]  }
0x21e: {  	s2 =	sand.u32 $0x280, s5;
	v5 =	vadd.f32 v7, v6;
	v2 =	vmul.f32 $5.000000000e-01, v2;
	v1 =	vadd.f32 v1, v0  }
0x21f: {  	s26 =	sor.u32 s2, s0  }
0x220: {  	v5 =	vmul.f32 $5.000000000e-01, v5;
	[tilespmem:s26+$0x0] =	vst v1;
	v1 =	vadd.f32 v2, v0  }
0x221: {  	s6 =	simm.s32 $0x100;
	s5 =	simm.s32 $0x12140;
	v2 =	vld [tilespmem:s8+$0xFFFFFF10]  }
0x222: {  	s2 =	sand.u32 $0x300, s6;
	v5 =	vadd.f32 v5, v0;
	v6 =	vld [tilespmem:s8+$0xFFFFFF90];
	v3 =	vadd.f32 v4, v3;
	[tilespmem:s5+$0xFFFFFFC0] =	vst v1  }
0x223: {  	s28 =	sadd.s32 s2, s0;
	v1 =	vld [tilespmem:s8+$0xFFFFFE10]  }
0x224: {  	[tilespmem:s28+$0x0] =	vst v5;
	v4 =	vld [tilespmem:s8+$0xFFFFFE90];
	v3 =	vmul.f32 $5.000000000e-01, v3  }
0x225: {  	v5 =	vld [tilespmem:s8+$0x10]  }
0x226: {  	v7 =	vld [tilespmem:s8+$0x90];
	v3 =	vadd.f32 v3, v0  }
0x227: {  	v2 =	vadd.f32 v6, v2  }
0x228: {  	[tilespmem:s9+$0x10] =	vst v3  }
0x229: {  	v2 =	vmul.f32 $5.000000000e-01, v2;
	v1 =	vadd.f32 v4, v1;
	v3 =	vld [tilespmem:s8+$0x120]  }
0x22a: {  	v4 =	vld [tilespmem:s8+$0x1A0]  }
0x22b: {  	v5 =	vadd.f32 v7, v5;
	v2 =	vadd.f32 v2, v0;
	v1 =	vmul.f32 $5.000000000e-01, v1;
	_ =	sdelay $0x1  }
0x22c: {  	[tilespmem:s26+$0x10] =	vst v2;
	v2 =	vmul.f32 $5.000000000e-01, v5;
	v1 =	vadd.f32 v1, v0  }
0x22d: {  	v5 =	vld [tilespmem:s8+$0xFFFFFF20]  }
0x22e: {  	v6 =	vld [tilespmem:s8+$0xFFFFFFA0];
	v2 =	vadd.f32 v2, v0;
	[tilespmem:s5+$0xFFFFFFD0] =	vst v1;
	v1 =	vadd.f32 v4, v3  }
0x22f: {  	v3 =	vld [tilespmem:s8+$0xFFFFFE20]  }
0x230: {  	[tilespmem:s28+$0x10] =	vst v2;
	v2 =	vld [tilespmem:s8+$0xFFFFFEA0];
	v1 =	vmul.f32 $5.000000000e-01, v1  }
0x231: {  	v4 =	vld [tilespmem:s8+$0x20]  }
0x232: {  	v7 =	vld [tilespmem:s8+$0xA0];
	v1 =	vadd.f32 v1, v0  }
0x233: {  	v5 =	vadd.f32 v6, v5  }
0x234: {  	[tilespmem:s9+$0x20] =	vst v1  }
0x235: {  	v1 =	vmul.f32 $5.000000000e-01, v5;
	v2 =	vadd.f32 v2, v3;
	v3 =	vld [tilespmem:s8+$0x130]  }
0x236: {  	v5 =	vld [tilespmem:s8+$0x1B0]  }
0x237: {  	v1 =	vadd.f32 v1, v0;
	v4 =	vadd.f32 v7, v4;
	v2 =	vmul.f32 $5.000000000e-01, v2;
	_ =	sdelay $0x1  }
0x238: {  	[tilespmem:s26+$0x20] =	vst v1;
	v1 =	vadd.f32 v2, v0;
	v2 =	vmul.f32 $5.000000000e-01, v4  }
0x239: {  	v4 =	vld [tilespmem:s8+$0xFFFFFF30]  }
0x23a: {  	v6 =	vld [tilespmem:s8+$0xFFFFFFB0];
	[tilespmem:s5+$0xFFFFFFE0] =	vst v1;
	v1 =	vadd.f32 v2, v0;
	v2 =	vadd.f32 v5, v3  }
0x23b: {  	v3 =	vld [tilespmem:s8+$0xFFFFFE30]  }
0x23c: {  	v5 =	vld [tilespmem:s8+$0xFFFFFEB0];
	[tilespmem:s28+$0x20] =	vst v1;
	v1 =	vmul.f32 $5.000000000e-01, v2  }
0x23d: {  	v2 =	vld [tilespmem:s8+$0x30]  }
0x23e: {  	v7 =	vld [tilespmem:s8+$0xB0];
	v1 =	vadd.f32 v1, v0  }
0x23f: {  	v4 =	vadd.f32 v6, v4  }
0x240: {  	[tilespmem:s9+$0x30] =	vst v1  }
0x241: {  	v1 =	vmul.f32 $5.000000000e-01, v4;
	v3 =	vadd.f32 v5, v3;
	v4 =	vld [tilespmem:s8+$0x140]  }
0x242: {  	v5 =	vld [tilespmem:s8+$0x1C0]  }
0x243: {  	v1 =	vadd.f32 v1, v0;
	v3 =	vmul.f32 $5.000000000e-01, v3;
	v2 =	vadd.f32 v7, v2;
	_ =	sdelay $0x1  }
0x244: {  	s29 =	simm.s32 $0x2700;
	[tilespmem:s26+$0x30] =	vst v1;
	v1 =	vadd.f32 v3, v0;
	v2 =	vmul.f32 $5.000000000e-01, v2  }
0x245: {  	v8 =	vld [tilespmem:s29+$0x100]  }
0x246: {  	v9 =	vld [tilespmem:s29+$0x180];
	[tilespmem:s5+$0xFFFFFFF0] =	vst v1;
	v1 =	vadd.f32 v2, v0;
	v2 =	vadd.f32 v5, v4  }
0x247: {  	v4 =	vld [tilespmem:s8+$0xFFFFFE40]  }
0x248: {  	v5 =	vld [tilespmem:s8+$0xFFFFFEC0];
	[tilespmem:s28+$0x30] =	vst v1;
	v1 =	vmul.f32 $5.000000000e-01, v2  }
0x249: {  	v3 =	vld [tilespmem:s8+$0xFFFFFF40]  }
0x24a: {  	v6 =	vld [tilespmem:s8+$0xFFFFFFC0];
	v1 =	vadd.f32 v1, v0  }
0x24b: {  	v10 =	vld [tilespmem:s29+$0xFFFFFE80]  }
0x24c: {  	v11 =	vld [tilespmem:s29+$0xFFFFFF80];
	[tilespmem:s9+$0x40] =	vst v1  }
0x24d: {  	v4 =	vadd.f32 v5, v4;
	v1 =	vld [tilespmem:s8+$0x150]  }
0x24e: {  	v5 =	vld [tilespmem:s8+$0x1D0]  }
0x24f: {  	v12 =	vld [tilespmem:s29+$0x80];
	v3 =	vadd.f32 v6, v3;
	v4 =	vmul.f32 $5.000000000e-01, v4  }
0x250: {  	v6 =	vld [tilespmem:s29+$0xFFFFFF00]  }
0x251: {  	v8 =	vadd.f32 v9, v8;
	v9 =	vld [tilespmem:s29+$0x0];
	v3 =	vmul.f32 $5.000000000e-01, v3;
	v4 =	vadd.f32 v4, v0  }
0x252: {  	v2 =	vld [tilespmem:s8+$0x40]  }
0x253: {  	s11 =	simm.s32 $0x200;
	v8 =	vmul.f32 $5.000000000e-01, v8;
	v3 =	vadd.f32 v3, v0;
	v1 =	vadd.f32 v5, v1;
	[tilespmem:s5+$0x0] =	vst v4;
	v4 =	vld [tilespmem:s29+$0xFFFFFE00]  }
0x254: {  	s23 =	simm.s32 $0x380;
	s10 =	sand.u32 $0x3C00, s11;
	v7 =	vld [tilespmem:s8+$0xC0]  }
0x255: {  	s24 =	sand.u32 $0x380, s23;
	s3 =	sadd.s32 $0x12100, s10;
	[tilespmem:s26+$0x40] =	vst v3;
	v3 =	vadd.f32 v11, v6;
	v5 =	vadd.f32 v8, v0;
	v8 =	vld [tilespmem:s8+$0xFFFFFE50];
	v1 =	vmul.f32 $5.000000000e-01, v1  }
0x256: {  	s0 =	sadd.s32 s24, s3;
	v6 =	vld [tilespmem:s8+$0xFFFFFED0]  }
0x257: {  	v9 =	vadd.f32 v12, v9;
	v3 =	vmul.f32 $5.000000000e-01, v3;
	[tilespmem:s0+$0x0] =	vst v5;
	v5 =	vld [tilespmem:s8+$0xFFFFFF50];
	v1 =	vadd.f32 v1, v0  }
0x258: {  	s31 =	simm.s32 $0x280;
	v11 =	vld [tilespmem:s29+$0x110];
	v4 =	vadd.f32 v10, v4  }
0x259: {  	s2 =	sand.u32 $0x280, s31;
	v10 =	vld [tilespmem:s29+$0x190];
	[tilespmem:s9+$0x50] =	vst v1;
	v1 =	vadd.f32 v3, v0;
	v3 =	vmul.f32 $5.000000000e-01, v9  }
0x25a: {  	s6 =	simm.s32 $0x300;
	s2 =	sor.u32 s2, s3;
	v9 =	vld [tilespmem:s8+$0x160];
	v4 =	vmul.f32 $5.000000000e-01, v4  }
0x25b: {  	s6 =	sand.u32 $0x300, s6;
	v2 =	vadd.f32 v7, v2;
	v58 =	vld [tilespmem:s8+$0x1E0];
	[tilespmem:s2+$0x0] =	vst v1;
	v1 =	vadd.f32 v3, v0  }
0x25c: {  	s3 =	sadd.s32 s6, s3;
	v4 =	vadd.f32 v4, v0;
	v7 =	vld [tilespmem:s29+$0xFFFFFF10]  }
0x25d: {  	s6 =	simm.s32 $0x12340;
	v2 =	vmul.f32 $5.000000000e-01, v2;
	[tilespmem:s3+$0x0] =	vst v1;
	v1 =	vld [tilespmem:s29+$0xFFFFFF90]  }
0x25e: {  	v3 =	vld [tilespmem:s8+$0xFFFFFFD0];
	v10 =	vadd.f32 v10, v11;
	[tilespmem:s6+$0xFFFFFFC0] =	vst v4  }
0x25f: {  	v2 =	vadd.f32 v2, v0;
	v11 =	vld [tilespmem:s29+$0xFFFFFE10]  }
0x260: {  	v10 =	vmul.f32 $5.000000000e-01, v10;
	v9 =	vadd.f32 v58, v9;
	v59 =	vld [tilespmem:s29+$0xFFFFFE90]  }
0x261: {  	[tilespmem:s28+$0x40] =	vst v2;
	v2 =	vadd.f32 v6, v8;
	v4 =	vld [tilespmem:s29+$0x10]  }
0x262: {  	v6 =	vld [tilespmem:s29+$0x90];
	v8 =	vadd.f32 v10, v0;
	v9 =	vmul.f32 $5.000000000e-01, v9;
	v1 =	vadd.f32 v1, v7  }
0x263: {  	v2 =	vmul.f32 $5.000000000e-01, v2;
	v7 =	vld [tilespmem:s8+$0x50]  }
0x264: {  	[tilespmem:s0+$0x10] =	vst v8;
	v8 =	vld [tilespmem:s8+$0xD0];
	v9 =	vadd.f32 v9, v0;
	v1 =	vmul.f32 $5.000000000e-01, v1  }
0x265: {  	v2 =	vadd.f32 v2, v0;
	v10 =	vld [tilespmem:s29+$0x120];
	v11 =	vadd.f32 v59, v11  }
0x266: {  	v60 =	vld [tilespmem:s29+$0x1A0];
	[tilespmem:s9+$0x60] =	vst v9;
	v1 =	vadd.f32 v1, v0  }
0x267: {  	[tilespmem:s5+$0x10] =	vst v2;
	v2 =	vadd.f32 v6, v4;
	v9 =	vld [tilespmem:s8+$0x170];
	v4 =	vmul.f32 $5.000000000e-01, v11  }
0x268: {  	[tilespmem:s2+$0x10] =	vst v1;
	v1 =	vld [tilespmem:s8+$0xFFFFFE60]  }
0x269: {  	v3 =	vadd.f32 v3, v5;
	v2 =	vmul.f32 $5.000000000e-01, v2;
	v4 =	vadd.f32 v4, v0;
	v5 =	vld [tilespmem:s29+$0xFFFFFF20]  }
0x26a: {  	v11 =	vld [tilespmem:s29+$0xFFFFFFA0]  }
0x26b: {  	v3 =	vmul.f32 $5.000000000e-01, v3;
	v2 =	vadd.f32 v2, v0;
	[tilespmem:s6+$0xFFFFFFD0] =	vst v4;
	v4 =	vadd.f32 v60, v10;
	v10 =	vld [tilespmem:s8+$0xFFFFFEE0]  }
0x26c: {  	v61 =	vld [tilespmem:s29+$0xFFFFFE20]  }
0x26d: {  	v3 =	vadd.f32 v3, v0;
	v7 =	vadd.f32 v8, v7;
	[tilespmem:s3+$0x10] =	vst v2;
	v2 =	vld [tilespmem:s29+$0xFFFFFEA0]  }
0x26e: {  	v8 =	vld [tilespmem:s29+$0x20];
	v4 =	vmul.f32 $5.000000000e-01, v4  }
0x26f: {  	[tilespmem:s26+$0x50] =	vst v3;
	v3 =	vmul.f32 $5.000000000e-01, v7;
	v7 =	vld [tilespmem:s29+$0xA0]  }
0x270: {  	v6 =	vld [tilespmem:s8+$0x1F0];
	v5 =	vadd.f32 v11, v5;
	v4 =	vadd.f32 v4, v0  }
0x271: {  	v11 =	vld [tilespmem:s8+$0xFFFFFF60];
	v1 =	vadd.f32 v10, v1  }
0x272: {  	v3 =	vadd.f32 v3, v0;
	v5 =	vmul.f32 $5.000000000e-01, v5;
	[tilespmem:s0+$0x20] =	vst v4;
	v4 =	vld [tilespmem:s8+$0xFFFFFFE0];
	v2 =	vadd.f32 v2, v61  }
0x273: {  	v10 =	vld [tilespmem:s29+$0x130];
	v1 =	vmul.f32 $5.000000000e-01, v1  }
0x274: {  	[tilespmem:s28+$0x50] =	vst v3;
	v7 =	vadd.f32 v7, v8;
	v3 =	vadd.f32 v5, v0;
	v5 =	vld [tilespmem:s29+$0x1B0];
	v2 =	vmul.f32 $5.000000000e-01, v2  }
0x275: {  	v8 =	vld [tilespmem:s8+$0x60];
	v1 =	vadd.f32 v1, v0  }
0x276: {  	v7 =	vmul.f32 $5.000000000e-01, v7;
	[tilespmem:s2+$0x20] =	vst v3;
	v3 =	vld [tilespmem:s8+$0xE0];
	v2 =	vadd.f32 v2, v0  }
0x277: {  	v62 =	vld [tilespmem:s29+$0xFFFFFF30];
	[tilespmem:s5+$0x20] =	vst v1  }
0x278: {  	v1 =	vadd.f32 v4, v11;
	v4 =	vld [tilespmem:s29+$0xFFFFFFB0];
	[tilespmem:s6+$0xFFFFFFE0] =	vst v2;
	v2 =	vadd.f32 v7, v0  }
0x279: {  	v5 =	vadd.f32 v5, v10;
	v10 =	vld [tilespmem:s29+$0xFFFFFE30]  }
0x27a: {  	v1 =	vmul.f32 $5.000000000e-01, v1;
	v11 =	vld [tilespmem:s29+$0xFFFFFEB0];
	[tilespmem:s3+$0x20] =	vst v2  }
0x27b: {  	v2 =	vmul.f32 $5.000000000e-01, v5;
	v5 =	vld [tilespmem:s29+$0x30]  }
0x27c: {  	v1 =	vadd.f32 v1, v0;
	v3 =	vadd.f32 v3, v8;
	v8 =	vld [tilespmem:s29+$0xB0]  }
0x27d: {  	v7 =	vld [tilespmem:s8+$0xFFFFFE70];
	v4 =	vadd.f32 v4, v62;
	v2 =	vadd.f32 v2, v0  }
0x27e: {  	[tilespmem:s26+$0x60] =	vst v1;
	v1 =	vmul.f32 $5.000000000e-01, v3;
	v3 =	vld [tilespmem:s8+$0xFFFFFEF0]  }
0x27f: {  	v4 =	vmul.f32 $5.000000000e-01, v4;
	v63 =	vld [tilespmem:s8+$0xFFFFFF70];
	[tilespmem:s0+$0x30] =	vst v2  }
0x280: {  	v1 =	vadd.f32 v1, v0;
	v2 =	vadd.f32 v11, v10;
	v10 =	vld [tilespmem:s29+$0x140]  }
0x281: {  	v4 =	vadd.f32 v4, v0;
	v11 =	vld [tilespmem:s29+$0x1C0];
	v5 =	vadd.f32 v8, v5  }
0x282: {  	v6 =	vadd.f32 v6, v9;
	v8 =	vld [tilespmem:s8+$0xFFFFFFF0];
	[tilespmem:s28+$0x60] =	vst v1;
	v2 =	vmul.f32 $5.000000000e-01, v2  }
0x283: {  	[tilespmem:s2+$0x30] =	vst v4;
	v1 =	vld [tilespmem:s8+$0x70];
	v3 =	vadd.f32 v3, v7;
	v4 =	vmul.f32 $5.000000000e-01, v5  }
0x284: {  	v5 =	vmul.f32 $5.000000000e-01, v6;
	v2 =	vadd.f32 v2, v0;
	v7 =	vld [tilespmem:s29+$0xFFFFFF40]  }
0x285: {  	v9 =	vld [tilespmem:s29+$0xFFFFFFC0];
	v3 =	vmul.f32 $5.000000000e-01, v3;
	v13 =	vadd.f32 v4, v0  }
0x286: {  	v5 =	vadd.f32 v5, v0;
	[tilespmem:s6+$0xFFFFFFF0] =	vst v2;
	v10 =	vadd.f32 v11, v10;
	v2 =	vld [tilespmem:s8+$0xF0]  }
0x287: {  	v8 =	vadd.f32 v8, v63;
	v4 =	vld [tilespmem:s29+$0xFFFFFE40];
	v3 =	vadd.f32 v3, v0;
	[tilespmem:s3+$0x30] =	vst v13  }
0x288: {  	v6 =	vld [tilespmem:s29+$0xFFFFFEC0];
	[tilespmem:s9+$0x70] =	vst v5;
	v10 =	vmul.f32 $5.000000000e-01, v10  }
0x289: {  	v5 =	vld [tilespmem:s29+$0x40];
	[tilespmem:s5+$0x30] =	vst v3;
	v3 =	vmul.f32 $5.000000000e-01, v8  }
0x28a: {  	s8 =	simm.s32 $0x12340;
	s9 =	simm.s32 $0x4;
	v8 =	vadd.f32 v9, v7;
	v7 =	vld [tilespmem:s29+$0xC0];
	s5 =	simm.s32 $0x2B00;
	v9 =	vadd.f32 v10, v0  }
.LBB2_8:
0x28b: {  	v10 =	vld [tilespmem:s5+$0x100];
	v3 =	vadd.f32 v3, v0;
	v1 =	vadd.f32 v2, v1  }
0x28c: {  	v2 =	vld [tilespmem:s5+$0x180];
	v8 =	vmul.f32 $5.000000000e-01, v8;
	[tilespmem:s0+$0x40] =	vst v9  }
0x28d: {  	v4 =	vadd.f32 v6, v4;
	v6 =	vld [tilespmem:s29+$0x150];
	[tilespmem:s26+$0x70] =	vst v3;
	v1 =	vmul.f32 $5.000000000e-01, v1;
	s26 =	smov.u32 s2  }
0x28e: {  	v3 =	vadd.f32 v8, v0;
	v8 =	vld [tilespmem:s29+$0x1D0]  }
0x28f: {  	v9 =	vld [tilespmem:s5+$0xFFFFFE80];
	v4 =	vmul.f32 $5.000000000e-01, v4;
	v5 =	vadd.f32 v7, v5;
	v1 =	vadd.f32 v1, v0  }
0x290: {  	v7 =	vld [tilespmem:s5+$0xFFFFFF00];
	[tilespmem:s26+$0x40] =	vst v3  }
0x291: {  	v3 =	vld [tilespmem:s5+$0xFFFFFF80];
	v2 =	vadd.f32 v2, v10;
	v4 =	vadd.f32 v4, v0;
	v5 =	vmul.f32 $5.000000000e-01, v5;
	[tilespmem:s28+$0x70] =	vst v1;
	s28 =	smov.u32 s3  }
0x292: {  	v1 =	vld [tilespmem:s5+$0x0]  }
0x293: {  	s11 =	sadd.s32 $0x200, s11;
	v10 =	vld [tilespmem:s5+$0x80];
	v2 =	vmul.f32 $5.000000000e-01, v2;
	[tilespmem:s6+$0x0] =	vst v4;
	v4 =	vadd.f32 v5, v0;
	v5 =	vadd.f32 v8, v6  }
0x294: {  	s9 =	sadd.s32 $0x4, s9;
	s2 =	sand.u32 $0x3C00, s11;
	s3 =	sadd.s32 $0x180, s11;
	v6 =	vld [tilespmem:s5+$0xFFFFFE00]  }
0x295: {  	p0 =	slt.u32 s9, $0x7C;
	s10 =	sadd.s32 $0x12100, s2;
	s2 =	sand.u32 $0x380, s3;
	v2 =	vadd.f32 v2, v0;
	v8 =	vld [tilespmem:s29+$0xFFFFFE50];
	[tilespmem:s28+$0x40] =	vst v4;
	v4 =	vmul.f32 $5.000000000e-01, v5  }
0x296: {  	s23 =	sadd.s32 $0x100, s11;
	s3 =	sadd.s32 $0x80, s11;
	s24 =	sadd.s32 s2, s10;
	v3 =	vadd.f32 v3, v7;
	v5 =	vld [tilespmem:s29+$0xFFFFFED0]  }
0x297: {  	s2 =	sand.u32 $0x280, s3;
	s3 =	sand.u32 $0x300, s23;
	[tilespmem:s24+$0x0] =	vst v2;
	v2 =	vld [tilespmem:s29+$0xFFFFFF50];
	v4 =	vadd.f32 v4, v0  }
0x298: {  	s2 =	sor.u32 s2, s10;
	s3 =	sadd.s32 s3, s10;
	v3 =	vmul.f32 $5.000000000e-01, v3;
	v1 =	vadd.f32 v10, v1;
	v7 =	vld [tilespmem:s5+$0x110]  }
0x299: {  	v6 =	vadd.f32 v9, v6;
	v9 =	vld [tilespmem:s5+$0x190];
	[tilespmem:s0+$0x50] =	vst v4  }
0x29a: {  	v3 =	vadd.f32 v3, v0;
	v1 =	vmul.f32 $5.000000000e-01, v1;
	v4 =	vld [tilespmem:s29+$0x160]  }
0x29b: {  	v6 =	vmul.f32 $5.000000000e-01, v6;
	v5 =	vadd.f32 v5, v8;
	v8 =	vld [tilespmem:s29+$0x1E0]  }
0x29c: {  	[tilespmem:s2+$0x0] =	vst v3;
	v1 =	vadd.f32 v1, v0;
	v3 =	vld [tilespmem:s29+$0xFFFFFFD0]  }
0x29d: {  	v6 =	vadd.f32 v6, v0;
	v10 =	vld [tilespmem:s5+$0xFFFFFF10];
	v5 =	vmul.f32 $5.000000000e-01, v5  }
0x29e: {  	s6 =	sadd.s32 $0x200, s6;
	v11 =	vld [tilespmem:s5+$0xFFFFFF90];
	[tilespmem:s3+$0x0] =	vst v1;
	v1 =	vadd.f32 v9, v7  }
0x29f: {  	[tilespmem:s6+$0xFFFFFFC0] =	vst v6;
	v6 =	vld [tilespmem:s5+$0x10];
	v5 =	vadd.f32 v5, v0  }
0x2a0: {  	v7 =	vld [tilespmem:s5+$0xFFFFFE10];
	v1 =	vmul.f32 $5.000000000e-01, v1;
	v4 =	vadd.f32 v8, v4  }
0x2a1: {  	v8 =	vld [tilespmem:s5+$0xFFFFFE90];
	[tilespmem:s8+$0x10] =	vst v5;
	v2 =	vadd.f32 v3, v2  }
0x2a2: {  	v3 =	vld [tilespmem:s5+$0x90];
	v1 =	vadd.f32 v1, v0;
	v4 =	vmul.f32 $5.000000000e-01, v4  }
0x2a3: {  	v5 =	vadd.f32 v11, v10;
	v2 =	vmul.f32 $5.000000000e-01, v2;
	v9 =	vld [tilespmem:s29+$0x50]  }
0x2a4: {  	[tilespmem:s24+$0x10] =	vst v1;
	v1 =	vld [tilespmem:s29+$0xD0];
	v4 =	vadd.f32 v4, v0  }
0x2a5: {  	v5 =	vmul.f32 $5.000000000e-01, v5;
	v10 =	vld [tilespmem:s5+$0x120];
	v2 =	vadd.f32 v2, v0  }
0x2a6: {  	v7 =	vadd.f32 v8, v7;
	v8 =	vld [tilespmem:s5+$0x1A0];
	[tilespmem:s0+$0x60] =	vst v4  }
0x2a7: {  	v4 =	vadd.f32 v5, v0;
	v3 =	vadd.f32 v3, v6;
	[tilespmem:s26+$0x50] =	vst v2;
	v2 =	vld [tilespmem:s29+$0x170]  }
0x2a8: {  	v5 =	vmul.f32 $5.000000000e-01, v7;
	v6 =	vld [tilespmem:s29+$0x1F0]  }
0x2a9: {  	[tilespmem:s2+$0x10] =	vst v4;
	v3 =	vmul.f32 $5.000000000e-01, v3;
	v4 =	vld [tilespmem:s29+$0xFFFFFE60];
	v1 =	vadd.f32 v1, v9  }
0x2aa: {  	v5 =	vadd.f32 v5, v0;
	v7 =	vld [tilespmem:s5+$0xFFFFFF20]  }
0x2ab: {  	v9 =	vld [tilespmem:s5+$0xFFFFFFA0];
	v3 =	vadd.f32 v3, v0;
	v1 =	vmul.f32 $5.000000000e-01, v1  }
0x2ac: {  	[tilespmem:s6+$0xFFFFFFD0] =	vst v5;
	v5 =	vadd.f32 v8, v10;
	v8 =	vld [tilespmem:s29+$0xFFFFFEE0]  }
0x2ad: {  	v10 =	vld [tilespmem:s5+$0xFFFFFE20];
	[tilespmem:s3+$0x10] =	vst v3;
	v1 =	vadd.f32 v1, v0;
	v2 =	vadd.f32 v6, v2  }
0x2ae: {  	v3 =	vld [tilespmem:s5+$0xFFFFFEA0];
	v5 =	vmul.f32 $5.000000000e-01, v5  }
0x2af: {  	v6 =	vld [tilespmem:s5+$0x20];
	[tilespmem:s28+$0x50] =	vst v1;
	v1 =	vmul.f32 $5.000000000e-01, v2  }
0x2b0: {  	v2 =	vadd.f32 v9, v7;
	v7 =	vld [tilespmem:s5+$0xA0];
	v5 =	vadd.f32 v5, v0  }
0x2b1: {  	v4 =	vadd.f32 v8, v4;
	v8 =	vld [tilespmem:s29+$0xFFFFFF60];
	v1 =	vadd.f32 v1, v0  }
0x2b2: {  	v2 =	vmul.f32 $5.000000000e-01, v2;
	[tilespmem:s24+$0x20] =	vst v5;
	v5 =	vld [tilespmem:s29+$0xFFFFFFE0]  }
0x2b3: {  	v3 =	vadd.f32 v3, v10;
	v9 =	vld [tilespmem:s5+$0x130];
	v4 =	vmul.f32 $5.000000000e-01, v4;
	[tilespmem:s0+$0x70] =	vst v1;
	s0 =	smov.u32 s24  }
0x2b4: {  	v1 =	vadd.f32 v2, v0;
	v2 =	vld [tilespmem:s5+$0x1B0]  }
0x2b5: {  	v3 =	vmul.f32 $5.000000000e-01, v3;
	v6 =	vadd.f32 v7, v6;
	v4 =	vadd.f32 v4, v0;
	v7 =	vld [tilespmem:s29+$0x60]  }
0x2b6: {  	[tilespmem:s2+$0x20] =	vst v1;
	v1 =	vld [tilespmem:s29+$0xE0]  }
0x2b7: {  	v3 =	vadd.f32 v3, v0;
	v10 =	vld [tilespmem:s5+$0xFFFFFF30];
	v6 =	vmul.f32 $5.000000000e-01, v6;
	[tilespmem:s8+$0x20] =	vst v4;
	v4 =	vadd.f32 v5, v8  }
0x2b8: {  	v5 =	vld [tilespmem:s5+$0xFFFFFFB0]  }
0x2b9: {  	[tilespmem:s6+$0xFFFFFFE0] =	vst v3;
	v3 =	vadd.f32 v6, v0;
	v2 =	vadd.f32 v2, v9;
	v6 =	vld [tilespmem:s29+$0xFFFFFE70];
	v4 =	vmul.f32 $5.000000000e-01, v4  }
0x2ba: {  	v8 =	vld [tilespmem:s5+$0xFFFFFE30]  }
0x2bb: {  	v9 =	vld [tilespmem:s5+$0xFFFFFEB0];
	[tilespmem:s3+$0x20] =	vst v3;
	v2 =	vmul.f32 $5.000000000e-01, v2;
	v3 =	vadd.f32 v4, v0;
	v1 =	vadd.f32 v1, v7  }
0x2bc: {  	v4 =	vld [tilespmem:s5+$0x30]  }
0x2bd: {  	v5 =	vadd.f32 v5, v10;
	v7 =	vld [tilespmem:s5+$0xB0];
	v2 =	vadd.f32 v2, v0;
	[tilespmem:s26+$0x60] =	vst v3;
	v1 =	vmul.f32 $5.000000000e-01, v1  }
0x2be: {  	v3 =	vld [tilespmem:s29+$0xFFFFFEF0]  }
0x2bf: {  	v5 =	vmul.f32 $5.000000000e-01, v5;
	[tilespmem:s0+$0x30] =	vst v2;
	v10 =	vld [tilespmem:s29+$0xFFFFFF70];
	v1 =	vadd.f32 v1, v0  }
0x2c0: {  	v2 =	vadd.f32 v9, v8;
	v8 =	vld [tilespmem:s5+$0x140]  }
0x2c1: {  	v5 =	vadd.f32 v5, v0;
	v9 =	vld [tilespmem:s5+$0x1C0];
	[tilespmem:s28+$0x60] =	vst v1  }
0x2c2: {  	v2 =	vmul.f32 $5.000000000e-01, v2;
	v4 =	vadd.f32 v7, v4;
	v7 =	vld [tilespmem:s29+$0xFFFFFFF0]  }
0x2c3: {  	[tilespmem:s2+$0x30] =	vst v5;
	v3 =	vadd.f32 v3, v6;
	v1 =	vld [tilespmem:s29+$0x70]  }
0x2c4: {  	v2 =	vadd.f32 v2, v0;
	v11 =	vld [tilespmem:s5+$0xFFFFFF40];
	v4 =	vmul.f32 $5.000000000e-01, v4  }
0x2c5: {  	v12 =	vld [tilespmem:s5+$0xFFFFFFC0];
	v3 =	vmul.f32 $5.000000000e-01, v3  }
.Ltmp3:
0x2c6: {  	[tilespmem:s6+$0xFFFFFFF0] =	vst v2;
	v5 =	vadd.f32 v4, v0;
	v8 =	vadd.f32 v9, v8;
	v2 =	vld [tilespmem:s29+$0xF0];
	s29 =	smov.u32 s5;
	(pc) =	sbr.rel @p0 .LBB2_8-.Ltmp3, $4  }
0x2c7: {  	v4 =	vld [tilespmem:s5+$0xFFFFFE40];
	v3 =	vadd.f32 v3, v0;
	v7 =	vadd.f32 v7, v10  }
0x2c8: {  	v6 =	vld [tilespmem:s5+$0xFFFFFEC0];
	[tilespmem:s3+$0x30] =	vst v5;
	v9 =	vmul.f32 $5.000000000e-01, v8  }
0x2c9: {  	v5 =	vld [tilespmem:s5+$0x40];
	[tilespmem:s8+$0x30] =	vst v3;
	v3 =	vmul.f32 $5.000000000e-01, v7;
	s8 =	smov.u32 s6  }
0x2ca: {  	s5 =	sadd.s32 $0x400, s5;
	v8 =	vadd.f32 v12, v11;
	v7 =	vld [tilespmem:s29+$0xC0];
	v9 =	vadd.f32 v9, v0  }
0x2cb: {  	_ =	sdelay $0x1  }
0x2cc: {  	v27 =	vmul.f32 $5.000000000e-01, v8;
	v4 =	vadd.f32 v6, v4;
	_ =	sdelay $0x1  }
0x2cd: {  	[tilespmem:s0+$0x40] =	vst v9;
	v6 =	vadd.f32 v27, v0;
	v4 =	vmul.f32 $5.000000000e-01, v4;
	v5 =	vadd.f32 v7, v5  }
0x2ce: {  	v28 =	vld [tilespmem:s29+$0x150]  }
0x2cf: {  	v29 =	vld [tilespmem:s29+$0x1D0];
	[tilespmem:s2+$0x40] =	vst v6;
	v4 =	vadd.f32 v4, v0;
	v5 =	vmul.f32 $5.000000000e-01, v5  }
0x2d0: {  	v31 =	vld [tilespmem:s29+$0xFFFFFF50]  }
0x2d1: {  	v32 =	vld [tilespmem:s29+$0xFFFFFFD0];
	[tilespmem:s6+$0x0] =	vst v4;
	v5 =	vadd.f32 v5, v0  }
0x2d2: {  	v4 =	vld [tilespmem:s29+$0xFFFFFE50]  }
0x2d3: {  	v30 =	vld [tilespmem:s29+$0xFFFFFED0];
	[tilespmem:s3+$0x40] =	vst v5  }
0x2d4: {  	v7 =	vadd.f32 v29, v28;
	v33 =	vld [tilespmem:s29+$0x50]  }
0x2d5: {  	v10 =	vld [tilespmem:s29+$0xD0]  }
0x2d6: {  	v7 =	vmul.f32 $5.000000000e-01, v7;
	v5 =	vadd.f32 v32, v31;
	_ =	sdelay $0x1  }
0x2d7: {  	v34 =	vadd.f32 v7, v0;
	v5 =	vmul.f32 $5.000000000e-01, v5;
	v4 =	vadd.f32 v30, v4;
	_ =	sdelay $0x1  }
0x2d8: {  	[tilespmem:s0+$0x50] =	vst v34;
	v38 =	vadd.f32 v5, v0;
	v4 =	vmul.f32 $5.000000000e-01, v4;
	v35 =	vadd.f32 v10, v33  }
0x2d9: {  	v36 =	vld [tilespmem:s29+$0x160]  }
0x2da: {  	v37 =	vld [tilespmem:s29+$0x1E0];
	[tilespmem:s2+$0x50] =	vst v38;
	v4 =	vadd.f32 v4, v0;
	v39 =	vmul.f32 $5.000000000e-01, v35  }
0x2db: {  	v42 =	vld [tilespmem:s29+$0xFFFFFF60]  }
0x2dc: {  	v43 =	vld [tilespmem:s29+$0xFFFFFFE0];
	[tilespmem:s8+$0x10] =	vst v4;
	v5 =	vadd.f32 v39, v0  }
0x2dd: {  	v40 =	vld [tilespmem:s29+$0xFFFFFE60]  }
0x2de: {  	v41 =	vld [tilespmem:s29+$0xFFFFFEE0];
	[tilespmem:s3+$0x50] =	vst v5  }
0x2df: {  	v7 =	vadd.f32 v37, v36;
	v44 =	vld [tilespmem:s29+$0x60]  }
0x2e0: {  	v45 =	vld [tilespmem:s29+$0xE0]  }
0x2e1: {  	v7 =	vmul.f32 $5.000000000e-01, v7;
	v5 =	vadd.f32 v43, v42;
	_ =	sdelay $0x1  }
0x2e2: {  	v46 =	vadd.f32 v7, v0;
	v5 =	vmul.f32 $5.000000000e-01, v5;
	v4 =	vadd.f32 v41, v40;
	_ =	sdelay $0x1  }
0x2e3: {  	[tilespmem:s0+$0x60] =	vst v46;
	v50 =	vadd.f32 v5, v0;
	v4 =	vmul.f32 $5.000000000e-01, v4;
	v47 =	vadd.f32 v45, v44  }
0x2e4: {  	v48 =	vld [tilespmem:s29+$0x170]  }
0x2e5: {  	v49 =	vld [tilespmem:s29+$0x1F0];
	[tilespmem:s2+$0x60] =	vst v50;
	v4 =	vadd.f32 v4, v0;
	v51 =	vmul.f32 $5.000000000e-01, v47  }
0x2e6: {  	v54 =	vld [tilespmem:s29+$0xFFFFFF70]  }
0x2e7: {  	v55 =	vld [tilespmem:s29+$0xFFFFFFF0];
	[tilespmem:s8+$0x20] =	vst v4;
	v5 =	vadd.f32 v51, v0  }
0x2e8: {  	v52 =	vld [tilespmem:s29+$0xFFFFFE70]  }
0x2e9: {  	v53 =	vld [tilespmem:s29+$0xFFFFFEF0];
	[tilespmem:s3+$0x60] =	vst v5  }
0x2ea: {  	v56 =	vld [tilespmem:s29+$0x70]  }
0x2eb: {  	v11 =	vld [tilespmem:s29+$0xF0]  }
0x2ec: {  	v1 =	vadd.f32 v2, v1  }
0x2ed: {  	v57 =	vadd.f32 v49, v48  }
0x2ee: {  	v1 =	vmul.f32 $5.000000000e-01, v1;
	v5 =	vadd.f32 v55, v54  }
0x2ef: {  	v3 =	vadd.f32 v3, v0;
	v2 =	vmul.f32 $5.000000000e-01, v57;
	v4 =	vadd.f32 v53, v52  }
0x2f0: {  	v1 =	vadd.f32 v1, v0;
	v59 =	vmul.f32 $5.000000000e-01, v5;
	v58 =	vadd.f32 v11, v56  }
0x2f1: {  	[tilespmem:s26+$0x70] =	vst v3;
	v2 =	vadd.f32 v2, v0;
	v4 =	vmul.f32 $5.000000000e-01, v4  }
0x2f2: {  	[tilespmem:s28+$0x70] =	vst v1;
	v62 =	vadd.f32 v59, v0;
	v61 =	vmul.f32 $5.000000000e-01, v58  }
0x2f3: {  	[tilespmem:s0+$0x70] =	vst v2;
	v60 =	vadd.f32 v4, v0  }
0x2f4: {  	[tilespmem:s2+$0x70] =	vst v62;
	v63 =	vadd.f32 v61, v0  }
0x2f5: {  	[tilespmem:s8+$0x30] =	vst v60  }
0x2f6: {  	[tilespmem:s3+$0x70] =	vst v63  }
0x2f7: {  	s0 =	rddreg [dreg:$0x6]  }
0x2f8: {  	[hbm4b:s0+s18] =	stream.strided.scatter [tilespmem:s20], [sflag:$0x3], $0x4000, s19, s18, $0x38;
	[tilespmem:$0x1A110] =	vst v63  }
0x2f9: {  	_ =	swait.ge [sflag:s30], $0x4000  }
0x2fa: {  	[sflag:s30] =	ssyncset.done $0x0  }
0x2fb: {  	[sflag:s30] =	ssyncadd.s32 $0xFFFFC000;
	s30 =	simm.s32 $0x4  }
0x2fc: {  	_ =	swait.ge [sflag:s30], $0x4000  }
0x2fd: {  	s25 =	sadd.s32 $0x1, s25;
	s31 =	rddreg [dreg:$0x7]  }
0x2fe: {  	p0 =	sne.s32 s25, s31  }
.Ltmp4:
0x2ff: {  	_ = 	snop;
	(pc) =	sbr.rel @p0 .LBB2_1-.Ltmp4, $3  }
0x300: {  	_ =	sdelay $0x1  }
0x301: {  	[sflag:s30] =	ssyncset.done $0x0  }
0x302: {  	[sflag:s30] =	ssyncadd.s32 $0xFFFFC000  }
0x303: {  	_ =	sfence.sel $0x180000  }
0x304: {  	[bflag:$0x0] =	sbarrier.arrive $0xFFFF  }
0x305: {  	_ =	strace $0x90000047  }
0x306: {  	s0 =	stileid.u32;
	[bflag:$0x2] =	sbarrier.arrive $0xFFFF  }
0x307: {  	p0 =	sne.s32 s0, $0x0;
	s0 =	rddreg [dreg:$0x4]  }
0x308: {  	s0 =	sadd.s32 @!p0 $0x100000, s0  }
0x309: {  	[sflag:s0] =	ssyncadd.tile.s32 @!p0 $0x1;
	_ =	shalt  }
.Lfunc_end2:
_tile_overlayer_lowered:
.L_overlay_start_2:
0x30a: {  	(tag) =	ssettag $0x2  }
0x30b: {  	s0 =	rddreg [dreg:$0x0];
	s2 =	stileid.u32  }
0x30c: {  	s1 =	rddreg [dreg:$0x1];
	p0 =	sne.s32 s2, $0x0  }
0x30d: {  	s3 =	rddreg [dreg:$0x2];
	[bflag:$0x3] =	sbarrier.arrive $0xFFFF;
	s2 =	simm.s32 @!p0 $0x1C05  }
0x30e: {  	[timem:s3], [sflag:s2] =	dma.local @!p0 [hbm:s0], s1  }
0x30f: {  	s0 =	simm.s32 @!p0 $0x5  }
0x310: {  	_ =	swait.ge @!p0 [sflag:s0], s1  }
0x311: {  	s1 =	ssub.s32 @!p0 $0x0, s1;
	[sflag:s0] =	ssyncset.done @!p0 $0x0  }
0x312: {  	[sflag:s0] =	ssyncadd.s32 @!p0 s1  }
0x313: {  	[bflag:$0x3] =	sbarrier.arrive $0xFFFF  }
0x314: {  	_ =	shalt  }

</sc_bundles>
